<compile_context>
chip_gen: v7x
topology: tpu7x:2x2x1
jax: 0.10.2.dev20260603
libtpu: 0.0.44.dev20260713+nightly
codegen_flags: <defaults>
</compile_context>

<pallas_src>
import jax
import jax.numpy as jnp
import numpy as np
from jax import lax
from jax.experimental import pallas as pl
from jax.experimental.pallas import tpu as pltpu
from jax.experimental.pallas import tpu_sc as plsc

N = 10000
E = 320000
D = 128
DE = 16
NG = 64

NC, NS, L = 2, 16, 16
NW = NC * NS
EW = E // NW
CH = 80
IBLK = 2000
CPB = IBLK // CH
NBLK = EW // IBLK
NSLOT = 3
NE = 2
NP = 10240
RPT = NP // NS

RB = 1000
NB = N // RB



def _edge_lin_body(ea_ref, we_ref, be_ref, out_ref):
    r = (
        jnp.dot(ea_ref[...], we_ref[...], preferred_element_type=jnp.float32)
        + be_ref[...]
    ).astype(jnp.bfloat16)
    out_ref[...] = pltpu.bitcast(r, jnp.int32)


def _edge_linear(edge_attr, We, be):
    R = 2000
    return pl.pallas_call(
        _edge_lin_body,
        grid=(E // R,),
        in_specs=[
            pl.BlockSpec((R, DE), lambda i: (i, 0)),
            pl.BlockSpec((DE, D), lambda i: (0, 0)),
            pl.BlockSpec((1, D), lambda i: (0, 0)),
        ],
        out_specs=pl.BlockSpec((R // 2, D), lambda i: (i, 0)),
        out_shape=jax.ShapeDtypeStruct((E // 2, D), jnp.int32),
    )(edge_attr, We, be.reshape(1, D))


def _sc_body(h_hbm, e_hbm, src_hbm, dst_hbm, zero_hbm, out_hbm,
             acc, sidx, didx, rows, ebuf, gsem, esem, ssem):
    c = lax.axis_index("c")
    s = lax.axis_index("s")
    wid = c * NS + s

    pltpu.sync_copy(zero_hbm.at[pl.ds(s * RPT, RPT)], acc.at[pl.ds(s * RPT, RPT)])
    plsc.subcore_barrier()

    def block(b, carry):
        boff = (b * NW + wid) * IBLK
        pltpu.sync_copy(src_hbm.at[pl.ds(boff, IBLK)], sidx)
        pltpu.sync_copy(dst_hbm.at[pl.ds(boff, IBLK)], didx)

        def gath(j, slot):
            return pltpu.make_async_copy(
                h_hbm.at[sidx.at[pl.ds(j * CH, CH)]], rows.at[slot],
                gsem.at[slot])

        def ecp(j, slot):
            off = pl.multiple_of((boff + j * CH) // 2, 8)
            return pltpu.make_async_copy(
                e_hbm.at[pl.ds(off, CH // 2)], ebuf.at[slot],
                esem.at[slot])

        def scat_wait(j, slot):
            pltpu.make_async_copy(rows.at[slot],
                                  acc.at[didx.at[pl.ds(j * CH, CH)]],
                                  ssem.at[slot]).wait()

        gath(0, 0).start()
        ecp(0, 0).start()

        def chunk(j, carry):
            slot = lax.rem(j, NSLOT)
            nslot = lax.rem(j + 1, NSLOT)
            eslot = lax.rem(j, NE)
            neslot = lax.rem(j + 1, NE)

            @pl.when(j + 1 < CPB)
            def _pref():
                @pl.when(j >= 2)
                def _w():
                    scat_wait(j - 2, nslot)
                gath(j + 1, nslot).start()
                ecp(j + 1, neslot).start()

            gath(j, slot).wait()
            ecp(j, eslot).wait()

            @plsc.parallel_loop(0, CH // 2, unroll=4)
            def pair(p):
                for k in range(D // L):
                    sl = pl.ds(k * L, L)
                    w = ebuf[eslot, p, sl]
                    ea = lax.bitcast_convert_type(
                        jnp.left_shift(w, 16), jnp.float32)
                    eb = lax.bitcast_convert_type(
                        jnp.bitwise_and(w, jnp.int32(-65536)), jnp.float32)
                    rows[slot, 2 * p, sl] = jnp.maximum(
                        rows[slot, 2 * p, sl] + ea, 0.0)
                    rows[slot, 2 * p + 1, sl] = jnp.maximum(
                        rows[slot, 2 * p + 1, sl] + eb, 0.0)

            pltpu.async_copy(rows.at[slot],
                             acc.at[didx.at[pl.ds(j * CH, CH)]],
                             ssem.at[slot], add=True)
            return carry

        lax.fori_loop(0, CPB, chunk, 0)
        for t in range(CPB - 3, CPB):
            scat_wait(t, t % NSLOT)
        return carry

    lax.fori_loop(0, NBLK, block, 0)
    plsc.subcore_barrier()

    pltpu.sync_copy(acc.at[pl.ds(s * RPT, RPT)],
                    out_hbm.at[c, pl.ds(s * RPT, RPT)])


def _sc_aggregate(h, e, src, dst, zeros):
    mesh = plsc.VectorSubcoreMesh(
        core_axis_name="c", subcore_axis_name="s",
        num_cores=NC, num_subcores=NS,
    )
    f = pl.kernel(
        _sc_body,
        out_type=jax.ShapeDtypeStruct((NC, NP, D), jnp.float32),
        mesh=mesh,
        scratch_types=[
            pltpu.VMEM_SHARED((NP, D), jnp.float32),
            pltpu.VMEM((IBLK,), jnp.int32),
            pltpu.VMEM((IBLK,), jnp.int32),
            pltpu.VMEM((NSLOT, CH, D), jnp.float32),
            pltpu.VMEM((NE, CH // 2, D), jnp.int32),
            pltpu.SemaphoreType.DMA((NSLOT,)),
            pltpu.SemaphoreType.DMA((NE,)),
            pltpu.SemaphoreType.DMA((NSLOT,)),
        ],
    )
    return f(h, e, src, dst, zeros)


def _node_core(p0_ref, p1_ref, h_ref, w1_ref, b1_ref, w2_ref, b2_ref,
               sc_ref, g_ref, beta_ref):
    z = sc_ref[...] * h_ref[...] + p0_ref[0] + p1_ref[0]
    a = jnp.maximum(
        jnp.dot(z, w1_ref[...], preferred_element_type=jnp.float32) + b1_ref[...],
        0.0,
    )
    z2 = jnp.dot(a, w2_ref[...], preferred_element_type=jnp.float32) + b2_ref[...]
    mu = jnp.mean(z2, axis=1, keepdims=True)
    d = z2 - mu
    var = jnp.mean(d * d, axis=1, keepdims=True)
    zn = d * lax.rsqrt(var + 1e-5) * g_ref[...] + beta_ref[...]
    return jnp.maximum(zn, 0.0)


def _node_body(p0_ref, p1_ref, h_ref, w1_ref, b1_ref, w2_ref, b2_ref,
               sc_ref, g_ref, beta_ref, out_ref):
    out_ref[...] = _node_core(p0_ref, p1_ref, h_ref, w1_ref, b1_ref, w2_ref,
                              b2_ref, sc_ref, g_ref, beta_ref)


def _node_pool_body(p0_ref, p1_ref, h_ref, w1_ref, b1_ref, w2_ref, b2_ref,
                    sc_ref, g_ref, beta_ref, batch_ref, out_ref, ge_ref,
                    sums_ref, cnt_ref):
    i = pl.program_id(0)
    hout = _node_core(p0_ref, p1_ref, h_ref, w1_ref, b1_ref, w2_ref, b2_ref,
                      sc_ref, g_ref, beta_ref)
    out_ref[...] = hout

    @pl.when(i == 0)
    def _init():
        sums_ref[...] = jnp.zeros((NG, D), jnp.float32)
        cnt_ref[...] = jnp.zeros((NG, D), jnp.float32)

    b = batch_ref[0, 0, :]
    oh = (b[:, None]
          == lax.broadcasted_iota(jnp.int32, (RB, NG), 1)).astype(jnp.float32)
    dn = (((0,), (0,)), ((), ()))
    sums_ref[...] += lax.dot_general(oh, hout, dn,
                                     preferred_element_type=jnp.float32)
    cnt_ref[...] += lax.dot_general(oh, jnp.ones((RB, D), jnp.float32), dn,
                                    preferred_element_type=jnp.float32)

    @pl.when(i == NB - 1)
    def _fin():
        ge_ref[...] = sums_ref[...] / jnp.maximum(cnt_ref[...], 1.0)


def _node_update(p, h, W1, b1, W2, b2, scale, g, beta):
    row = pl.BlockSpec((1, D), lambda i: (0, 0))
    return pl.pallas_call(
        _node_body,
        grid=(NB,),
        in_specs=[
            pl.BlockSpec((1, RB, D), lambda i: (0, i, 0)),
            pl.BlockSpec((1, RB, D), lambda i: (1, i, 0)),
            pl.BlockSpec((RB, D), lambda i: (i, 0)),
            pl.BlockSpec((D, D), lambda i: (0, 0)),
            row,
            pl.BlockSpec((D, D), lambda i: (0, 0)),
            row,
            pl.BlockSpec((1, 1), lambda i: (0, 0)),
            row,
            row,
        ],
        out_specs=pl.BlockSpec((RB, D), lambda i: (i, 0)),
        out_shape=jax.ShapeDtypeStruct((N, D), jnp.float32),
    )(p, p, h, W1, b1.reshape(1, D), W2, b2.reshape(1, D),
      scale, g.reshape(1, D), beta.reshape(1, D))


def _node_update_pool(p, h, W1, b1, W2, b2, scale, g, beta, batch3):
    row = pl.BlockSpec((1, D), lambda i: (0, 0))
    return pl.pallas_call(
        _node_pool_body,
        grid=(NB,),
        in_specs=[
            pl.BlockSpec((1, RB, D), lambda i: (0, i, 0)),
            pl.BlockSpec((1, RB, D), lambda i: (1, i, 0)),
            pl.BlockSpec((RB, D), lambda i: (i, 0)),
            pl.BlockSpec((D, D), lambda i: (0, 0)),
            row,
            pl.BlockSpec((D, D), lambda i: (0, 0)),
            row,
            pl.BlockSpec((1, 1), lambda i: (0, 0)),
            row,
            row,
            pl.BlockSpec((1, 1, RB), lambda i: (i, 0, 0)),
        ],
        out_specs=[
            pl.BlockSpec((RB, D), lambda i: (i, 0)),
            pl.BlockSpec((NG, D), lambda i: (0, 0)),
        ],
        out_shape=[
            jax.ShapeDtypeStruct((N, D), jnp.float32),
            jax.ShapeDtypeStruct((NG, D), jnp.float32),
        ],
        scratch_shapes=[
            pltpu.VMEM((NG, D), jnp.float32),
            pltpu.VMEM((NG, D), jnp.float32),
        ],
    )(p, p, h, W1, b1.reshape(1, D), W2, b2.reshape(1, D),
      scale, g.reshape(1, D), beta.reshape(1, D), batch3)


def kernel(x, edge_index, edge_attr, batch,
           We0, be0, W1_0, b1_0, W2_0, b2_0, eps0, g0, beta0,
           We1, be1, W1_1, b1_1, W2_1, b2_1, eps1, g1, beta1):
    src = edge_index[0]
    dst = edge_index[1]
    zeros = jnp.zeros((NP, D), jnp.float32)
    batch3 = batch.reshape(NB, 1, RB)

    e0 = _edge_linear(edge_attr, We0, be0)
    e1 = _edge_linear(edge_attr, We1, be1)

    p = _sc_aggregate(x, e0, src, dst, zeros)
    h = _node_update(p, x, W1_0, b1_0, W2_0, b2_0,
                     (1.0 + eps0).reshape(1, 1), g0, beta0)

    p = _sc_aggregate(h, e1, src, dst, zeros)
    h, ge = _node_update_pool(p, h, W1_1, b1_1, W2_1, b2_1,
                              (1.0 + eps1).reshape(1, 1), g1, beta1, batch3)
    return ge, h

# --- scband reference (transcript-rebuilt; emitter-appended) ---
"""Pipeline reference for scband-graph-encoder-18528488915234 (READ-ONLY COPY).

The authoritative reference and input builder live on the scoring server;
editing this copy changes nothing except your own understanding.
"""

import jax, jax.numpy as jnp
import numpy as np

N = 10000
E = 320000
D = 128
DE = 16
H = 128
NG = 64


def setup_inputs(seed: int = 0) -> dict:
    key = jax.random.key(seed)
    ks = jax.random.split(key, 32)
    inp = {}
    inp["x"] = jax.random.normal(ks[0], (N, D), dtype=jnp.float32)
    inp["edge_index"] = jax.random.randint(ks[1], (2, E), 0, N, dtype=jnp.int32)
    inp["edge_attr"] = jax.random.normal(ks[2], (E, DE), dtype=jnp.float32)
    inp["batch"] = jnp.sort(jax.random.randint(ks[3], (N,), 0, NG, dtype=jnp.int32))
    # GINEConv params for 2 layers: edge linear (DE->in), MLP (in->H->H), trainable eps,
    # and LayerNorm(H) after each conv.
    kidx = 4
    for l in range(2):
        in_dim = D if l == 0 else H
        inp[f"We{l}"] = jax.random.normal(ks[kidx], (DE, in_dim), dtype=jnp.float32) * 0.05; kidx += 1
        inp[f"be{l}"] = jnp.zeros((in_dim,), dtype=jnp.float32)
        inp[f"W1_{l}"] = jax.random.normal(ks[kidx], (in_dim, H), dtype=jnp.float32) * 0.05; kidx += 1
        inp[f"b1_{l}"] = jnp.zeros((H,), dtype=jnp.float32)
        inp[f"W2_{l}"] = jax.random.normal(ks[kidx], (H, H), dtype=jnp.float32) * 0.05; kidx += 1
        inp[f"b2_{l}"] = jnp.zeros((H,), dtype=jnp.float32)
        inp[f"eps{l}"] = jnp.zeros((), dtype=jnp.float32)
        inp[f"g{l}"] = jnp.ones((H,), dtype=jnp.float32)
        inp[f"beta{l}"] = jnp.zeros((H,), dtype=jnp.float32)
    return inp


def reference(x, edge_index, edge_attr, batch,
              We0, be0, W1_0, b1_0, W2_0, b2_0, eps0, g0, beta0,
              We1, be1, W1_1, b1_1, W2_1, b2_1, eps1, g1, beta1):
    src = edge_index[0]
    dst = edge_index[1]

    def gine_layer(h, We, be, W1, b1, W2, b2, eps, g, beta):
        # GINEConv: msg = ReLU(x_j + lin_edge(edge_attr)); sum-aggregate at dst;
        # out = MLP((1+eps)*x_i + aggr)
        e = edge_attr @ We + be
        msg = jax.nn.relu(h[src] + e)
        aggr = jax.ops.segment_sum(msg, dst, num_segments=h.shape[0])
        z = (1.0 + eps) * h + aggr
        z = jax.nn.relu(z @ W1 + b1) @ W2 + b2
        # LayerNorm
        mu = jnp.mean(z, axis=-1, keepdims=True)
        var = jnp.var(z, axis=-1, keepdims=True)
        z = (z - mu) / jnp.sqrt(var + 1e-5) * g + beta
        # ReLU; dropout(p=0) is identity
        return jax.nn.relu(z)

    h = gine_layer(x, We0, be0, W1_0, b1_0, W2_0, b2_0, eps0, g0, beta0)
    h = gine_layer(h, We1, be1, W1_1, b1_1, W2_1, b2_1, eps1, g1, beta1)

    # global_mean_pool
    sums = jax.ops.segment_sum(h, batch, num_segments=NG)
    cnt = jax.ops.segment_sum(jnp.ones((h.shape[0], 1), dtype=h.dtype), batch, num_segments=NG)
    graph_embedding = sums / jnp.maximum(cnt, 1.0)
    return (graph_embedding, h)

if __name__ == "__main__":
    import jax
    _d = setup_inputs()
    print(jax.jit(kernel)(*tuple(_d.values())))

</pallas_src>

<mosaic_0001>
#map = affine_map<(d0, d1) -> (0, 0)>
#map1 = affine_map<(d0, d1) -> (0)>
#map2 = affine_map<(d0, d1) -> (0, 0, 0)>
module attributes {stable_mosaic.version = 14 : i64} {
  func.func @_sc_body(%arg0: i32, %arg1: i32, %arg2: memref<10000x128xf32, #tpu.memory_space<hbm>>, %arg3: memref<160000x128xi32, #tpu.memory_space<hbm>>, %arg4: memref<320000xi32, #tpu.memory_space<hbm>>, %arg5: memref<320000xi32, #tpu.memory_space<hbm>>, %arg6: memref<10240x128xf32, #tpu.memory_space<hbm>>, %arg7: memref<2x10240x128xf32, #tpu.memory_space<hbm>>, %arg8: memref<10240x128xf32, #tpu.memory_space<vmem_shared>>, %arg9: memref<2000xi32, #tpu.memory_space<vmem>>, %arg10: memref<2000xi32, #tpu.memory_space<vmem>>, %arg11: memref<3x80x128xf32, #tpu.memory_space<vmem>>, %arg12: memref<2x40x128xi32, #tpu.memory_space<vmem>>, %arg13: memref<3x!tpu.dma_semaphore, #tpu.memory_space<semaphore_mem>>, %arg14: memref<2x!tpu.dma_semaphore, #tpu.memory_space<semaphore_mem>>, %arg15: memref<3x!tpu.dma_semaphore, #tpu.memory_space<semaphore_mem>>) attributes {dimension_semantics = [#tpu.dimension_semantics<core_parallel>, #tpu.dimension_semantics<subcore_parallel>], iteration_bounds = array<i64: 2, 16>, scalar_prefetch = 0 : i64, scratch_operands = 8 : i64, tpu.core_type = #tpu.core_type<sc_vector_subcore>, window_params = [{transform_indices = #map}, {transform_indices = #map}, {transform_indices = #map1}, {transform_indices = #map1}, {transform_indices = #map}, {transform_indices = #map2}]} {
    %mul3A = arith.constant 16 : i32
    %mul3A_0 = arith.muli %arg0, %mul3A : i32
    %add3A = arith.addi %mul3A_0, %arg1 : i32
    %mul3A_1 = arith.constant 640 : i32
    %mul3A_2 = arith.muli %arg1, %mul3A_1 : i32
    %mul3A_3 = arith.constant 640 : i32
    %mul3A_4 = arith.muli %arg1, %mul3A_3 : i32
    "tpu.region"() ({
      %run_scoped3A = tpu.sem_alloc : memref<!tpu.dma_semaphore, #tpu.memory_space<semaphore_mem>>
      %dma_start3A = arith.constant 0 : i32
      %dma_start3A_15 = tpu.memref_slice %arg8[%mul3A_4, %dma_start3A] : memref<10240x128xf32, #tpu.memory_space<vmem_shared>> -> memref<640x128xf32, #tpu.memory_space<vmem_shared>>
      %dma_start3A_16 = arith.constant 0 : i32
      %dma_start3A_17 = tpu.memref_slice %arg6[%mul3A_2, %dma_start3A_16] : memref<10240x128xf32, #tpu.memory_space<hbm>> -> memref<640x128xf32, #tpu.memory_space<hbm>>
      tpu.enqueue_dma source(%dma_start3A_17 : memref<640x128xf32, #tpu.memory_space<hbm>>) target(%dma_start3A_15 : memref<640x128xf32, #tpu.memory_space<vmem_shared>>) target_semaphore(%run_scoped3A : memref<!tpu.dma_semaphore, #tpu.memory_space<semaphore_mem>>)
      %dma_wait3A = arith.constant 0 : i32
      %dma_wait3A_18 = tpu.memref_slice %arg8[%mul3A_4, %dma_wait3A] : memref<10240x128xf32, #tpu.memory_space<vmem_shared>> -> memref<640x128xf32, #tpu.memory_space<vmem_shared>>
      %dma_wait3A_19 = arith.constant 0 : i32
      %dma_wait3A_20 = tpu.memref_slice %arg6[%mul3A_2, %dma_wait3A_19] : memref<10240x128xf32, #tpu.memory_space<hbm>> -> memref<640x128xf32, #tpu.memory_space<hbm>>
      tpu.wait_dma2 semaphore(%run_scoped3A : memref<!tpu.dma_semaphore, #tpu.memory_space<semaphore_mem>>) src(%dma_wait3A_20 : memref<640x128xf32, #tpu.memory_space<hbm>>) dst(%dma_wait3A_18 : memref<640x128xf32, #tpu.memory_space<vmem_shared>>)
      tpu.yield
    }) : () -> ()
    %barrier3A = arith.constant 0 : index
    tpu.barrier barrier_id(%barrier3A)
    %scan3A = arith.constant 0 : i32
    %scan3A_5 = arith.constant 0 : i32
    %scan3A_6 = arith.constant 5 : i32
    %scan3A_7 = arith.addi %scan3A_5, %scan3A_6 : i32
    %scan3A_8 = arith.constant 1 : i32
    scf.for %scan3A_15 = %scan3A_5 to %scan3A_7 step %scan3A_8  : i32 {
      %mul3A_16 = arith.constant 32 : i32
      %mul3A_17 = arith.muli %scan3A_15, %mul3A_16 : i32
      %add3A_18 = arith.addi %mul3A_17, %add3A : i32
      %mul3A_19 = arith.constant 2000 : i32
      %mul3A_20 = arith.muli %add3A_18, %mul3A_19 : i32
      "tpu.region"() ({
        %run_scoped3A = tpu.sem_alloc : memref<!tpu.dma_semaphore, #tpu.memory_space<semaphore_mem>>
        %dma_start3A_111 = tpu.memref_slice %arg4[%mul3A_20] : memref<320000xi32, #tpu.memory_space<hbm>> -> memref<2000xi32, #tpu.memory_space<hbm>>
        %dma_start3A_112 = tpu.memref_slice %arg4[%mul3A_20] : memref<320000xi32, #tpu.memory_space<hbm>> -> memref<2000xi32, #tpu.memory_space<hbm>>
        tpu.enqueue_dma source(%dma_start3A_112 : memref<2000xi32, #tpu.memory_space<hbm>>) target(%arg9 : memref<2000xi32, #tpu.memory_space<vmem>>) target_semaphore(%run_scoped3A : memref<!tpu.dma_semaphore, #tpu.memory_space<semaphore_mem>>)
        %dma_wait3A_113 = tpu.memref_slice %arg4[%mul3A_20] : memref<320000xi32, #tpu.memory_space<hbm>> -> memref<2000xi32, #tpu.memory_space<hbm>>
        %dma_wait3A_114 = tpu.memref_slice %arg4[%mul3A_20] : memref<320000xi32, #tpu.memory_space<hbm>> -> memref<2000xi32, #tpu.memory_space<hbm>>
        tpu.wait_dma2 semaphore(%run_scoped3A : memref<!tpu.dma_semaphore, #tpu.memory_space<semaphore_mem>>) src(%dma_wait3A_114 : memref<2000xi32, #tpu.memory_space<hbm>>) dst(%arg9 : memref<2000xi32, #tpu.memory_space<vmem>>)
        tpu.yield
      }) : () -> ()
      "tpu.region"() ({
        %run_scoped3A = tpu.sem_alloc : memref<!tpu.dma_semaphore, #tpu.memory_space<semaphore_mem>>
        %dma_start3A_111 = tpu.memref_slice %arg5[%mul3A_20] : memref<320000xi32, #tpu.memory_space<hbm>> -> memref<2000xi32, #tpu.memory_space<hbm>>
        %dma_start3A_112 = tpu.memref_slice %arg5[%mul3A_20] : memref<320000xi32, #tpu.memory_space<hbm>> -> memref<2000xi32, #tpu.memory_space<hbm>>
        tpu.enqueue_dma source(%dma_start3A_112 : memref<2000xi32, #tpu.memory_space<hbm>>) target(%arg10 : memref<2000xi32, #tpu.memory_space<vmem>>) target_semaphore(%run_scoped3A : memref<!tpu.dma_semaphore, #tpu.memory_space<semaphore_mem>>)
        %dma_wait3A_113 = tpu.memref_slice %arg5[%mul3A_20] : memref<320000xi32, #tpu.memory_space<hbm>> -> memref<2000xi32, #tpu.memory_space<hbm>>
        %dma_wait3A_114 = tpu.memref_slice %arg5[%mul3A_20] : memref<320000xi32, #tpu.memory_space<hbm>> -> memref<2000xi32, #tpu.memory_space<hbm>>
        tpu.wait_dma2 semaphore(%run_scoped3A : memref<!tpu.dma_semaphore, #tpu.memory_space<semaphore_mem>>) src(%dma_wait3A_114 : memref<2000xi32, #tpu.memory_space<hbm>>) dst(%arg10 : memref<2000xi32, #tpu.memory_space<vmem>>)
        tpu.yield
      }) : () -> ()
      %dma_start3A = arith.constant 0 : i32
      %dma_start3A_21 = arith.constant 0 : i32
      %dma_start3A_22 = arith.constant 0 : i32
      %dma_start3A_23 = arith.constant 0 : i32
      %dma_start3A_24 = tpu.memref_slice %arg11[%dma_start3A, %dma_start3A_22, %dma_start3A_23] : memref<3x80x128xf32, #tpu.memory_space<vmem>> -> memref<1x80x128xf32, #tpu.memory_space<vmem>>
      %dma_start3A_25 = tpu.memref_squeeze %dma_start3A_24 : memref<1x80x128xf32, #tpu.memory_space<vmem>> -> memref<80x128xf32, #tpu.memory_space<vmem>>
      %dma_start3A_26 = arith.constant 0 : i32
      %dma_start3A_27 = tpu.memref_slice %arg9[%dma_start3A_26] : memref<2000xi32, #tpu.memory_space<vmem>> -> memref<80xi32, #tpu.memory_space<vmem>>
      %dma_start3A_28 = arith.constant 0 : i32
      %dma_start3A_29 = arith.constant 0 : i32
      %dma_start3A_30 = tpu.memref_slice %arg2[%dma_start3A_28, %dma_start3A_29] : memref<10000x128xf32, #tpu.memory_space<hbm>> -> memref<10000x128xf32, #tpu.memory_space<hbm>>
      %dma_start3A_31 = tpu.memref_slice %arg13[%dma_start3A_21] : memref<3x!tpu.dma_semaphore, #tpu.memory_space<semaphore_mem>> -> memref<1x!tpu.dma_semaphore, #tpu.memory_space<semaphore_mem>>
      %dma_start3A_32 = tpu.memref_squeeze %dma_start3A_31 : memref<1x!tpu.dma_semaphore, #tpu.memory_space<semaphore_mem>> -> memref<!tpu.dma_semaphore, #tpu.memory_space<semaphore_mem>>
      tpu.enqueue_indirect_dma source(%dma_start3A_30 : memref<10000x128xf32, #tpu.memory_space<hbm>>) target(%dma_start3A_25 : memref<80x128xf32, #tpu.memory_space<vmem>>) offsets(%dma_start3A_27 : memref<80xi32, #tpu.memory_space<vmem>>) semaphore(%dma_start3A_32 : memref<!tpu.dma_semaphore, #tpu.memory_space<semaphore_mem>>)
      %add3A_33 = arith.constant 0 : i32
      %add3A_34 = arith.addi %mul3A_20, %add3A_33 : i32
      %jit3A = arith.constant 2 : i32
      %div3A = arith.divsi %add3A_34, %jit3A : i32
      %sign3A = arith.constant 0 : i32
      %sign3A_35 = arith.cmpi sgt, %add3A_34, %sign3A : i32
      %sign3A_36 = arith.extui %sign3A_35 : i1 to i32
      %sign3A_37 = arith.constant 0 : i32
      %sign3A_38 = arith.cmpi slt, %add3A_34, %sign3A_37 : i32
      %sign3A_39 = arith.extui %sign3A_38 : i1 to i32
      %sign3A_40 = arith.subi %sign3A_36, %sign3A_39 : i32
      %sign3A_41 = arith.constant 0 : i32
      %sign3A_42 = arith.cmpi sgt, %jit3A, %sign3A_41 : i32
      %sign3A_43 = arith.extui %sign3A_42 : i1 to i32
      %sign3A_44 = arith.constant 0 : i32
      %sign3A_45 = arith.cmpi slt, %jit3A, %sign3A_44 : i32
      %sign3A_46 = arith.extui %sign3A_45 : i1 to i32
      %sign3A_47 = arith.subi %sign3A_43, %sign3A_46 : i32
      %ne3A = arith.cmpi ne, %sign3A_40, %sign3A_47 : i32
      %rem3A = arith.remsi %add3A_34, %jit3A : i32
      %ne3A_48 = arith.constant 0 : i32
      %ne3A_49 = arith.cmpi ne, %rem3A, %ne3A_48 : i32
      %and3A = arith.andi %ne3A, %ne3A_49 : i1
      %sub3A = arith.constant 1 : i32
      %sub3A_50 = arith.subi %div3A, %sub3A : i32
      %select_n3A = arith.select %and3A, %sub3A_50, %div3A : i32
      %multiple_of3A = tpu.assume_multiple %select_n3A, 8 : i32
      %dma_start3A_51 = arith.constant 0 : i32
      %dma_start3A_52 = arith.constant 0 : i32
      %dma_start3A_53 = arith.constant 0 : i32
      %dma_start3A_54 = arith.constant 0 : i32
      %dma_start3A_55 = tpu.memref_slice %arg12[%dma_start3A_51, %dma_start3A_53, %dma_start3A_54] : memref<2x40x128xi32, #tpu.memory_space<vmem>> -> memref<1x40x128xi32, #tpu.memory_space<vmem>>
      %dma_start3A_56 = tpu.memref_squeeze %dma_start3A_55 : memref<1x40x128xi32, #tpu.memory_space<vmem>> -> memref<40x128xi32, #tpu.memory_space<vmem>>
      %dma_start3A_57 = arith.constant 0 : i32
      %dma_start3A_58 = tpu.memref_slice %arg3[%multiple_of3A, %dma_start3A_57] : memref<160000x128xi32, #tpu.memory_space<hbm>> -> memref<40x128xi32, #tpu.memory_space<hbm>>
      %dma_start3A_59 = tpu.memref_slice %arg14[%dma_start3A_52] : memref<2x!tpu.dma_semaphore, #tpu.memory_space<semaphore_mem>> -> memref<1x!tpu.dma_semaphore, #tpu.memory_space<semaphore_mem>>
      %dma_start3A_60 = tpu.memref_squeeze %dma_start3A_59 : memref<1x!tpu.dma_semaphore, #tpu.memory_space<semaphore_mem>> -> memref<!tpu.dma_semaphore, #tpu.memory_space<semaphore_mem>>
      %dma_start3A_61 = arith.constant 0 : i32
      %dma_start3A_62 = arith.constant 0 : i32
      %dma_start3A_63 = tpu.memref_slice %arg12[%dma_start3A_51, %dma_start3A_61, %dma_start3A_62] : memref<2x40x128xi32, #tpu.memory_space<vmem>> -> memref<1x40x128xi32, #tpu.memory_space<vmem>>
      %dma_start3A_64 = tpu.memref_squeeze %dma_start3A_63 : memref<1x40x128xi32, #tpu.memory_space<vmem>> -> memref<40x128xi32, #tpu.memory_space<vmem>>
      %dma_start3A_65 = arith.constant 0 : i32
      %dma_start3A_66 = tpu.memref_slice %arg3[%multiple_of3A, %dma_start3A_65] : memref<160000x128xi32, #tpu.memory_space<hbm>> -> memref<40x128xi32, #tpu.memory_space<hbm>>
      tpu.enqueue_dma source(%dma_start3A_66 : memref<40x128xi32, #tpu.memory_space<hbm>>) target(%dma_start3A_64 : memref<40x128xi32, #tpu.memory_space<vmem>>) target_semaphore(%dma_start3A_60 : memref<!tpu.dma_semaphore, #tpu.memory_space<semaphore_mem>>)
      %scan3A_67 = arith.constant 0 : i32
      %scan3A_68 = arith.constant 0 : i32
      %scan3A_69 = arith.constant 25 : i32
      %scan3A_70 = arith.addi %scan3A_68, %scan3A_69 : i32
      %scan3A_71 = arith.constant 1 : i32
      scf.for %scan3A_111 = %scan3A_68 to %scan3A_70 step %scan3A_71  : i32 {
        %rem3A_112 = arith.constant 3 : i32
        %rem3A_113 = arith.remsi %scan3A_111, %rem3A_112 : i32
        %add3A_114 = arith.constant 1 : i32
        %add3A_115 = arith.addi %scan3A_111, %add3A_114 : i32
        %rem3A_116 = arith.constant 3 : i32
        %rem3A_117 = arith.remsi %add3A_115, %rem3A_116 : i32
        %rem3A_118 = arith.constant 2 : i32
        %rem3A_119 = arith.remsi %scan3A_111, %rem3A_118 : i32
        %add3A_120 = arith.constant 1 : i32
        %add3A_121 = arith.addi %scan3A_111, %add3A_120 : i32
        %rem3A_122 = arith.constant 2 : i32
        %rem3A_123 = arith.remsi %add3A_121, %rem3A_122 : i32
        %add3A_124 = arith.constant 1 : i32
        %add3A_125 = arith.addi %scan3A_111, %add3A_124 : i32
        %lt3A = arith.constant 25 : i32
        %lt3A_126 = arith.cmpi slt, %add3A_125, %lt3A : i32
        %convert_element_type3A = arith.extui %lt3A_126 : i1 to i32
        %cond3A = arith.constant 0 : i32
        %cond3A_127 = arith.cmpi ne, %convert_element_type3A, %cond3A : i32
        scf.if %cond3A_127 {
          %ge3A = arith.constant 2 : i32
          %ge3A_196 = arith.cmpi sge, %scan3A_111, %ge3A : i32
          %convert_element_type3A_197 = arith.extui %ge3A_196 : i1 to i32
          %cond3A_198 = arith.constant 0 : i32
          %cond3A_199 = arith.cmpi ne, %convert_element_type3A_197, %cond3A_198 : i32
          scf.if %cond3A_199 {
            %sub3A_258 = arith.constant 2 : i32
            %sub3A_259 = arith.subi %scan3A_111, %sub3A_258 : i32
            %mul3A_260 = arith.constant 80 : i32
            %mul3A_261 = arith.muli %sub3A_259, %mul3A_260 : i32
            %dma_wait3A_262 = arith.constant 0 : i32
            %dma_wait3A_263 = arith.constant 0 : i32
            %dma_wait3A_264 = tpu.memref_slice %arg11[%rem3A_117, %dma_wait3A_262, %dma_wait3A_263] : memref<3x80x128xf32, #tpu.memory_space<vmem>> -> memref<1x80x128xf32, #tpu.memory_space<vmem>>
            %dma_wait3A_265 = tpu.memref_squeeze %dma_wait3A_264 : memref<1x80x128xf32, #tpu.memory_space<vmem>> -> memref<80x128xf32, #tpu.memory_space<vmem>>
            %dma_wait3A_266 = tpu.memref_slice %arg10[%mul3A_261] : memref<2000xi32, #tpu.memory_space<vmem>> -> memref<80xi32, #tpu.memory_space<vmem>>
            %dma_wait3A_267 = arith.constant 0 : i32
            %dma_wait3A_268 = arith.constant 0 : i32
            %dma_wait3A_269 = tpu.memref_slice %arg8[%dma_wait3A_267, %dma_wait3A_268] : memref<10240x128xf32, #tpu.memory_space<vmem_shared>> -> memref<10240x128xf32, #tpu.memory_space<vmem_shared>>
            %dma_wait3A_270 = tpu.memref_slice %arg15[%rem3A_117] : memref<3x!tpu.dma_semaphore, #tpu.memory_space<semaphore_mem>> -> memref<1x!tpu.dma_semaphore, #tpu.memory_space<semaphore_mem>>
            %dma_wait3A_271 = tpu.memref_squeeze %dma_wait3A_270 : memref<1x!tpu.dma_semaphore, #tpu.memory_space<semaphore_mem>> -> memref<!tpu.dma_semaphore, #tpu.memory_space<semaphore_mem>>
            tpu.wait_indirect_dma semaphore(%dma_wait3A_271 : memref<!tpu.dma_semaphore, #tpu.memory_space<semaphore_mem>>) src(%dma_wait3A_265 : memref<80x128xf32, #tpu.memory_space<vmem>>) dst(%dma_wait3A_269 : memref<10240x128xf32, #tpu.memory_space<vmem_shared>>)
          } else {
          }
          %add3A_200 = arith.constant 1 : i32
          %add3A_201 = arith.addi %scan3A_111, %add3A_200 : i32
          %mul3A_202 = arith.constant 80 : i32
          %mul3A_203 = arith.muli %add3A_201, %mul3A_202 : i32
          %dma_start3A_204 = arith.constant 0 : i32
          %dma_start3A_205 = arith.constant 0 : i32
          %dma_start3A_206 = tpu.memref_slice %arg11[%rem3A_117, %dma_start3A_204, %dma_start3A_205] : memref<3x80x128xf32, #tpu.memory_space<vmem>> -> memref<1x80x128xf32, #tpu.memory_space<vmem>>
          %dma_start3A_207 = tpu.memref_squeeze %dma_start3A_206 : memref<1x80x128xf32, #tpu.memory_space<vmem>> -> memref<80x128xf32, #tpu.memory_space<vmem>>
          %dma_start3A_208 = tpu.memref_slice %arg9[%mul3A_203] : memref<2000xi32, #tpu.memory_space<vmem>> -> memref<80xi32, #tpu.memory_space<vmem>>
          %dma_start3A_209 = arith.constant 0 : i32
          %dma_start3A_210 = arith.constant 0 : i32
          %dma_start3A_211 = tpu.memref_slice %arg2[%dma_start3A_209, %dma_start3A_210] : memref<10000x128xf32, #tpu.memory_space<hbm>> -> memref<10000x128xf32, #tpu.memory_space<hbm>>
          %dma_start3A_212 = tpu.memref_slice %arg13[%rem3A_117] : memref<3x!tpu.dma_semaphore, #tpu.memory_space<semaphore_mem>> -> memref<1x!tpu.dma_semaphore, #tpu.memory_space<semaphore_mem>>
          %dma_start3A_213 = tpu.memref_squeeze %dma_start3A_212 : memref<1x!tpu.dma_semaphore, #tpu.memory_space<semaphore_mem>> -> memref<!tpu.dma_semaphore, #tpu.memory_space<semaphore_mem>>
          tpu.enqueue_indirect_dma source(%dma_start3A_211 : memref<10000x128xf32, #tpu.memory_space<hbm>>) target(%dma_start3A_207 : memref<80x128xf32, #tpu.memory_space<vmem>>) offsets(%dma_start3A_208 : memref<80xi32, #tpu.memory_space<vmem>>) semaphore(%dma_start3A_213 : memref<!tpu.dma_semaphore, #tpu.memory_space<semaphore_mem>>)
          %add3A_214 = arith.constant 1 : i32
          %add3A_215 = arith.addi %scan3A_111, %add3A_214 : i32
          %mul3A_216 = arith.constant 80 : i32
          %mul3A_217 = arith.muli %add3A_215, %mul3A_216 : i32
          %add3A_218 = arith.addi %mul3A_20, %mul3A_217 : i32
          %jit3A_219 = arith.constant 2 : i32
          %div3A_220 = arith.divsi %add3A_218, %jit3A_219 : i32
          %sign3A_221 = arith.constant 0 : i32
          %sign3A_222 = arith.cmpi sgt, %add3A_218, %sign3A_221 : i32
          %sign3A_223 = arith.extui %sign3A_222 : i1 to i32
          %sign3A_224 = arith.constant 0 : i32
          %sign3A_225 = arith.cmpi slt, %add3A_218, %sign3A_224 : i32
          %sign3A_226 = arith.extui %sign3A_225 : i1 to i32
          %sign3A_227 = arith.subi %sign3A_223, %sign3A_226 : i32
          %sign3A_228 = arith.constant 0 : i32
          %sign3A_229 = arith.cmpi sgt, %jit3A_219, %sign3A_228 : i32
          %sign3A_230 = arith.extui %sign3A_229 : i1 to i32
          %sign3A_231 = arith.constant 0 : i32
          %sign3A_232 = arith.cmpi slt, %jit3A_219, %sign3A_231 : i32
          %sign3A_233 = arith.extui %sign3A_232 : i1 to i32
          %sign3A_234 = arith.subi %sign3A_230, %sign3A_233 : i32
          %ne3A_235 = arith.cmpi ne, %sign3A_227, %sign3A_234 : i32
          %rem3A_236 = arith.remsi %add3A_218, %jit3A_219 : i32
          %ne3A_237 = arith.constant 0 : i32
          %ne3A_238 = arith.cmpi ne, %rem3A_236, %ne3A_237 : i32
          %and3A_239 = arith.andi %ne3A_235, %ne3A_238 : i1
          %sub3A_240 = arith.constant 1 : i32
          %sub3A_241 = arith.subi %div3A_220, %sub3A_240 : i32
          %select_n3A_242 = arith.select %and3A_239, %sub3A_241, %div3A_220 : i32
          %multiple_of3A_243 = tpu.assume_multiple %select_n3A_242, 8 : i32
          %dma_start3A_244 = arith.constant 0 : i32
          %dma_start3A_245 = arith.constant 0 : i32
          %dma_start3A_246 = tpu.memref_slice %arg12[%rem3A_123, %dma_start3A_244, %dma_start3A_245] : memref<2x40x128xi32, #tpu.memory_space<vmem>> -> memref<1x40x128xi32, #tpu.memory_space<vmem>>
          %dma_start3A_247 = tpu.memref_squeeze %dma_start3A_246 : memref<1x40x128xi32, #tpu.memory_space<vmem>> -> memref<40x128xi32, #tpu.memory_space<vmem>>
          %dma_start3A_248 = arith.constant 0 : i32
          %dma_start3A_249 = tpu.memref_slice %arg3[%multiple_of3A_243, %dma_start3A_248] : memref<160000x128xi32, #tpu.memory_space<hbm>> -> memref<40x128xi32, #tpu.memory_space<hbm>>
          %dma_start3A_250 = tpu.memref_slice %arg14[%rem3A_123] : memref<2x!tpu.dma_semaphore, #tpu.memory_space<semaphore_mem>> -> memref<1x!tpu.dma_semaphore, #tpu.memory_space<semaphore_mem>>
          %dma_start3A_251 = tpu.memref_squeeze %dma_start3A_250 : memref<1x!tpu.dma_semaphore, #tpu.memory_space<semaphore_mem>> -> memref<!tpu.dma_semaphore, #tpu.memory_space<semaphore_mem>>
          %dma_start3A_252 = arith.constant 0 : i32
          %dma_start3A_253 = arith.constant 0 : i32
          %dma_start3A_254 = tpu.memref_slice %arg12[%rem3A_123, %dma_start3A_252, %dma_start3A_253] : memref<2x40x128xi32, #tpu.memory_space<vmem>> -> memref<1x40x128xi32, #tpu.memory_space<vmem>>
          %dma_start3A_255 = tpu.memref_squeeze %dma_start3A_254 : memref<1x40x128xi32, #tpu.memory_space<vmem>> -> memref<40x128xi32, #tpu.memory_space<vmem>>
          %dma_start3A_256 = arith.constant 0 : i32
          %dma_start3A_257 = tpu.memref_slice %arg3[%multiple_of3A_243, %dma_start3A_256] : memref<160000x128xi32, #tpu.memory_space<hbm>> -> memref<40x128xi32, #tpu.memory_space<hbm>>
          tpu.enqueue_dma source(%dma_start3A_257 : memref<40x128xi32, #tpu.memory_space<hbm>>) target(%dma_start3A_255 : memref<40x128xi32, #tpu.memory_space<vmem>>) target_semaphore(%dma_start3A_251 : memref<!tpu.dma_semaphore, #tpu.memory_space<semaphore_mem>>)
        } else {
        }
        %mul3A_128 = arith.constant 80 : i32
        %mul3A_129 = arith.muli %scan3A_111, %mul3A_128 : i32
        %dma_wait3A_130 = arith.constant 0 : i32
        %dma_wait3A_131 = arith.constant 0 : i32
        %dma_wait3A_132 = tpu.memref_slice %arg11[%rem3A_113, %dma_wait3A_130, %dma_wait3A_131] : memref<3x80x128xf32, #tpu.memory_space<vmem>> -> memref<1x80x128xf32, #tpu.memory_space<vmem>>
        %dma_wait3A_133 = tpu.memref_squeeze %dma_wait3A_132 : memref<1x80x128xf32, #tpu.memory_space<vmem>> -> memref<80x128xf32, #tpu.memory_space<vmem>>
        %dma_wait3A_134 = tpu.memref_slice %arg9[%mul3A_129] : memref<2000xi32, #tpu.memory_space<vmem>> -> memref<80xi32, #tpu.memory_space<vmem>>
        %dma_wait3A_135 = arith.constant 0 : i32
        %dma_wait3A_136 = arith.constant 0 : i32
        %dma_wait3A_137 = tpu.memref_slice %arg2[%dma_wait3A_135, %dma_wait3A_136] : memref<10000x128xf32, #tpu.memory_space<hbm>> -> memref<10000x128xf32, #tpu.memory_space<hbm>>
        %dma_wait3A_138 = tpu.memref_slice %arg13[%rem3A_113] : memref<3x!tpu.dma_semaphore, #tpu.memory_space<semaphore_mem>> -> memref<1x!tpu.dma_semaphore, #tpu.memory_space<semaphore_mem>>
        %dma_wait3A_139 = tpu.memref_squeeze %dma_wait3A_138 : memref<1x!tpu.dma_semaphore, #tpu.memory_space<semaphore_mem>> -> memref<!tpu.dma_semaphore, #tpu.memory_space<semaphore_mem>>
        tpu.wait_indirect_dma semaphore(%dma_wait3A_139 : memref<!tpu.dma_semaphore, #tpu.memory_space<semaphore_mem>>) src(%dma_wait3A_137 : memref<10000x128xf32, #tpu.memory_space<hbm>>) dst(%dma_wait3A_133 : memref<80x128xf32, #tpu.memory_space<vmem>>)
        %mul3A_140 = arith.constant 80 : i32
        %mul3A_141 = arith.muli %scan3A_111, %mul3A_140 : i32
        %add3A_142 = arith.addi %mul3A_20, %mul3A_141 : i32
        %jit3A_143 = arith.constant 2 : i32
        %div3A_144 = arith.divsi %add3A_142, %jit3A_143 : i32
        %sign3A_145 = arith.constant 0 : i32
        %sign3A_146 = arith.cmpi sgt, %add3A_142, %sign3A_145 : i32
        %sign3A_147 = arith.extui %sign3A_146 : i1 to i32
        %sign3A_148 = arith.constant 0 : i32
        %sign3A_149 = arith.cmpi slt, %add3A_142, %sign3A_148 : i32
        %sign3A_150 = arith.extui %sign3A_149 : i1 to i32
        %sign3A_151 = arith.subi %sign3A_147, %sign3A_150 : i32
        %sign3A_152 = arith.constant 0 : i32
        %sign3A_153 = arith.cmpi sgt, %jit3A_143, %sign3A_152 : i32
        %sign3A_154 = arith.extui %sign3A_153 : i1 to i32
        %sign3A_155 = arith.constant 0 : i32
        %sign3A_156 = arith.cmpi slt, %jit3A_143, %sign3A_155 : i32
        %sign3A_157 = arith.extui %sign3A_156 : i1 to i32
        %sign3A_158 = arith.subi %sign3A_154, %sign3A_157 : i32
        %ne3A_159 = arith.cmpi ne, %sign3A_151, %sign3A_158 : i32
        %rem3A_160 = arith.remsi %add3A_142, %jit3A_143 : i32
        %ne3A_161 = arith.constant 0 : i32
        %ne3A_162 = arith.cmpi ne, %rem3A_160, %ne3A_161 : i32
        %and3A_163 = arith.andi %ne3A_159, %ne3A_162 : i1
        %sub3A_164 = arith.constant 1 : i32
        %sub3A_165 = arith.subi %div3A_144, %sub3A_164 : i32
        %select_n3A_166 = arith.select %and3A_163, %sub3A_165, %div3A_144 : i32
        %multiple_of3A_167 = tpu.assume_multiple %select_n3A_166, 8 : i32
        %dma_wait3A_168 = arith.constant 0 : i32
        %dma_wait3A_169 = arith.constant 0 : i32
        %dma_wait3A_170 = tpu.memref_slice %arg12[%rem3A_119, %dma_wait3A_168, %dma_wait3A_169] : memref<2x40x128xi32, #tpu.memory_space<vmem>> -> memref<1x40x128xi32, #tpu.memory_space<vmem>>
        %dma_wait3A_171 = tpu.memref_squeeze %dma_wait3A_170 : memref<1x40x128xi32, #tpu.memory_space<vmem>> -> memref<40x128xi32, #tpu.memory_space<vmem>>
        %dma_wait3A_172 = arith.constant 0 : i32
        %dma_wait3A_173 = tpu.memref_slice %arg3[%multiple_of3A_167, %dma_wait3A_172] : memref<160000x128xi32, #tpu.memory_space<hbm>> -> memref<40x128xi32, #tpu.memory_space<hbm>>
        %dma_wait3A_174 = tpu.memref_slice %arg14[%rem3A_119] : memref<2x!tpu.dma_semaphore, #tpu.memory_space<semaphore_mem>> -> memref<1x!tpu.dma_semaphore, #tpu.memory_space<semaphore_mem>>
        %dma_wait3A_175 = tpu.memref_squeeze %dma_wait3A_174 : memref<1x!tpu.dma_semaphore, #tpu.memory_space<semaphore_mem>> -> memref<!tpu.dma_semaphore, #tpu.memory_space<semaphore_mem>>
        %dma_wait3A_176 = arith.constant 0 : i32
        %dma_wait3A_177 = arith.constant 0 : i32
        %dma_wait3A_178 = tpu.memref_slice %arg12[%rem3A_119, %dma_wait3A_176, %dma_wait3A_177] : memref<2x40x128xi32, #tpu.memory_space<vmem>> -> memref<1x40x128xi32, #tpu.memory_space<vmem>>
        %dma_wait3A_179 = tpu.memref_squeeze %dma_wait3A_178 : memref<1x40x128xi32, #tpu.memory_space<vmem>> -> memref<40x128xi32, #tpu.memory_space<vmem>>
        %dma_wait3A_180 = arith.constant 0 : i32
        %dma_wait3A_181 = tpu.memref_slice %arg3[%multiple_of3A_167, %dma_wait3A_180] : memref<160000x128xi32, #tpu.memory_space<hbm>> -> memref<40x128xi32, #tpu.memory_space<hbm>>
        tpu.wait_dma2 semaphore(%dma_wait3A_175 : memref<!tpu.dma_semaphore, #tpu.memory_space<semaphore_mem>>) src(%dma_wait3A_181 : memref<40x128xi32, #tpu.memory_space<hbm>>) dst(%dma_wait3A_179 : memref<40x128xi32, #tpu.memory_space<vmem>>)
        %parallel_loop3A = arith.constant 0 : i32
        %parallel_loop3A_182 = arith.constant 40 : i32
        %parallel_loop3A_183 = arith.constant 1 : i32
        scf.for %parallel_loop3A_196 = %parallel_loop3A to %parallel_loop3A_182 step %parallel_loop3A_183  : i32 {
          %parallel_loop3A_197 = arith.index_cast %rem3A_119 : i32 to index
          %parallel_loop3A_198 = arith.index_cast %parallel_loop3A_196 : i32 to index
          %parallel_loop3A_199 = arith.constant 0 : index
          %parallel_loop3A_200 = tpu.vector_load %arg12[%parallel_loop3A_197, %parallel_loop3A_198, %parallel_loop3A_199] {strides = array<i32>} : memref<2x40x128xi32, #tpu.memory_space<vmem>>, vector<1x1x16xi32>,
          %parallel_loop3A_201 = vector.shape_cast %parallel_loop3A_200 : vector<1x1x16xi32> to vector<16xi32>
          %parallel_loop3A_202 = arith.constant 16 : i32
          %parallel_loop3A_203 = vector.broadcast %parallel_loop3A_202 : i32 to vector<16xi32>
          %parallel_loop3A_204 = arith.shli %parallel_loop3A_201, %parallel_loop3A_203 : vector<16xi32>
          %parallel_loop3A_205 = tpu.bitcast %parallel_loop3A_204 : vector<16xi32> -> vector<16xf32>
          %parallel_loop3A_206 = arith.constant -65536 : i32
          %parallel_loop3A_207 = vector.broadcast %parallel_loop3A_206 : i32 to vector<16xi32>
          %parallel_loop3A_208 = arith.andi %parallel_loop3A_201, %parallel_loop3A_207 : vector<16xi32>
          %parallel_loop3A_209 = tpu.bitcast %parallel_loop3A_208 : vector<16xi32> -> vector<16xf32>
          %parallel_loop3A_210 = arith.constant 2 : i32
          %parallel_loop3A_211 = arith.muli %parallel_loop3A_210, %parallel_loop3A_196 : i32
          %parallel_loop3A_212 = arith.index_cast %rem3A_113 : i32 to index
          %parallel_loop3A_213 = arith.index_cast %parallel_loop3A_211 : i32 to index
          %parallel_loop3A_214 = arith.constant 0 : index
          %parallel_loop3A_215 = tpu.vector_load %arg11[%parallel_loop3A_212, %parallel_loop3A_213, %parallel_loop3A_214] {strides = array<i32>} : memref<3x80x128xf32, #tpu.memory_space<vmem>>, vector<1x1x16xf32>,
          %parallel_loop3A_216 = vector.shape_cast %parallel_loop3A_215 : vector<1x1x16xf32> to vector<16xf32>
          %parallel_loop3A_217 = arith.addf %parallel_loop3A_216, %parallel_loop3A_205 : vector<16xf32>
          %parallel_loop3A_218 = arith.constant 0.000000e+00 : f32
          %parallel_loop3A_219 = vector.broadcast %parallel_loop3A_218 : f32 to vector<16xf32>
          %parallel_loop3A_220 = arith.maximumf %parallel_loop3A_217, %parallel_loop3A_219 : vector<16xf32>
          %parallel_loop3A_221 = arith.constant 2 : i32
          %parallel_loop3A_222 = arith.muli %parallel_loop3A_221, %parallel_loop3A_196 : i32
          %parallel_loop3A_223 = arith.index_cast %rem3A_113 : i32 to index
          %parallel_loop3A_224 = arith.index_cast %parallel_loop3A_222 : i32 to index
          %parallel_loop3A_225 = arith.constant 0 : index
          %parallel_loop3A_226 = tpu.vector_load %arg11[%parallel_loop3A_223, %parallel_loop3A_224, %parallel_loop3A_225] {strides = array<i32>} : memref<3x80x128xf32, #tpu.memory_space<vmem>>, vector<1x1x16xf32>,
          %parallel_loop3A_227 = vector.shape_cast %parallel_loop3A_226 : vector<1x1x16xf32> to vector<16xf32>
          %parallel_loop3A_228 = vector.shape_cast %parallel_loop3A_220 : vector<16xf32> to vector<1x1x16xf32>
          tpu.vector_store %arg11[%parallel_loop3A_223, %parallel_loop3A_224, %parallel_loop3A_225], %parallel_loop3A_228 {strides = array<i32>} : memref<3x80x128xf32, #tpu.memory_space<vmem>>, vector<1x1x16xf32>,
          %parallel_loop3A_229 = arith.constant 2 : i32
          %parallel_loop3A_230 = arith.muli %parallel_loop3A_229, %parallel_loop3A_196 : i32
          %parallel_loop3A_231 = arith.constant 1 : i32
          %parallel_loop3A_232 = arith.addi %parallel_loop3A_230, %parallel_loop3A_231 : i32
          %parallel_loop3A_233 = arith.index_cast %rem3A_113 : i32 to index
          %parallel_loop3A_234 = arith.index_cast %parallel_loop3A_232 : i32 to index
          %parallel_loop3A_235 = arith.constant 0 : index
          %parallel_loop3A_236 = tpu.vector_load %arg11[%parallel_loop3A_233, %parallel_loop3A_234, %parallel_loop3A_235] {strides = array<i32>} : memref<3x80x128xf32, #tpu.memory_space<vmem>>, vector<1x1x16xf32>,
          %parallel_loop3A_237 = vector.shape_cast %parallel_loop3A_236 : vector<1x1x16xf32> to vector<16xf32>
          %parallel_loop3A_238 = arith.addf %parallel_loop3A_237, %parallel_loop3A_209 : vector<16xf32>
          %parallel_loop3A_239 = arith.constant 0.000000e+00 : f32
          %parallel_loop3A_240 = vector.broadcast %parallel_loop3A_239 : f32 to vector<16xf32>
          %parallel_loop3A_241 = arith.maximumf %parallel_loop3A_238, %parallel_loop3A_240 : vector<16xf32>
          %parallel_loop3A_242 = arith.constant 2 : i32
          %parallel_loop3A_243 = arith.muli %parallel_loop3A_242, %parallel_loop3A_196 : i32
          %parallel_loop3A_244 = arith.constant 1 : i32
          %parallel_loop3A_245 = arith.addi %parallel_loop3A_243, %parallel_loop3A_244 : i32
          %parallel_loop3A_246 = arith.index_cast %rem3A_113 : i32 to index
          %parallel_loop3A_247 = arith.index_cast %parallel_loop3A_245 : i32 to index
          %parallel_loop3A_248 = arith.constant 0 : index
          %parallel_loop3A_249 = tpu.vector_load %arg11[%parallel_loop3A_246, %parallel_loop3A_247, %parallel_loop3A_248] {strides = array<i32>} : memref<3x80x128xf32, #tpu.memory_space<vmem>>, vector<1x1x16xf32>,
          %parallel_loop3A_250 = vector.shape_cast %parallel_loop3A_249 : vector<1x1x16xf32> to vector<16xf32>
          %parallel_loop3A_251 = vector.shape_cast %parallel_loop3A_241 : vector<16xf32> to vector<1x1x16xf32>
          tpu.vector_store %arg11[%parallel_loop3A_246, %parallel_loop3A_247, %parallel_loop3A_248], %parallel_loop3A_251 {strides = array<i32>} : memref<3x80x128xf32, #tpu.memory_space<vmem>>, vector<1x1x16xf32>,
          %parallel_loop3A_252 = arith.index_cast %rem3A_119 : i32 to index
          %parallel_loop3A_253 = arith.index_cast %parallel_loop3A_196 : i32 to index
          %parallel_loop3A_254 = arith.constant 16 : index
          %parallel_loop3A_255 = tpu.vector_load %arg12[%parallel_loop3A_252, %parallel_loop3A_253, %parallel_loop3A_254] {strides = array<i32>} : memref<2x40x128xi32, #tpu.memory_space<vmem>>, vector<1x1x16xi32>,
          %parallel_loop3A_256 = vector.shape_cast %parallel_loop3A_255 : vector<1x1x16xi32> to vector<16xi32>
          %parallel_loop3A_257 = arith.constant 16 : i32
          %parallel_loop3A_258 = vector.broadcast %parallel_loop3A_257 : i32 to vector<16xi32>
          %parallel_loop3A_259 = arith.shli %parallel_loop3A_256, %parallel_loop3A_258 : vector<16xi32>
          %parallel_loop3A_260 = tpu.bitcast %parallel_loop3A_259 : vector<16xi32> -> vector<16xf32>
          %parallel_loop3A_261 = arith.constant -65536 : i32
          %parallel_loop3A_262 = vector.broadcast %parallel_loop3A_261 : i32 to vector<16xi32>
          %parallel_loop3A_263 = arith.andi %parallel_loop3A_256, %parallel_loop3A_262 : vector<16xi32>
          %parallel_loop3A_264 = tpu.bitcast %parallel_loop3A_263 : vector<16xi32> -> vector<16xf32>
          %parallel_loop3A_265 = arith.constant 2 : i32
          %parallel_loop3A_266 = arith.muli %parallel_loop3A_265, %parallel_loop3A_196 : i32
          %parallel_loop3A_267 = arith.index_cast %rem3A_113 : i32 to index
          %parallel_loop3A_268 = arith.index_cast %parallel_loop3A_266 : i32 to index
          %parallel_loop3A_269 = arith.constant 16 : index
          %parallel_loop3A_270 = tpu.vector_load %arg11[%parallel_loop3A_267, %parallel_loop3A_268, %parallel_loop3A_269] {strides = array<i32>} : memref<3x80x128xf32, #tpu.memory_space<vmem>>, vector<1x1x16xf32>,
          %parallel_loop3A_271 = vector.shape_cast %parallel_loop3A_270 : vector<1x1x16xf32> to vector<16xf32>
          %parallel_loop3A_272 = arith.addf %parallel_loop3A_271, %parallel_loop3A_260 : vector<16xf32>
          %parallel_loop3A_273 = arith.constant 0.000000e+00 : f32
          %parallel_loop3A_274 = vector.broadcast %parallel_loop3A_273 : f32 to vector<16xf32>
          %parallel_loop3A_275 = arith.maximumf %parallel_loop3A_272, %parallel_loop3A_274 : vector<16xf32>
          %parallel_loop3A_276 = arith.constant 2 : i32
          %parallel_loop3A_277 = arith.muli %parallel_loop3A_276, %parallel_loop3A_196 : i32
          %parallel_loop3A_278 = arith.index_cast %rem3A_113 : i32 to index
          %parallel_loop3A_279 = arith.index_cast %parallel_loop3A_277 : i32 to index
          %parallel_loop3A_280 = arith.constant 16 : index
          %parallel_loop3A_281 = tpu.vector_load %arg11[%parallel_loop3A_278, %parallel_loop3A_279, %parallel_loop3A_280] {strides = array<i32>} : memref<3x80x128xf32, #tpu.memory_space<vmem>>, vector<1x1x16xf32>,
          %parallel_loop3A_282 = vector.shape_cast %parallel_loop3A_281 : vector<1x1x16xf32> to vector<16xf32>
          %parallel_loop3A_283 = vector.shape_cast %parallel_loop3A_275 : vector<16xf32> to vector<1x1x16xf32>
          tpu.vector_store %arg11[%parallel_loop3A_278, %parallel_loop3A_279, %parallel_loop3A_280], %parallel_loop3A_283 {strides = array<i32>} : memref<3x80x128xf32, #tpu.memory_space<vmem>>, vector<1x1x16xf32>,
          %parallel_loop3A_284 = arith.constant 2 : i32
          %parallel_loop3A_285 = arith.muli %parallel_loop3A_284, %parallel_loop3A_196 : i32
          %parallel_loop3A_286 = arith.constant 1 : i32
          %parallel_loop3A_287 = arith.addi %parallel_loop3A_285, %parallel_loop3A_286 : i32
          %parallel_loop3A_288 = arith.index_cast %rem3A_113 : i32 to index
          %parallel_loop3A_289 = arith.index_cast %parallel_loop3A_287 : i32 to index
          %parallel_loop3A_290 = arith.constant 16 : index
          %parallel_loop3A_291 = tpu.vector_load %arg11[%parallel_loop3A_288, %parallel_loop3A_289, %parallel_loop3A_290] {strides = array<i32>} : memref<3x80x128xf32, #tpu.memory_space<vmem>>, vector<1x1x16xf32>,
          %parallel_loop3A_292 = vector.shape_cast %parallel_loop3A_291 : vector<1x1x16xf32> to vector<16xf32>
          %parallel_loop3A_293 = arith.addf %parallel_loop3A_292, %parallel_loop3A_264 : vector<16xf32>
          %parallel_loop3A_294 = arith.constant 0.000000e+00 : f32
          %parallel_loop3A_295 = vector.broadcast %parallel_loop3A_294 : f32 to vector<16xf32>
          %parallel_loop3A_296 = arith.maximumf %parallel_loop3A_293, %parallel_loop3A_295 : vector<16xf32>
          %parallel_loop3A_297 = arith.constant 2 : i32
          %parallel_loop3A_298 = arith.muli %parallel_loop3A_297, %parallel_loop3A_196 : i32
          %parallel_loop3A_299 = arith.constant 1 : i32
          %parallel_loop3A_300 = arith.addi %parallel_loop3A_298, %parallel_loop3A_299 : i32
          %parallel_loop3A_301 = arith.index_cast %rem3A_113 : i32 to index
          %parallel_loop3A_302 = arith.index_cast %parallel_loop3A_300 : i32 to index
          %parallel_loop3A_303 = arith.constant 16 : index
          %parallel_loop3A_304 = tpu.vector_load %arg11[%parallel_loop3A_301, %parallel_loop3A_302, %parallel_loop3A_303] {strides = array<i32>} : memref<3x80x128xf32, #tpu.memory_space<vmem>>, vector<1x1x16xf32>,
          %parallel_loop3A_305 = vector.shape_cast %parallel_loop3A_304 : vector<1x1x16xf32> to vector<16xf32>
          %parallel_loop3A_306 = vector.shape_cast %parallel_loop3A_296 : vector<16xf32> to vector<1x1x16xf32>
          tpu.vector_store %arg11[%parallel_loop3A_301, %parallel_loop3A_302, %parallel_loop3A_303], %parallel_loop3A_306 {strides = array<i32>} : memref<3x80x128xf32, #tpu.memory_space<vmem>>, vector<1x1x16xf32>,
          %parallel_loop3A_307 = arith.index_cast %rem3A_119 : i32 to index
          %parallel_loop3A_308 = arith.index_cast %parallel_loop3A_196 : i32 to index
          %parallel_loop3A_309 = arith.constant 32 : index
          %parallel_loop3A_310 = tpu.vector_load %arg12[%parallel_loop3A_307, %parallel_loop3A_308, %parallel_loop3A_309] {strides = array<i32>} : memref<2x40x128xi32, #tpu.memory_space<vmem>>, vector<1x1x16xi32>,
          %parallel_loop3A_311 = vector.shape_cast %parallel_loop3A_310 : vector<1x1x16xi32> to vector<16xi32>
          %parallel_loop3A_312 = arith.constant 16 : i32
          %parallel_loop3A_313 = vector.broadcast %parallel_loop3A_312 : i32 to vector<16xi32>
          %parallel_loop3A_314 = arith.shli %parallel_loop3A_311, %parallel_loop3A_313 : vector<16xi32>
          %parallel_loop3A_315 = tpu.bitcast %parallel_loop3A_314 : vector<16xi32> -> vector<16xf32>
          %parallel_loop3A_316 = arith.constant -65536 : i32
          %parallel_loop3A_317 = vector.broadcast %parallel_loop3A_316 : i32 to vector<16xi32>
          %parallel_loop3A_318 = arith.andi %parallel_loop3A_311, %parallel_loop3A_317 : vector<16xi32>
          %parallel_loop3A_319 = tpu.bitcast %parallel_loop3A_318 : vector<16xi32> -> vector<16xf32>
          %parallel_loop3A_320 = arith.constant 2 : i32
          %parallel_loop3A_321 = arith.muli %parallel_loop3A_320, %parallel_loop3A_196 : i32
          %parallel_loop3A_322 = arith.index_cast %rem3A_113 : i32 to index
          %parallel_loop3A_323 = arith.index_cast %parallel_loop3A_321 : i32 to index
          %parallel_loop3A_324 = arith.constant 32 : index
          %parallel_loop3A_325 = tpu.vector_load %arg11[%parallel_loop3A_322, %parallel_loop3A_323, %parallel_loop3A_324] {strides = array<i32>} : memref<3x80x128xf32, #tpu.memory_space<vmem>>, vector<1x1x16xf32>,
          %parallel_loop3A_326 = vector.shape_cast %parallel_loop3A_325 : vector<1x1x16xf32> to vector<16xf32>
          %parallel_loop3A_327 = arith.addf %parallel_loop3A_326, %parallel_loop3A_315 : vector<16xf32>
          %parallel_loop3A_328 = arith.constant 0.000000e+00 : f32
          %parallel_loop3A_329 = vector.broadcast %parallel_loop3A_328 : f32 to vector<16xf32>
          %parallel_loop3A_330 = arith.maximumf %parallel_loop3A_327, %parallel_loop3A_329 : vector<16xf32>
          %parallel_loop3A_331 = arith.constant 2 : i32
          %parallel_loop3A_332 = arith.muli %parallel_loop3A_331, %parallel_loop3A_196 : i32
          %parallel_loop3A_333 = arith.index_cast %rem3A_113 : i32 to index
          %parallel_loop3A_334 = arith.index_cast %parallel_loop3A_332 : i32 to index
          %parallel_loop3A_335 = arith.constant 32 : index
          %parallel_loop3A_336 = tpu.vector_load %arg11[%parallel_loop3A_333, %parallel_loop3A_334, %parallel_loop3A_335] {strides = array<i32>} : memref<3x80x128xf32, #tpu.memory_space<vmem>>, vector<1x1x16xf32>,
          %parallel_loop3A_337 = vector.shape_cast %parallel_loop3A_336 : vector<1x1x16xf32> to vector<16xf32>
          %parallel_loop3A_338 = vector.shape_cast %parallel_loop3A_330 : vector<16xf32> to vector<1x1x16xf32>
          tpu.vector_store %arg11[%parallel_loop3A_333, %parallel_loop3A_334, %parallel_loop3A_335], %parallel_loop3A_338 {strides = array<i32>} : memref<3x80x128xf32, #tpu.memory_space<vmem>>, vector<1x1x16xf32>,
          %parallel_loop3A_339 = arith.constant 2 : i32
          %parallel_loop3A_340 = arith.muli %parallel_loop3A_339, %parallel_loop3A_196 : i32
          %parallel_loop3A_341 = arith.constant 1 : i32
          %parallel_loop3A_342 = arith.addi %parallel_loop3A_340, %parallel_loop3A_341 : i32
          %parallel_loop3A_343 = arith.index_cast %rem3A_113 : i32 to index
          %parallel_loop3A_344 = arith.index_cast %parallel_loop3A_342 : i32 to index
          %parallel_loop3A_345 = arith.constant 32 : index
          %parallel_loop3A_346 = tpu.vector_load %arg11[%parallel_loop3A_343, %parallel_loop3A_344, %parallel_loop3A_345] {strides = array<i32>} : memref<3x80x128xf32, #tpu.memory_space<vmem>>, vector<1x1x16xf32>,
          %parallel_loop3A_347 = vector.shape_cast %parallel_loop3A_346 : vector<1x1x16xf32> to vector<16xf32>
          %parallel_loop3A_348 = arith.addf %parallel_loop3A_347, %parallel_loop3A_319 : vector<16xf32>
          %parallel_loop3A_349 = arith.constant 0.000000e+00 : f32
          %parallel_loop3A_350 = vector.broadcast %parallel_loop3A_349 : f32 to vector<16xf32>
          %parallel_loop3A_351 = arith.maximumf %parallel_loop3A_348, %parallel_loop3A_350 : vector<16xf32>
          %parallel_loop3A_352 = arith.constant 2 : i32
          %parallel_loop3A_353 = arith.muli %parallel_loop3A_352, %parallel_loop3A_196 : i32
          %parallel_loop3A_354 = arith.constant 1 : i32
          %parallel_loop3A_355 = arith.addi %parallel_loop3A_353, %parallel_loop3A_354 : i32
          %parallel_loop3A_356 = arith.index_cast %rem3A_113 : i32 to index
          %parallel_loop3A_357 = arith.index_cast %parallel_loop3A_355 : i32 to index
          %parallel_loop3A_358 = arith.constant 32 : index
          %parallel_loop3A_359 = tpu.vector_load %arg11[%parallel_loop3A_356, %parallel_loop3A_357, %parallel_loop3A_358] {strides = array<i32>} : memref<3x80x128xf32, #tpu.memory_space<vmem>>, vector<1x1x16xf32>,
          %parallel_loop3A_360 = vector.shape_cast %parallel_loop3A_359 : vector<1x1x16xf32> to vector<16xf32>
          %parallel_loop3A_361 = vector.shape_cast %parallel_loop3A_351 : vector<16xf32> to vector<1x1x16xf32>
          tpu.vector_store %arg11[%parallel_loop3A_356, %parallel_loop3A_357, %parallel_loop3A_358], %parallel_loop3A_361 {strides = array<i32>} : memref<3x80x128xf32, #tpu.memory_space<vmem>>, vector<1x1x16xf32>,
          %parallel_loop3A_362 = arith.index_cast %rem3A_119 : i32 to index
          %parallel_loop3A_363 = arith.index_cast %parallel_loop3A_196 : i32 to index
          %parallel_loop3A_364 = arith.constant 48 : index
          %parallel_loop3A_365 = tpu.vector_load %arg12[%parallel_loop3A_362, %parallel_loop3A_363, %parallel_loop3A_364] {strides = array<i32>} : memref<2x40x128xi32, #tpu.memory_space<vmem>>, vector<1x1x16xi32>,
          %parallel_loop3A_366 = vector.shape_cast %parallel_loop3A_365 : vector<1x1x16xi32> to vector<16xi32>
          %parallel_loop3A_367 = arith.constant 16 : i32
          %parallel_loop3A_368 = vector.broadcast %parallel_loop3A_367 : i32 to vector<16xi32>
          %parallel_loop3A_369 = arith.shli %parallel_loop3A_366, %parallel_loop3A_368 : vector<16xi32>
          %parallel_loop3A_370 = tpu.bitcast %parallel_loop3A_369 : vector<16xi32> -> vector<16xf32>
          %parallel_loop3A_371 = arith.constant -65536 : i32
          %parallel_loop3A_372 = vector.broadcast %parallel_loop3A_371 : i32 to vector<16xi32>
          %parallel_loop3A_373 = arith.andi %parallel_loop3A_366, %parallel_loop3A_372 : vector<16xi32>
          %parallel_loop3A_374 = tpu.bitcast %parallel_loop3A_373 : vector<16xi32> -> vector<16xf32>
          %parallel_loop3A_375 = arith.constant 2 : i32
          %parallel_loop3A_376 = arith.muli %parallel_loop3A_375, %parallel_loop3A_196 : i32
          %parallel_loop3A_377 = arith.index_cast %rem3A_113 : i32 to index
          %parallel_loop3A_378 = arith.index_cast %parallel_loop3A_376 : i32 to index
          %parallel_loop3A_379 = arith.constant 48 : index
          %parallel_loop3A_380 = tpu.vector_load %arg11[%parallel_loop3A_377, %parallel_loop3A_378, %parallel_loop3A_379] {strides = array<i32>} : memref<3x80x128xf32, #tpu.memory_space<vmem>>, vector<1x1x16xf32>,
          %parallel_loop3A_381 = vector.shape_cast %parallel_loop3A_380 : vector<1x1x16xf32> to vector<16xf32>
          %parallel_loop3A_382 = arith.addf %parallel_loop3A_381, %parallel_loop3A_370 : vector<16xf32>
          %parallel_loop3A_383 = arith.constant 0.000000e+00 : f32
          %parallel_loop3A_384 = vector.broadcast %parallel_loop3A_383 : f32 to vector<16xf32>
          %parallel_loop3A_385 = arith.maximumf %parallel_loop3A_382, %parallel_loop3A_384 : vector<16xf32>
          %parallel_loop3A_386 = arith.constant 2 : i32
          %parallel_loop3A_387 = arith.muli %parallel_loop3A_386, %parallel_loop3A_196 : i32
          %parallel_loop3A_388 = arith.index_cast %rem3A_113 : i32 to index
          %parallel_loop3A_389 = arith.index_cast %parallel_loop3A_387 : i32 to index
          %parallel_loop3A_390 = arith.constant 48 : index
          %parallel_loop3A_391 = tpu.vector_load %arg11[%parallel_loop3A_388, %parallel_loop3A_389, %parallel_loop3A_390] {strides = array<i32>} : memref<3x80x128xf32, #tpu.memory_space<vmem>>, vector<1x1x16xf32>,
          %parallel_loop3A_392 = vector.shape_cast %parallel_loop3A_391 : vector<1x1x16xf32> to vector<16xf32>
          %parallel_loop3A_393 = vector.shape_cast %parallel_loop3A_385 : vector<16xf32> to vector<1x1x16xf32>
          tpu.vector_store %arg11[%parallel_loop3A_388, %parallel_loop3A_389, %parallel_loop3A_390], %parallel_loop3A_393 {strides = array<i32>} : memref<3x80x128xf32, #tpu.memory_space<vmem>>, vector<1x1x16xf32>,
          %parallel_loop3A_394 = arith.constant 2 : i32
          %parallel_loop3A_395 = arith.muli %parallel_loop3A_394, %parallel_loop3A_196 : i32
          %parallel_loop3A_396 = arith.constant 1 : i32
          %parallel_loop3A_397 = arith.addi %parallel_loop3A_395, %parallel_loop3A_396 : i32
          %parallel_loop3A_398 = arith.index_cast %rem3A_113 : i32 to index
          %parallel_loop3A_399 = arith.index_cast %parallel_loop3A_397 : i32 to index
          %parallel_loop3A_400 = arith.constant 48 : index
          %parallel_loop3A_401 = tpu.vector_load %arg11[%parallel_loop3A_398, %parallel_loop3A_399, %parallel_loop3A_400] {strides = array<i32>} : memref<3x80x128xf32, #tpu.memory_space<vmem>>, vector<1x1x16xf32>,
          %parallel_loop3A_402 = vector.shape_cast %parallel_loop3A_401 : vector<1x1x16xf32> to vector<16xf32>
          %parallel_loop3A_403 = arith.addf %parallel_loop3A_402, %parallel_loop3A_374 : vector<16xf32>
          %parallel_loop3A_404 = arith.constant 0.000000e+00 : f32
          %parallel_loop3A_405 = vector.broadcast %parallel_loop3A_404 : f32 to vector<16xf32>
          %parallel_loop3A_406 = arith.maximumf %parallel_loop3A_403, %parallel_loop3A_405 : vector<16xf32>
          %parallel_loop3A_407 = arith.constant 2 : i32
          %parallel_loop3A_408 = arith.muli %parallel_loop3A_407, %parallel_loop3A_196 : i32
          %parallel_loop3A_409 = arith.constant 1 : i32
          %parallel_loop3A_410 = arith.addi %parallel_loop3A_408, %parallel_loop3A_409 : i32
          %parallel_loop3A_411 = arith.index_cast %rem3A_113 : i32 to index
          %parallel_loop3A_412 = arith.index_cast %parallel_loop3A_410 : i32 to index
          %parallel_loop3A_413 = arith.constant 48 : index
          %parallel_loop3A_414 = tpu.vector_load %arg11[%parallel_loop3A_411, %parallel_loop3A_412, %parallel_loop3A_413] {strides = array<i32>} : memref<3x80x128xf32, #tpu.memory_space<vmem>>, vector<1x1x16xf32>,
          %parallel_loop3A_415 = vector.shape_cast %parallel_loop3A_414 : vector<1x1x16xf32> to vector<16xf32>
          %parallel_loop3A_416 = vector.shape_cast %parallel_loop3A_406 : vector<16xf32> to vector<1x1x16xf32>
          tpu.vector_store %arg11[%parallel_loop3A_411, %parallel_loop3A_412, %parallel_loop3A_413], %parallel_loop3A_416 {strides = array<i32>} : memref<3x80x128xf32, #tpu.memory_space<vmem>>, vector<1x1x16xf32>,
          %parallel_loop3A_417 = arith.index_cast %rem3A_119 : i32 to index
          %parallel_loop3A_418 = arith.index_cast %parallel_loop3A_196 : i32 to index
          %parallel_loop3A_419 = arith.constant 64 : index
          %parallel_loop3A_420 = tpu.vector_load %arg12[%parallel_loop3A_417, %parallel_loop3A_418, %parallel_loop3A_419] {strides = array<i32>} : memref<2x40x128xi32, #tpu.memory_space<vmem>>, vector<1x1x16xi32>,
          %parallel_loop3A_421 = vector.shape_cast %parallel_loop3A_420 : vector<1x1x16xi32> to vector<16xi32>
          %parallel_loop3A_422 = arith.constant 16 : i32
          %parallel_loop3A_423 = vector.broadcast %parallel_loop3A_422 : i32 to vector<16xi32>
          %parallel_loop3A_424 = arith.shli %parallel_loop3A_421, %parallel_loop3A_423 : vector<16xi32>
          %parallel_loop3A_425 = tpu.bitcast %parallel_loop3A_424 : vector<16xi32> -> vector<16xf32>
          %parallel_loop3A_426 = arith.constant -65536 : i32
          %parallel_loop3A_427 = vector.broadcast %parallel_loop3A_426 : i32 to vector<16xi32>
          %parallel_loop3A_428 = arith.andi %parallel_loop3A_421, %parallel_loop3A_427 : vector<16xi32>
          %parallel_loop3A_429 = tpu.bitcast %parallel_loop3A_428 : vector<16xi32> -> vector<16xf32>
          %parallel_loop3A_430 = arith.constant 2 : i32
          %parallel_loop3A_431 = arith.muli %parallel_loop3A_430, %parallel_loop3A_196 : i32
          %parallel_loop3A_432 = arith.index_cast %rem3A_113 : i32 to index
          %parallel_loop3A_433 = arith.index_cast %parallel_loop3A_431 : i32 to index
          %parallel_loop3A_434 = arith.constant 64 : index
          %parallel_loop3A_435 = tpu.vector_load %arg11[%parallel_loop3A_432, %parallel_loop3A_433, %parallel_loop3A_434] {strides = array<i32>} : memref<3x80x128xf32, #tpu.memory_space<vmem>>, vector<1x1x16xf32>,
          %parallel_loop3A_436 = vector.shape_cast %parallel_loop3A_435 : vector<1x1x16xf32> to vector<16xf32>
          %parallel_loop3A_437 = arith.addf %parallel_loop3A_436, %parallel_loop3A_425 : vector<16xf32>
          %parallel_loop3A_438 = arith.constant 0.000000e+00 : f32
          %parallel_loop3A_439 = vector.broadcast %parallel_loop3A_438 : f32 to vector<16xf32>
          %parallel_loop3A_440 = arith.maximumf %parallel_loop3A_437, %parallel_loop3A_439 : vector<16xf32>
          %parallel_loop3A_441 = arith.constant 2 : i32
          %parallel_loop3A_442 = arith.muli %parallel_loop3A_441, %parallel_loop3A_196 : i32
          %parallel_loop3A_443 = arith.index_cast %rem3A_113 : i32 to index
          %parallel_loop3A_444 = arith.index_cast %parallel_loop3A_442 : i32 to index
          %parallel_loop3A_445 = arith.constant 64 : index
          %parallel_loop3A_446 = tpu.vector_load %arg11[%parallel_loop3A_443, %parallel_loop3A_444, %parallel_loop3A_445] {strides = array<i32>} : memref<3x80x128xf32, #tpu.memory_space<vmem>>, vector<1x1x16xf32>,
          %parallel_loop3A_447 = vector.shape_cast %parallel_loop3A_446 : vector<1x1x16xf32> to vector<16xf32>
          %parallel_loop3A_448 = vector.shape_cast %parallel_loop3A_440 : vector<16xf32> to vector<1x1x16xf32>
          tpu.vector_store %arg11[%parallel_loop3A_443, %parallel_loop3A_444, %parallel_loop3A_445], %parallel_loop3A_448 {strides = array<i32>} : memref<3x80x128xf32, #tpu.memory_space<vmem>>, vector<1x1x16xf32>,
          %parallel_loop3A_449 = arith.constant 2 : i32
          %parallel_loop3A_450 = arith.muli %parallel_loop3A_449, %parallel_loop3A_196 : i32
          %parallel_loop3A_451 = arith.constant 1 : i32
          %parallel_loop3A_452 = arith.addi %parallel_loop3A_450, %parallel_loop3A_451 : i32
          %parallel_loop3A_453 = arith.index_cast %rem3A_113 : i32 to index
          %parallel_loop3A_454 = arith.index_cast %parallel_loop3A_452 : i32 to index
          %parallel_loop3A_455 = arith.constant 64 : index
          %parallel_loop3A_456 = tpu.vector_load %arg11[%parallel_loop3A_453, %parallel_loop3A_454, %parallel_loop3A_455] {strides = array<i32>} : memref<3x80x128xf32, #tpu.memory_space<vmem>>, vector<1x1x16xf32>,
          %parallel_loop3A_457 = vector.shape_cast %parallel_loop3A_456 : vector<1x1x16xf32> to vector<16xf32>
          %parallel_loop3A_458 = arith.addf %parallel_loop3A_457, %parallel_loop3A_429 : vector<16xf32>
          %parallel_loop3A_459 = arith.constant 0.000000e+00 : f32
          %parallel_loop3A_460 = vector.broadcast %parallel_loop3A_459 : f32 to vector<16xf32>
          %parallel_loop3A_461 = arith.maximumf %parallel_loop3A_458, %parallel_loop3A_460 : vector<16xf32>
          %parallel_loop3A_462 = arith.constant 2 : i32
          %parallel_loop3A_463 = arith.muli %parallel_loop3A_462, %parallel_loop3A_196 : i32
          %parallel_loop3A_464 = arith.constant 1 : i32
          %parallel_loop3A_465 = arith.addi %parallel_loop3A_463, %parallel_loop3A_464 : i32
          %parallel_loop3A_466 = arith.index_cast %rem3A_113 : i32 to index
          %parallel_loop3A_467 = arith.index_cast %parallel_loop3A_465 : i32 to index
          %parallel_loop3A_468 = arith.constant 64 : index
          %parallel_loop3A_469 = tpu.vector_load %arg11[%parallel_loop3A_466, %parallel_loop3A_467, %parallel_loop3A_468] {strides = array<i32>} : memref<3x80x128xf32, #tpu.memory_space<vmem>>, vector<1x1x16xf32>,
          %parallel_loop3A_470 = vector.shape_cast %parallel_loop3A_469 : vector<1x1x16xf32> to vector<16xf32>
          %parallel_loop3A_471 = vector.shape_cast %parallel_loop3A_461 : vector<16xf32> to vector<1x1x16xf32>
          tpu.vector_store %arg11[%parallel_loop3A_466, %parallel_loop3A_467, %parallel_loop3A_468], %parallel_loop3A_471 {strides = array<i32>} : memref<3x80x128xf32, #tpu.memory_space<vmem>>, vector<1x1x16xf32>,
          %parallel_loop3A_472 = arith.index_cast %rem3A_119 : i32 to index
          %parallel_loop3A_473 = arith.index_cast %parallel_loop3A_196 : i32 to index
          %parallel_loop3A_474 = arith.constant 80 : index
          %parallel_loop3A_475 = tpu.vector_load %arg12[%parallel_loop3A_472, %parallel_loop3A_473, %parallel_loop3A_474] {strides = array<i32>} : memref<2x40x128xi32, #tpu.memory_space<vmem>>, vector<1x1x16xi32>,
          %parallel_loop3A_476 = vector.shape_cast %parallel_loop3A_475 : vector<1x1x16xi32> to vector<16xi32>
          %parallel_loop3A_477 = arith.constant 16 : i32
          %parallel_loop3A_478 = vector.broadcast %parallel_loop3A_477 : i32 to vector<16xi32>
          %parallel_loop3A_479 = arith.shli %parallel_loop3A_476, %parallel_loop3A_478 : vector<16xi32>
          %parallel_loop3A_480 = tpu.bitcast %parallel_loop3A_479 : vector<16xi32> -> vector<16xf32>
          %parallel_loop3A_481 = arith.constant -65536 : i32
          %parallel_loop3A_482 = vector.broadcast %parallel_loop3A_481 : i32 to vector<16xi32>
          %parallel_loop3A_483 = arith.andi %parallel_loop3A_476, %parallel_loop3A_482 : vector<16xi32>
          %parallel_loop3A_484 = tpu.bitcast %parallel_loop3A_483 : vector<16xi32> -> vector<16xf32>
          %parallel_loop3A_485 = arith.constant 2 : i32
          %parallel_loop3A_486 = arith.muli %parallel_loop3A_485, %parallel_loop3A_196 : i32
          %parallel_loop3A_487 = arith.index_cast %rem3A_113 : i32 to index
          %parallel_loop3A_488 = arith.index_cast %parallel_loop3A_486 : i32 to index
          %parallel_loop3A_489 = arith.constant 80 : index
          %parallel_loop3A_490 = tpu.vector_load %arg11[%parallel_loop3A_487, %parallel_loop3A_488, %parallel_loop3A_489] {strides = array<i32>} : memref<3x80x128xf32, #tpu.memory_space<vmem>>, vector<1x1x16xf32>,
          %parallel_loop3A_491 = vector.shape_cast %parallel_loop3A_490 : vector<1x1x16xf32> to vector<16xf32>
          %parallel_loop3A_492 = arith.addf %parallel_loop3A_491, %parallel_loop3A_480 : vector<16xf32>
          %parallel_loop3A_493 = arith.constant 0.000000e+00 : f32
          %parallel_loop3A_494 = vector.broadcast %parallel_loop3A_493 : f32 to vector<16xf32>
          %parallel_loop3A_495 = arith.maximumf %parallel_loop3A_492, %parallel_loop3A_494 : vector<16xf32>
          %parallel_loop3A_496 = arith.constant 2 : i32
          %parallel_loop3A_497 = arith.muli %parallel_loop3A_496, %parallel_loop3A_196 : i32
          %parallel_loop3A_498 = arith.index_cast %rem3A_113 : i32 to index
          %parallel_loop3A_499 = arith.index_cast %parallel_loop3A_497 : i32 to index
          %parallel_loop3A_500 = arith.constant 80 : index
          %parallel_loop3A_501 = tpu.vector_load %arg11[%parallel_loop3A_498, %parallel_loop3A_499, %parallel_loop3A_500] {strides = array<i32>} : memref<3x80x128xf32, #tpu.memory_space<vmem>>, vector<1x1x16xf32>,
          %parallel_loop3A_502 = vector.shape_cast %parallel_loop3A_501 : vector<1x1x16xf32> to vector<16xf32>
          %parallel_loop3A_503 = vector.shape_cast %parallel_loop3A_495 : vector<16xf32> to vector<1x1x16xf32>
          tpu.vector_store %arg11[%parallel_loop3A_498, %parallel_loop3A_499, %parallel_loop3A_500], %parallel_loop3A_503 {strides = array<i32>} : memref<3x80x128xf32, #tpu.memory_space<vmem>>, vector<1x1x16xf32>,
          %parallel_loop3A_504 = arith.constant 2 : i32
          %parallel_loop3A_505 = arith.muli %parallel_loop3A_504, %parallel_loop3A_196 : i32
          %parallel_loop3A_506 = arith.constant 1 : i32
          %parallel_loop3A_507 = arith.addi %parallel_loop3A_505, %parallel_loop3A_506 : i32
          %parallel_loop3A_508 = arith.index_cast %rem3A_113 : i32 to index
          %parallel_loop3A_509 = arith.index_cast %parallel_loop3A_507 : i32 to index
          %parallel_loop3A_510 = arith.constant 80 : index
          %parallel_loop3A_511 = tpu.vector_load %arg11[%parallel_loop3A_508, %parallel_loop3A_509, %parallel_loop3A_510] {strides = array<i32>} : memref<3x80x128xf32, #tpu.memory_space<vmem>>, vector<1x1x16xf32>,
          %parallel_loop3A_512 = vector.shape_cast %parallel_loop3A_511 : vector<1x1x16xf32> to vector<16xf32>
          %parallel_loop3A_513 = arith.addf %parallel_loop3A_512, %parallel_loop3A_484 : vector<16xf32>
          %parallel_loop3A_514 = arith.constant 0.000000e+00 : f32
          %parallel_loop3A_515 = vector.broadcast %parallel_loop3A_514 : f32 to vector<16xf32>
          %parallel_loop3A_516 = arith.maximumf %parallel_loop3A_513, %parallel_loop3A_515 : vector<16xf32>
          %parallel_loop3A_517 = arith.constant 2 : i32
          %parallel_loop3A_518 = arith.muli %parallel_loop3A_517, %parallel_loop3A_196 : i32
          %parallel_loop3A_519 = arith.constant 1 : i32
          %parallel_loop3A_520 = arith.addi %parallel_loop3A_518, %parallel_loop3A_519 : i32
          %parallel_loop3A_521 = arith.index_cast %rem3A_113 : i32 to index
          %parallel_loop3A_522 = arith.index_cast %parallel_loop3A_520 : i32 to index
          %parallel_loop3A_523 = arith.constant 80 : index
          %parallel_loop3A_524 = tpu.vector_load %arg11[%parallel_loop3A_521, %parallel_loop3A_522, %parallel_loop3A_523] {strides = array<i32>} : memref<3x80x128xf32, #tpu.memory_space<vmem>>, vector<1x1x16xf32>,
          %parallel_loop3A_525 = vector.shape_cast %parallel_loop3A_524 : vector<1x1x16xf32> to vector<16xf32>
          %parallel_loop3A_526 = vector.shape_cast %parallel_loop3A_516 : vector<16xf32> to vector<1x1x16xf32>
          tpu.vector_store %arg11[%parallel_loop3A_521, %parallel_loop3A_522, %parallel_loop3A_523], %parallel_loop3A_526 {strides = array<i32>} : memref<3x80x128xf32, #tpu.memory_space<vmem>>, vector<1x1x16xf32>,
          %parallel_loop3A_527 = arith.index_cast %rem3A_119 : i32 to index
          %parallel_loop3A_528 = arith.index_cast %parallel_loop3A_196 : i32 to index
          %parallel_loop3A_529 = arith.constant 96 : index
          %parallel_loop3A_530 = tpu.vector_load %arg12[%parallel_loop3A_527, %parallel_loop3A_528, %parallel_loop3A_529] {strides = array<i32>} : memref<2x40x128xi32, #tpu.memory_space<vmem>>, vector<1x1x16xi32>,
          %parallel_loop3A_531 = vector.shape_cast %parallel_loop3A_530 : vector<1x1x16xi32> to vector<16xi32>
          %parallel_loop3A_532 = arith.constant 16 : i32
          %parallel_loop3A_533 = vector.broadcast %parallel_loop3A_532 : i32 to vector<16xi32>
          %parallel_loop3A_534 = arith.shli %parallel_loop3A_531, %parallel_loop3A_533 : vector<16xi32>
          %parallel_loop3A_535 = tpu.bitcast %parallel_loop3A_534 : vector<16xi32> -> vector<16xf32>
          %parallel_loop3A_536 = arith.constant -65536 : i32
          %parallel_loop3A_537 = vector.broadcast %parallel_loop3A_536 : i32 to vector<16xi32>
          %parallel_loop3A_538 = arith.andi %parallel_loop3A_531, %parallel_loop3A_537 : vector<16xi32>
          %parallel_loop3A_539 = tpu.bitcast %parallel_loop3A_538 : vector<16xi32> -> vector<16xf32>
          %parallel_loop3A_540 = arith.constant 2 : i32
          %parallel_loop3A_541 = arith.muli %parallel_loop3A_540, %parallel_loop3A_196 : i32
          %parallel_loop3A_542 = arith.index_cast %rem3A_113 : i32 to index
          %parallel_loop3A_543 = arith.index_cast %parallel_loop3A_541 : i32 to index
          %parallel_loop3A_544 = arith.constant 96 : index
          %parallel_loop3A_545 = tpu.vector_load %arg11[%parallel_loop3A_542, %parallel_loop3A_543, %parallel_loop3A_544] {strides = array<i32>} : memref<3x80x128xf32, #tpu.memory_space<vmem>>, vector<1x1x16xf32>,
          %parallel_loop3A_546 = vector.shape_cast %parallel_loop3A_545 : vector<1x1x16xf32> to vector<16xf32>
          %parallel_loop3A_547 = arith.addf %parallel_loop3A_546, %parallel_loop3A_535 : vector<16xf32>
          %parallel_loop3A_548 = arith.constant 0.000000e+00 : f32
          %parallel_loop3A_549 = vector.broadcast %parallel_loop3A_548 : f32 to vector<16xf32>
          %parallel_loop3A_550 = arith.maximumf %parallel_loop3A_547, %parallel_loop3A_549 : vector<16xf32>
          %parallel_loop3A_551 = arith.constant 2 : i32
          %parallel_loop3A_552 = arith.muli %parallel_loop3A_551, %parallel_loop3A_196 : i32
          %parallel_loop3A_553 = arith.index_cast %rem3A_113 : i32 to index
          %parallel_loop3A_554 = arith.index_cast %parallel_loop3A_552 : i32 to index
          %parallel_loop3A_555 = arith.constant 96 : index
          %parallel_loop3A_556 = tpu.vector_load %arg11[%parallel_loop3A_553, %parallel_loop3A_554, %parallel_loop3A_555] {strides = array<i32>} : memref<3x80x128xf32, #tpu.memory_space<vmem>>, vector<1x1x16xf32>,
          %parallel_loop3A_557 = vector.shape_cast %parallel_loop3A_556 : vector<1x1x16xf32> to vector<16xf32>
          %parallel_loop3A_558 = vector.shape_cast %parallel_loop3A_550 : vector<16xf32> to vector<1x1x16xf32>
          tpu.vector_store %arg11[%parallel_loop3A_553, %parallel_loop3A_554, %parallel_loop3A_555], %parallel_loop3A_558 {strides = array<i32>} : memref<3x80x128xf32, #tpu.memory_space<vmem>>, vector<1x1x16xf32>,
          %parallel_loop3A_559 = arith.constant 2 : i32
          %parallel_loop3A_560 = arith.muli %parallel_loop3A_559, %parallel_loop3A_196 : i32
          %parallel_loop3A_561 = arith.constant 1 : i32
          %parallel_loop3A_562 = arith.addi %parallel_loop3A_560, %parallel_loop3A_561 : i32
          %parallel_loop3A_563 = arith.index_cast %rem3A_113 : i32 to index
          %parallel_loop3A_564 = arith.index_cast %parallel_loop3A_562 : i32 to index
          %parallel_loop3A_565 = arith.constant 96 : index
          %parallel_loop3A_566 = tpu.vector_load %arg11[%parallel_loop3A_563, %parallel_loop3A_564, %parallel_loop3A_565] {strides = array<i32>} : memref<3x80x128xf32, #tpu.memory_space<vmem>>, vector<1x1x16xf32>,
          %parallel_loop3A_567 = vector.shape_cast %parallel_loop3A_566 : vector<1x1x16xf32> to vector<16xf32>
          %parallel_loop3A_568 = arith.addf %parallel_loop3A_567, %parallel_loop3A_539 : vector<16xf32>
          %parallel_loop3A_569 = arith.constant 0.000000e+00 : f32
          %parallel_loop3A_570 = vector.broadcast %parallel_loop3A_569 : f32 to vector<16xf32>
          %parallel_loop3A_571 = arith.maximumf %parallel_loop3A_568, %parallel_loop3A_570 : vector<16xf32>
          %parallel_loop3A_572 = arith.constant 2 : i32
          %parallel_loop3A_573 = arith.muli %parallel_loop3A_572, %parallel_loop3A_196 : i32
          %parallel_loop3A_574 = arith.constant 1 : i32
          %parallel_loop3A_575 = arith.addi %parallel_loop3A_573, %parallel_loop3A_574 : i32
          %parallel_loop3A_576 = arith.index_cast %rem3A_113 : i32 to index
          %parallel_loop3A_577 = arith.index_cast %parallel_loop3A_575 : i32 to index
          %parallel_loop3A_578 = arith.constant 96 : index
          %parallel_loop3A_579 = tpu.vector_load %arg11[%parallel_loop3A_576, %parallel_loop3A_577, %parallel_loop3A_578] {strides = array<i32>} : memref<3x80x128xf32, #tpu.memory_space<vmem>>, vector<1x1x16xf32>,
          %parallel_loop3A_580 = vector.shape_cast %parallel_loop3A_579 : vector<1x1x16xf32> to vector<16xf32>
          %parallel_loop3A_581 = vector.shape_cast %parallel_loop3A_571 : vector<16xf32> to vector<1x1x16xf32>
          tpu.vector_store %arg11[%parallel_loop3A_576, %parallel_loop3A_577, %parallel_loop3A_578], %parallel_loop3A_581 {strides = array<i32>} : memref<3x80x128xf32, #tpu.memory_space<vmem>>, vector<1x1x16xf32>,
          %parallel_loop3A_582 = arith.index_cast %rem3A_119 : i32 to index
          %parallel_loop3A_583 = arith.index_cast %parallel_loop3A_196 : i32 to index
          %parallel_loop3A_584 = arith.constant 112 : index
          %parallel_loop3A_585 = tpu.vector_load %arg12[%parallel_loop3A_582, %parallel_loop3A_583, %parallel_loop3A_584] {strides = array<i32>} : memref<2x40x128xi32, #tpu.memory_space<vmem>>, vector<1x1x16xi32>,
          %parallel_loop3A_586 = vector.shape_cast %parallel_loop3A_585 : vector<1x1x16xi32> to vector<16xi32>
          %parallel_loop3A_587 = arith.constant 16 : i32
          %parallel_loop3A_588 = vector.broadcast %parallel_loop3A_587 : i32 to vector<16xi32>
          %parallel_loop3A_589 = arith.shli %parallel_loop3A_586, %parallel_loop3A_588 : vector<16xi32>
          %parallel_loop3A_590 = tpu.bitcast %parallel_loop3A_589 : vector<16xi32> -> vector<16xf32>
          %parallel_loop3A_591 = arith.constant -65536 : i32
          %parallel_loop3A_592 = vector.broadcast %parallel_loop3A_591 : i32 to vector<16xi32>
          %parallel_loop3A_593 = arith.andi %parallel_loop3A_586, %parallel_loop3A_592 : vector<16xi32>
          %parallel_loop3A_594 = tpu.bitcast %parallel_loop3A_593 : vector<16xi32> -> vector<16xf32>
          %parallel_loop3A_595 = arith.constant 2 : i32
          %parallel_loop3A_596 = arith.muli %parallel_loop3A_595, %parallel_loop3A_196 : i32
          %parallel_loop3A_597 = arith.index_cast %rem3A_113 : i32 to index
          %parallel_loop3A_598 = arith.index_cast %parallel_loop3A_596 : i32 to index
          %parallel_loop3A_599 = arith.constant 112 : index
          %parallel_loop3A_600 = tpu.vector_load %arg11[%parallel_loop3A_597, %parallel_loop3A_598, %parallel_loop3A_599] {strides = array<i32>} : memref<3x80x128xf32, #tpu.memory_space<vmem>>, vector<1x1x16xf32>,
          %parallel_loop3A_601 = vector.shape_cast %parallel_loop3A_600 : vector<1x1x16xf32> to vector<16xf32>
          %parallel_loop3A_602 = arith.addf %parallel_loop3A_601, %parallel_loop3A_590 : vector<16xf32>
          %parallel_loop3A_603 = arith.constant 0.000000e+00 : f32
          %parallel_loop3A_604 = vector.broadcast %parallel_loop3A_603 : f32 to vector<16xf32>
          %parallel_loop3A_605 = arith.maximumf %parallel_loop3A_602, %parallel_loop3A_604 : vector<16xf32>
          %parallel_loop3A_606 = arith.constant 2 : i32
          %parallel_loop3A_607 = arith.muli %parallel_loop3A_606, %parallel_loop3A_196 : i32
          %parallel_loop3A_608 = arith.index_cast %rem3A_113 : i32 to index
          %parallel_loop3A_609 = arith.index_cast %parallel_loop3A_607 : i32 to index
          %parallel_loop3A_610 = arith.constant 112 : index
          %parallel_loop3A_611 = tpu.vector_load %arg11[%parallel_loop3A_608, %parallel_loop3A_609, %parallel_loop3A_610] {strides = array<i32>} : memref<3x80x128xf32, #tpu.memory_space<vmem>>, vector<1x1x16xf32>,
          %parallel_loop3A_612 = vector.shape_cast %parallel_loop3A_611 : vector<1x1x16xf32> to vector<16xf32>
          %parallel_loop3A_613 = vector.shape_cast %parallel_loop3A_605 : vector<16xf32> to vector<1x1x16xf32>
          tpu.vector_store %arg11[%parallel_loop3A_608, %parallel_loop3A_609, %parallel_loop3A_610], %parallel_loop3A_613 {strides = array<i32>} : memref<3x80x128xf32, #tpu.memory_space<vmem>>, vector<1x1x16xf32>,
          %parallel_loop3A_614 = arith.constant 2 : i32
          %parallel_loop3A_615 = arith.muli %parallel_loop3A_614, %parallel_loop3A_196 : i32
          %parallel_loop3A_616 = arith.constant 1 : i32
          %parallel_loop3A_617 = arith.addi %parallel_loop3A_615, %parallel_loop3A_616 : i32
          %parallel_loop3A_618 = arith.index_cast %rem3A_113 : i32 to index
          %parallel_loop3A_619 = arith.index_cast %parallel_loop3A_617 : i32 to index
          %parallel_loop3A_620 = arith.constant 112 : index
          %parallel_loop3A_621 = tpu.vector_load %arg11[%parallel_loop3A_618, %parallel_loop3A_619, %parallel_loop3A_620] {strides = array<i32>} : memref<3x80x128xf32, #tpu.memory_space<vmem>>, vector<1x1x16xf32>,
          %parallel_loop3A_622 = vector.shape_cast %parallel_loop3A_621 : vector<1x1x16xf32> to vector<16xf32>
          %parallel_loop3A_623 = arith.addf %parallel_loop3A_622, %parallel_loop3A_594 : vector<16xf32>
          %parallel_loop3A_624 = arith.constant 0.000000e+00 : f32
          %parallel_loop3A_625 = vector.broadcast %parallel_loop3A_624 : f32 to vector<16xf32>
          %parallel_loop3A_626 = arith.maximumf %parallel_loop3A_623, %parallel_loop3A_625 : vector<16xf32>
          %parallel_loop3A_627 = arith.constant 2 : i32
          %parallel_loop3A_628 = arith.muli %parallel_loop3A_627, %parallel_loop3A_196 : i32
          %parallel_loop3A_629 = arith.constant 1 : i32
          %parallel_loop3A_630 = arith.addi %parallel_loop3A_628, %parallel_loop3A_629 : i32
          %parallel_loop3A_631 = arith.index_cast %rem3A_113 : i32 to index
          %parallel_loop3A_632 = arith.index_cast %parallel_loop3A_630 : i32 to index
          %parallel_loop3A_633 = arith.constant 112 : index
          %parallel_loop3A_634 = tpu.vector_load %arg11[%parallel_loop3A_631, %parallel_loop3A_632, %parallel_loop3A_633] {strides = array<i32>} : memref<3x80x128xf32, #tpu.memory_space<vmem>>, vector<1x1x16xf32>,
          %parallel_loop3A_635 = vector.shape_cast %parallel_loop3A_634 : vector<1x1x16xf32> to vector<16xf32>
          %parallel_loop3A_636 = vector.shape_cast %parallel_loop3A_626 : vector<16xf32> to vector<1x1x16xf32>
          tpu.vector_store %arg11[%parallel_loop3A_631, %parallel_loop3A_632, %parallel_loop3A_633], %parallel_loop3A_636 {strides = array<i32>} : memref<3x80x128xf32, #tpu.memory_space<vmem>>, vector<1x1x16xf32>,
        } {sc.loop_unroll_factor = 4 : i64, sc.parallel_access}
        %mul3A_184 = arith.constant 80 : i32
        %mul3A_185 = arith.muli %scan3A_111, %mul3A_184 : i32
        %dma_start3A_186 = arith.constant 0 : i32
        %dma_start3A_187 = arith.constant 0 : i32
        %dma_start3A_188 = tpu.memref_slice %arg11[%rem3A_113, %dma_start3A_186, %dma_start3A_187] : memref<3x80x128xf32, #tpu.memory_space<vmem>> -> memref<1x80x128xf32, #tpu.memory_space<vmem>>
        %dma_start3A_189 = tpu.memref_squeeze %dma_start3A_188 : memref<1x80x128xf32, #tpu.memory_space<vmem>> -> memref<80x128xf32, #tpu.memory_space<vmem>>
        %dma_start3A_190 = tpu.memref_slice %arg10[%mul3A_185] : memref<2000xi32, #tpu.memory_space<vmem>> -> memref<80xi32, #tpu.memory_space<vmem>>
        %dma_start3A_191 = arith.constant 0 : i32
        %dma_start3A_192 = arith.constant 0 : i32
        %dma_start3A_193 = tpu.memref_slice %arg8[%dma_start3A_191, %dma_start3A_192] : memref<10240x128xf32, #tpu.memory_space<vmem_shared>> -> memref<10240x128xf32, #tpu.memory_space<vmem_shared>>
        %dma_start3A_194 = tpu.memref_slice %arg15[%rem3A_113] : memref<3x!tpu.dma_semaphore, #tpu.memory_space<semaphore_mem>> -> memref<1x!tpu.dma_semaphore, #tpu.memory_space<semaphore_mem>>
        %dma_start3A_195 = tpu.memref_squeeze %dma_start3A_194 : memref<1x!tpu.dma_semaphore, #tpu.memory_space<semaphore_mem>> -> memref<!tpu.dma_semaphore, #tpu.memory_space<semaphore_mem>>
        tpu.enqueue_indirect_dma source(%dma_start3A_189 : memref<80x128xf32, #tpu.memory_space<vmem>>) target(%dma_start3A_193 : memref<10240x128xf32, #tpu.memory_space<vmem_shared>>) offsets(%dma_start3A_190 : memref<80xi32, #tpu.memory_space<vmem>>) semaphore(%dma_start3A_195 : memref<!tpu.dma_semaphore, #tpu.memory_space<semaphore_mem>>) {add = true}
      }
      %scan3A_72 = arith.constant 25 : i32
      %dma_wait3A = arith.constant 1 : i32
      %dma_wait3A_73 = arith.constant 1 : i32
      %dma_wait3A_74 = arith.constant 0 : i32
      %dma_wait3A_75 = arith.constant 0 : i32
      %dma_wait3A_76 = tpu.memref_slice %arg11[%dma_wait3A, %dma_wait3A_74, %dma_wait3A_75] : memref<3x80x128xf32, #tpu.memory_space<vmem>> -> memref<1x80x128xf32, #tpu.memory_space<vmem>>
      %dma_wait3A_77 = tpu.memref_squeeze %dma_wait3A_76 : memref<1x80x128xf32, #tpu.memory_space<vmem>> -> memref<80x128xf32, #tpu.memory_space<vmem>>
      %dma_wait3A_78 = arith.constant 1760 : i32
      %dma_wait3A_79 = tpu.memref_slice %arg10[%dma_wait3A_78] : memref<2000xi32, #tpu.memory_space<vmem>> -> memref<80xi32, #tpu.memory_space<vmem>>
      %dma_wait3A_80 = arith.constant 0 : i32
      %dma_wait3A_81 = arith.constant 0 : i32
      %dma_wait3A_82 = tpu.memref_slice %arg8[%dma_wait3A_80, %dma_wait3A_81] : memref<10240x128xf32, #tpu.memory_space<vmem_shared>> -> memref<10240x128xf32, #tpu.memory_space<vmem_shared>>
      %dma_wait3A_83 = tpu.memref_slice %arg15[%dma_wait3A_73] : memref<3x!tpu.dma_semaphore, #tpu.memory_space<semaphore_mem>> -> memref<1x!tpu.dma_semaphore, #tpu.memory_space<semaphore_mem>>
      %dma_wait3A_84 = tpu.memref_squeeze %dma_wait3A_83 : memref<1x!tpu.dma_semaphore, #tpu.memory_space<semaphore_mem>> -> memref<!tpu.dma_semaphore, #tpu.memory_space<semaphore_mem>>
      tpu.wait_indirect_dma semaphore(%dma_wait3A_84 : memref<!tpu.dma_semaphore, #tpu.memory_space<semaphore_mem>>) src(%dma_wait3A_77 : memref<80x128xf32, #tpu.memory_space<vmem>>) dst(%dma_wait3A_82 : memref<10240x128xf32, #tpu.memory_space<vmem_shared>>)
      %dma_wait3A_85 = arith.constant 2 : i32
      %dma_wait3A_86 = arith.constant 2 : i32
      %dma_wait3A_87 = arith.constant 0 : i32
      %dma_wait3A_88 = arith.constant 0 : i32
      %dma_wait3A_89 = tpu.memref_slice %arg11[%dma_wait3A_85, %dma_wait3A_87, %dma_wait3A_88] : memref<3x80x128xf32, #tpu.memory_space<vmem>> -> memref<1x80x128xf32, #tpu.memory_space<vmem>>
      %dma_wait3A_90 = tpu.memref_squeeze %dma_wait3A_89 : memref<1x80x128xf32, #tpu.memory_space<vmem>> -> memref<80x128xf32, #tpu.memory_space<vmem>>
      %dma_wait3A_91 = arith.constant 1840 : i32
      %dma_wait3A_92 = tpu.memref_slice %arg10[%dma_wait3A_91] : memref<2000xi32, #tpu.memory_space<vmem>> -> memref<80xi32, #tpu.memory_space<vmem>>
      %dma_wait3A_93 = arith.constant 0 : i32
      %dma_wait3A_94 = arith.constant 0 : i32
      %dma_wait3A_95 = tpu.memref_slice %arg8[%dma_wait3A_93, %dma_wait3A_94] : memref<10240x128xf32, #tpu.memory_space<vmem_shared>> -> memref<10240x128xf32, #tpu.memory_space<vmem_shared>>
      %dma_wait3A_96 = tpu.memref_slice %arg15[%dma_wait3A_86] : memref<3x!tpu.dma_semaphore, #tpu.memory_space<semaphore_mem>> -> memref<1x!tpu.dma_semaphore, #tpu.memory_space<semaphore_mem>>
      %dma_wait3A_97 = tpu.memref_squeeze %dma_wait3A_96 : memref<1x!tpu.dma_semaphore, #tpu.memory_space<semaphore_mem>> -> memref<!tpu.dma_semaphore, #tpu.memory_space<semaphore_mem>>
      tpu.wait_indirect_dma semaphore(%dma_wait3A_97 : memref<!tpu.dma_semaphore, #tpu.memory_space<semaphore_mem>>) src(%dma_wait3A_90 : memref<80x128xf32, #tpu.memory_space<vmem>>) dst(%dma_wait3A_95 : memref<10240x128xf32, #tpu.memory_space<vmem_shared>>)
      %dma_wait3A_98 = arith.constant 0 : i32
      %dma_wait3A_99 = arith.constant 0 : i32
      %dma_wait3A_100 = arith.constant 0 : i32
      %dma_wait3A_101 = arith.constant 0 : i32
      %dma_wait3A_102 = tpu.memref_slice %arg11[%dma_wait3A_98, %dma_wait3A_100, %dma_wait3A_101] : memref<3x80x128xf32, #tpu.memory_space<vmem>> -> memref<1x80x128xf32, #tpu.memory_space<vmem>>
      %dma_wait3A_103 = tpu.memref_squeeze %dma_wait3A_102 : memref<1x80x128xf32, #tpu.memory_space<vmem>> -> memref<80x128xf32, #tpu.memory_space<vmem>>
      %dma_wait3A_104 = arith.constant 1920 : i32
      %dma_wait3A_105 = tpu.memref_slice %arg10[%dma_wait3A_104] : memref<2000xi32, #tpu.memory_space<vmem>> -> memref<80xi32, #tpu.memory_space<vmem>>
      %dma_wait3A_106 = arith.constant 0 : i32
      %dma_wait3A_107 = arith.constant 0 : i32
      %dma_wait3A_108 = tpu.memref_slice %arg8[%dma_wait3A_106, %dma_wait3A_107] : memref<10240x128xf32, #tpu.memory_space<vmem_shared>> -> memref<10240x128xf32, #tpu.memory_space<vmem_shared>>
      %dma_wait3A_109 = tpu.memref_slice %arg15[%dma_wait3A_99] : memref<3x!tpu.dma_semaphore, #tpu.memory_space<semaphore_mem>> -> memref<1x!tpu.dma_semaphore, #tpu.memory_space<semaphore_mem>>
      %dma_wait3A_110 = tpu.memref_squeeze %dma_wait3A_109 : memref<1x!tpu.dma_semaphore, #tpu.memory_space<semaphore_mem>> -> memref<!tpu.dma_semaphore, #tpu.memory_space<semaphore_mem>>
      tpu.wait_indirect_dma semaphore(%dma_wait3A_110 : memref<!tpu.dma_semaphore, #tpu.memory_space<semaphore_mem>>) src(%dma_wait3A_103 : memref<80x128xf32, #tpu.memory_space<vmem>>) dst(%dma_wait3A_108 : memref<10240x128xf32, #tpu.memory_space<vmem_shared>>)
    }
    %scan3A_9 = arith.constant 5 : i32
    %barrier3A_10 = arith.constant 0 : index
    tpu.barrier barrier_id(%barrier3A_10)
    %mul3A_11 = arith.constant 640 : i32
    %mul3A_12 = arith.muli %arg1, %mul3A_11 : i32
    %mul3A_13 = arith.constant 640 : i32
    %mul3A_14 = arith.muli %arg1, %mul3A_13 : i32
    "tpu.region"() ({
      %run_scoped3A = tpu.sem_alloc : memref<!tpu.dma_semaphore, #tpu.memory_space<semaphore_mem>>
      %dma_start3A = arith.constant 0 : i32
      %dma_start3A_15 = tpu.memref_slice %arg7[%arg0, %mul3A_14, %dma_start3A] : memref<2x10240x128xf32, #tpu.memory_space<hbm>> -> memref<1x640x128xf32, #tpu.memory_space<hbm>>
      %dma_start3A_16 = tpu.memref_squeeze %dma_start3A_15 : memref<1x640x128xf32, #tpu.memory_space<hbm>> -> memref<640x128xf32, #tpu.memory_space<hbm>>
      %dma_start3A_17 = arith.constant 0 : i32
      %dma_start3A_18 = tpu.memref_slice %arg8[%mul3A_12, %dma_start3A_17] : memref<10240x128xf32, #tpu.memory_space<vmem_shared>> -> memref<640x128xf32, #tpu.memory_space<vmem_shared>>
      tpu.enqueue_dma source(%dma_start3A_18 : memref<640x128xf32, #tpu.memory_space<vmem_shared>>) target(%dma_start3A_16 : memref<640x128xf32, #tpu.memory_space<hbm>>) target_semaphore(%run_scoped3A : memref<!tpu.dma_semaphore, #tpu.memory_space<semaphore_mem>>)
      %dma_wait3A = arith.constant 0 : i32
      %dma_wait3A_19 = tpu.memref_slice %arg7[%arg0, %mul3A_14, %dma_wait3A] : memref<2x10240x128xf32, #tpu.memory_space<hbm>> -> memref<1x640x128xf32, #tpu.memory_space<hbm>>
      %dma_wait3A_20 = tpu.memref_squeeze %dma_wait3A_19 : memref<1x640x128xf32, #tpu.memory_space<hbm>> -> memref<640x128xf32, #tpu.memory_space<hbm>>
      %dma_wait3A_21 = arith.constant 0 : i32
      %dma_wait3A_22 = tpu.memref_slice %arg8[%mul3A_12, %dma_wait3A_21] : memref<10240x128xf32, #tpu.memory_space<vmem_shared>> -> memref<640x128xf32, #tpu.memory_space<vmem_shared>>
      tpu.wait_dma2 semaphore(%run_scoped3A : memref<!tpu.dma_semaphore, #tpu.memory_space<semaphore_mem>>) src(%dma_wait3A_22 : memref<640x128xf32, #tpu.memory_space<vmem_shared>>) dst(%dma_wait3A_20 : memref<640x128xf32, #tpu.memory_space<hbm>>)
      tpu.yield
    }) : () -> ()
    return
  }
}

#map = affine_map<(d0, d1) -> (0, 0)>
#map1 = affine_map<(d0, d1) -> (0)>
#map2 = affine_map<(d0, d1) -> (0, 0, 0)>
module attributes {stable_mosaic.version = 14 : i64} {
  func.func @_sc_body(%arg0: i32, %arg1: i32, %arg2: memref<10000x128xf32, #tpu.memory_space<hbm>>, %arg3: memref<160000x128xi32, #tpu.memory_space<hbm>>, %arg4: memref<320000xi32, #tpu.memory_space<hbm>>, %arg5: memref<320000xi32, #tpu.memory_space<hbm>>, %arg6: memref<10240x128xf32, #tpu.memory_space<hbm>>, %arg7: memref<2x10240x128xf32, #tpu.memory_space<hbm>>, %arg8: memref<10240x128xf32, #tpu.memory_space<vmem_shared>>, %arg9: memref<2000xi32, #tpu.memory_space<vmem>>, %arg10: memref<2000xi32, #tpu.memory_space<vmem>>, %arg11: memref<3x80x128xf32, #tpu.memory_space<vmem>>, %arg12: memref<2x40x128xi32, #tpu.memory_space<vmem>>, %arg13: memref<3x!tpu.dma_semaphore, #tpu.memory_space<semaphore_mem>>, %arg14: memref<2x!tpu.dma_semaphore, #tpu.memory_space<semaphore_mem>>, %arg15: memref<3x!tpu.dma_semaphore, #tpu.memory_space<semaphore_mem>>) attributes {dimension_semantics = [#tpu.dimension_semantics<core_parallel>, #tpu.dimension_semantics<subcore_parallel>], iteration_bounds = array<i64: 2, 16>, scalar_prefetch = 0 : i64, scratch_operands = 8 : i64, tpu.core_type = #tpu.core_type<sc_vector_subcore>, window_params = [{transform_indices = #map}, {transform_indices = #map}, {transform_indices = #map1}, {transform_indices = #map1}, {transform_indices = #map}, {transform_indices = #map2}]} {
    %mul3A = arith.constant 16 : i32
    %mul3A_0 = arith.muli %arg0, %mul3A : i32
    %add3A = arith.addi %mul3A_0, %arg1 : i32
    %mul3A_1 = arith.constant 640 : i32
    %mul3A_2 = arith.muli %arg1, %mul3A_1 : i32
    %mul3A_3 = arith.constant 640 : i32
    %mul3A_4 = arith.muli %arg1, %mul3A_3 : i32
    "tpu.region"() ({
      %run_scoped3A = tpu.sem_alloc : memref<!tpu.dma_semaphore, #tpu.memory_space<semaphore_mem>>
      %dma_start3A = arith.constant 0 : i32
      %dma_start3A_15 = tpu.memref_slice %arg8[%mul3A_4, %dma_start3A] : memref<10240x128xf32, #tpu.memory_space<vmem_shared>> -> memref<640x128xf32, #tpu.memory_space<vmem_shared>>
      %dma_start3A_16 = arith.constant 0 : i32
      %dma_start3A_17 = tpu.memref_slice %arg6[%mul3A_2, %dma_start3A_16] : memref<10240x128xf32, #tpu.memory_space<hbm>> -> memref<640x128xf32, #tpu.memory_space<hbm>>
      tpu.enqueue_dma source(%dma_start3A_17 : memref<640x128xf32, #tpu.memory_space<hbm>>) target(%dma_start3A_15 : memref<640x128xf32, #tpu.memory_space<vmem_shared>>) target_semaphore(%run_scoped3A : memref<!tpu.dma_semaphore, #tpu.memory_space<semaphore_mem>>)
      %dma_wait3A = arith.constant 0 : i32
      %dma_wait3A_18 = tpu.memref_slice %arg8[%mul3A_4, %dma_wait3A] : memref<10240x128xf32, #tpu.memory_space<vmem_shared>> -> memref<640x128xf32, #tpu.memory_space<vmem_shared>>
      %dma_wait3A_19 = arith.constant 0 : i32
      %dma_wait3A_20 = tpu.memref_slice %arg6[%mul3A_2, %dma_wait3A_19] : memref<10240x128xf32, #tpu.memory_space<hbm>> -> memref<640x128xf32, #tpu.memory_space<hbm>>
      tpu.wait_dma2 semaphore(%run_scoped3A : memref<!tpu.dma_semaphore, #tpu.memory_space<semaphore_mem>>) src(%dma_wait3A_20 : memref<640x128xf32, #tpu.memory_space<hbm>>) dst(%dma_wait3A_18 : memref<640x128xf32, #tpu.memory_space<vmem_shared>>)
      tpu.yield
    }) : () -> ()
    %barrier3A = arith.constant 0 : index
    tpu.barrier barrier_id(%barrier3A)
    %scan3A = arith.constant 0 : i32
    %scan3A_5 = arith.constant 0 : i32
    %scan3A_6 = arith.constant 5 : i32
    %scan3A_7 = arith.addi %scan3A_5, %scan3A_6 : i32
    %scan3A_8 = arith.constant 1 : i32
    scf.for %scan3A_15 = %scan3A_5 to %scan3A_7 step %scan3A_8  : i32 {
      %mul3A_16 = arith.constant 32 : i32
      %mul3A_17 = arith.muli %scan3A_15, %mul3A_16 : i32
      %add3A_18 = arith.addi %mul3A_17, %add3A : i32
      %mul3A_19 = arith.constant 2000 : i32
      %mul3A_20 = arith.muli %add3A_18, %mul3A_19 : i32
      "tpu.region"() ({
        %run_scoped3A = tpu.sem_alloc : memref<!tpu.dma_semaphore, #tpu.memory_space<semaphore_mem>>
        %dma_start3A_111 = tpu.memref_slice %arg4[%mul3A_20] : memref<320000xi32, #tpu.memory_space<hbm>> -> memref<2000xi32, #tpu.memory_space<hbm>>
        %dma_start3A_112 = tpu.memref_slice %arg4[%mul3A_20] : memref<320000xi32, #tpu.memory_space<hbm>> -> memref<2000xi32, #tpu.memory_space<hbm>>
        tpu.enqueue_dma source(%dma_start3A_112 : memref<2000xi32, #tpu.memory_space<hbm>>) target(%arg9 : memref<2000xi32, #tpu.memory_space<vmem>>) target_semaphore(%run_scoped3A : memref<!tpu.dma_semaphore, #tpu.memory_space<semaphore_mem>>)
        %dma_wait3A_113 = tpu.memref_slice %arg4[%mul3A_20] : memref<320000xi32, #tpu.memory_space<hbm>> -> memref<2000xi32, #tpu.memory_space<hbm>>
        %dma_wait3A_114 = tpu.memref_slice %arg4[%mul3A_20] : memref<320000xi32, #tpu.memory_space<hbm>> -> memref<2000xi32, #tpu.memory_space<hbm>>
        tpu.wait_dma2 semaphore(%run_scoped3A : memref<!tpu.dma_semaphore, #tpu.memory_space<semaphore_mem>>) src(%dma_wait3A_114 : memref<2000xi32, #tpu.memory_space<hbm>>) dst(%arg9 : memref<2000xi32, #tpu.memory_space<vmem>>)
        tpu.yield
      }) : () -> ()
      "tpu.region"() ({
        %run_scoped3A = tpu.sem_alloc : memref<!tpu.dma_semaphore, #tpu.memory_space<semaphore_mem>>
        %dma_start3A_111 = tpu.memref_slice %arg5[%mul3A_20] : memref<320000xi32, #tpu.memory_space<hbm>> -> memref<2000xi32, #tpu.memory_space<hbm>>
        %dma_start3A_112 = tpu.memref_slice %arg5[%mul3A_20] : memref<320000xi32, #tpu.memory_space<hbm>> -> memref<2000xi32, #tpu.memory_space<hbm>>
        tpu.enqueue_dma source(%dma_start3A_112 : memref<2000xi32, #tpu.memory_space<hbm>>) target(%arg10 : memref<2000xi32, #tpu.memory_space<vmem>>) target_semaphore(%run_scoped3A : memref<!tpu.dma_semaphore, #tpu.memory_space<semaphore_mem>>)
        %dma_wait3A_113 = tpu.memref_slice %arg5[%mul3A_20] : memref<320000xi32, #tpu.memory_space<hbm>> -> memref<2000xi32, #tpu.memory_space<hbm>>
        %dma_wait3A_114 = tpu.memref_slice %arg5[%mul3A_20] : memref<320000xi32, #tpu.memory_space<hbm>> -> memref<2000xi32, #tpu.memory_space<hbm>>
        tpu.wait_dma2 semaphore(%run_scoped3A : memref<!tpu.dma_semaphore, #tpu.memory_space<semaphore_mem>>) src(%dma_wait3A_114 : memref<2000xi32, #tpu.memory_space<hbm>>) dst(%arg10 : memref<2000xi32, #tpu.memory_space<vmem>>)
        tpu.yield
      }) : () -> ()
      %dma_start3A = arith.constant 0 : i32
      %dma_start3A_21 = arith.constant 0 : i32
      %dma_start3A_22 = arith.constant 0 : i32
      %dma_start3A_23 = arith.constant 0 : i32
      %dma_start3A_24 = tpu.memref_slice %arg11[%dma_start3A, %dma_start3A_22, %dma_start3A_23] : memref<3x80x128xf32, #tpu.memory_space<vmem>> -> memref<1x80x128xf32, #tpu.memory_space<vmem>>
      %dma_start3A_25 = tpu.memref_squeeze %dma_start3A_24 : memref<1x80x128xf32, #tpu.memory_space<vmem>> -> memref<80x128xf32, #tpu.memory_space<vmem>>
      %dma_start3A_26 = arith.constant 0 : i32
      %dma_start3A_27 = tpu.memref_slice %arg9[%dma_start3A_26] : memref<2000xi32, #tpu.memory_space<vmem>> -> memref<80xi32, #tpu.memory_space<vmem>>
      %dma_start3A_28 = arith.constant 0 : i32
      %dma_start3A_29 = arith.constant 0 : i32
      %dma_start3A_30 = tpu.memref_slice %arg2[%dma_start3A_28, %dma_start3A_29] : memref<10000x128xf32, #tpu.memory_space<hbm>> -> memref<10000x128xf32, #tpu.memory_space<hbm>>
      %dma_start3A_31 = tpu.memref_slice %arg13[%dma_start3A_21] : memref<3x!tpu.dma_semaphore, #tpu.memory_space<semaphore_mem>> -> memref<1x!tpu.dma_semaphore, #tpu.memory_space<semaphore_mem>>
      %dma_start3A_32 = tpu.memref_squeeze %dma_start3A_31 : memref<1x!tpu.dma_semaphore, #tpu.memory_space<semaphore_mem>> -> memref<!tpu.dma_semaphore, #tpu.memory_space<semaphore_mem>>
      tpu.enqueue_indirect_dma source(%dma_start3A_30 : memref<10000x128xf32, #tpu.memory_space<hbm>>) target(%dma_start3A_25 : memref<80x128xf32, #tpu.memory_space<vmem>>) offsets(%dma_start3A_27 : memref<80xi32, #tpu.memory_space<vmem>>) semaphore(%dma_start3A_32 : memref<!tpu.dma_semaphore, #tpu.memory_space<semaphore_mem>>)
      %add3A_33 = arith.constant 0 : i32
      %add3A_34 = arith.addi %mul3A_20, %add3A_33 : i32
      %jit3A = arith.constant 2 : i32
      %div3A = arith.divsi %add3A_34, %jit3A : i32
      %sign3A = arith.constant 0 : i32
      %sign3A_35 = arith.cmpi sgt, %add3A_34, %sign3A : i32
      %sign3A_36 = arith.extui %sign3A_35 : i1 to i32
      %sign3A_37 = arith.constant 0 : i32
      %sign3A_38 = arith.cmpi slt, %add3A_34, %sign3A_37 : i32
      %sign3A_39 = arith.extui %sign3A_38 : i1 to i32
      %sign3A_40 = arith.subi %sign3A_36, %sign3A_39 : i32
      %sign3A_41 = arith.constant 0 : i32
      %sign3A_42 = arith.cmpi sgt, %jit3A, %sign3A_41 : i32
      %sign3A_43 = arith.extui %sign3A_42 : i1 to i32
      %sign3A_44 = arith.constant 0 : i32
      %sign3A_45 = arith.cmpi slt, %jit3A, %sign3A_44 : i32
      %sign3A_46 = arith.extui %sign3A_45 : i1 to i32
      %sign3A_47 = arith.subi %sign3A_43, %sign3A_46 : i32
      %ne3A = arith.cmpi ne, %sign3A_40, %sign3A_47 : i32
      %rem3A = arith.remsi %add3A_34, %jit3A : i32
      %ne3A_48 = arith.constant 0 : i32
      %ne3A_49 = arith.cmpi ne, %rem3A, %ne3A_48 : i32
      %and3A = arith.andi %ne3A, %ne3A_49 : i1
      %sub3A = arith.constant 1 : i32
      %sub3A_50 = arith.subi %div3A, %sub3A : i32
      %select_n3A = arith.select %and3A, %sub3A_50, %div3A : i32
      %multiple_of3A = tpu.assume_multiple %select_n3A, 8 : i32
      %dma_start3A_51 = arith.constant 0 : i32
      %dma_start3A_52 = arith.constant 0 : i32
      %dma_start3A_53 = arith.constant 0 : i32
      %dma_start3A_54 = arith.constant 0 : i32
      %dma_start3A_55 = tpu.memref_slice %arg12[%dma_start3A_51, %dma_start3A_53, %dma_start3A_54] : memref<2x40x128xi32, #tpu.memory_space<vmem>> -> memref<1x40x128xi32, #tpu.memory_space<vmem>>
      %dma_start3A_56 = tpu.memref_squeeze %dma_start3A_55 : memref<1x40x128xi32, #tpu.memory_space<vmem>> -> memref<40x128xi32, #tpu.memory_space<vmem>>
      %dma_start3A_57 = arith.constant 0 : i32
      %dma_start3A_58 = tpu.memref_slice %arg3[%multiple_of3A, %dma_start3A_57] : memref<160000x128xi32, #tpu.memory_space<hbm>> -> memref<40x128xi32, #tpu.memory_space<hbm>>
      %dma_start3A_59 = tpu.memref_slice %arg14[%dma_start3A_52] : memref<2x!tpu.dma_semaphore, #tpu.memory_space<semaphore_mem>> -> memref<1x!tpu.dma_semaphore, #tpu.memory_space<semaphore_mem>>
      %dma_start3A_60 = tpu.memref_squeeze %dma_start3A_59 : memref<1x!tpu.dma_semaphore, #tpu.memory_space<semaphore_mem>> -> memref<!tpu.dma_semaphore, #tpu.memory_space<semaphore_mem>>
      %dma_start3A_61 = arith.constant 0 : i32
      %dma_start3A_62 = arith.constant 0 : i32
      %dma_start3A_63 = tpu.memref_slice %arg12[%dma_start3A_51, %dma_start3A_61, %dma_start3A_62] : memref<2x40x128xi32, #tpu.memory_space<vmem>> -> memref<1x40x128xi32, #tpu.memory_space<vmem>>
      %dma_start3A_64 = tpu.memref_squeeze %dma_start3A_63 : memref<1x40x128xi32, #tpu.memory_space<vmem>> -> memref<40x128xi32, #tpu.memory_space<vmem>>
      %dma_start3A_65 = arith.constant 0 : i32
      %dma_start3A_66 = tpu.memref_slice %arg3[%multiple_of3A, %dma_start3A_65] : memref<160000x128xi32, #tpu.memory_space<hbm>> -> memref<40x128xi32, #tpu.memory_space<hbm>>
      tpu.enqueue_dma source(%dma_start3A_66 : memref<40x128xi32, #tpu.memory_space<hbm>>) target(%dma_start3A_64 : memref<40x128xi32, #tpu.memory_space<vmem>>) target_semaphore(%dma_start3A_60 : memref<!tpu.dma_semaphore, #tpu.memory_space<semaphore_mem>>)
      %scan3A_67 = arith.constant 0 : i32
      %scan3A_68 = arith.constant 0 : i32
      %scan3A_69 = arith.constant 25 : i32
      %scan3A_70 = arith.addi %scan3A_68, %scan3A_69 : i32
      %scan3A_71 = arith.constant 1 : i32
      scf.for %scan3A_111 = %scan3A_68 to %scan3A_70 step %scan3A_71  : i32 {
        %rem3A_112 = arith.constant 3 : i32
        %rem3A_113 = arith.remsi %scan3A_111, %rem3A_112 : i32
        %add3A_114 = arith.constant 1 : i32
        %add3A_115 = arith.addi %scan3A_111, %add3A_114 : i32
        %rem3A_116 = arith.constant 3 : i32
        %rem3A_117 = arith.remsi %add3A_115, %rem3A_116 : i32
        %rem3A_118 = arith.constant 2 : i32
        %rem3A_119 = arith.remsi %scan3A_111, %rem3A_118 : i32
        %add3A_120 = arith.constant 1 : i32
        %add3A_121 = arith.addi %scan3A_111, %add3A_120 : i32
        %rem3A_122 = arith.constant 2 : i32
        %rem3A_123 = arith.remsi %add3A_121, %rem3A_122 : i32
        %add3A_124 = arith.constant 1 : i32
        %add3A_125 = arith.addi %scan3A_111, %add3A_124 : i32
        %lt3A = arith.constant 25 : i32
        %lt3A_126 = arith.cmpi slt, %add3A_125, %lt3A : i32
        %convert_element_type3A = arith.extui %lt3A_126 : i1 to i32
        %cond3A = arith.constant 0 : i32
        %cond3A_127 = arith.cmpi ne, %convert_element_type3A, %cond3A : i32
        scf.if %cond3A_127 {
          %ge3A = arith.constant 2 : i32
          %ge3A_196 = arith.cmpi sge, %scan3A_111, %ge3A : i32
          %convert_element_type3A_197 = arith.extui %ge3A_196 : i1 to i32
          %cond3A_198 = arith.constant 0 : i32
          %cond3A_199 = arith.cmpi ne, %convert_element_type3A_197, %cond3A_198 : i32
          scf.if %cond3A_199 {
            %sub3A_258 = arith.constant 2 : i32
            %sub3A_259 = arith.subi %scan3A_111, %sub3A_258 : i32
            %mul3A_260 = arith.constant 80 : i32
            %mul3A_261 = arith.muli %sub3A_259, %mul3A_260 : i32
            %dma_wait3A_262 = arith.constant 0 : i32
            %dma_wait3A_263 = arith.constant 0 : i32
            %dma_wait3A_264 = tpu.memref_slice %arg11[%rem3A_117, %dma_wait3A_262, %dma_wait3A_263] : memref<3x80x128xf32, #tpu.memory_space<vmem>> -> memref<1x80x128xf32, #tpu.memory_space<vmem>>
            %dma_wait3A_265 = tpu.memref_squeeze %dma_wait3A_264 : memref<1x80x128xf32, #tpu.memory_space<vmem>> -> memref<80x128xf32, #tpu.memory_space<vmem>>
            %dma_wait3A_266 = tpu.memref_slice %arg10[%mul3A_261] : memref<2000xi32, #tpu.memory_space<vmem>> -> memref<80xi32, #tpu.memory_space<vmem>>
            %dma_wait3A_267 = arith.constant 0 : i32
            %dma_wait3A_268 = arith.constant 0 : i32
            %dma_wait3A_269 = tpu.memref_slice %arg8[%dma_wait3A_267, %dma_wait3A_268] : memref<10240x128xf32, #tpu.memory_space<vmem_shared>> -> memref<10240x128xf32, #tpu.memory_space<vmem_shared>>
            %dma_wait3A_270 = tpu.memref_slice %arg15[%rem3A_117] : memref<3x!tpu.dma_semaphore, #tpu.memory_space<semaphore_mem>> -> memref<1x!tpu.dma_semaphore, #tpu.memory_space<semaphore_mem>>
            %dma_wait3A_271 = tpu.memref_squeeze %dma_wait3A_270 : memref<1x!tpu.dma_semaphore, #tpu.memory_space<semaphore_mem>> -> memref<!tpu.dma_semaphore, #tpu.memory_space<semaphore_mem>>
            tpu.wait_indirect_dma semaphore(%dma_wait3A_271 : memref<!tpu.dma_semaphore, #tpu.memory_space<semaphore_mem>>) src(%dma_wait3A_265 : memref<80x128xf32, #tpu.memory_space<vmem>>) dst(%dma_wait3A_269 : memref<10240x128xf32, #tpu.memory_space<vmem_shared>>)
          } else {
          }
          %add3A_200 = arith.constant 1 : i32
          %add3A_201 = arith.addi %scan3A_111, %add3A_200 : i32
          %mul3A_202 = arith.constant 80 : i32
          %mul3A_203 = arith.muli %add3A_201, %mul3A_202 : i32
          %dma_start3A_204 = arith.constant 0 : i32
          %dma_start3A_205 = arith.constant 0 : i32
          %dma_start3A_206 = tpu.memref_slice %arg11[%rem3A_117, %dma_start3A_204, %dma_start3A_205] : memref<3x80x128xf32, #tpu.memory_space<vmem>> -> memref<1x80x128xf32, #tpu.memory_space<vmem>>
          %dma_start3A_207 = tpu.memref_squeeze %dma_start3A_206 : memref<1x80x128xf32, #tpu.memory_space<vmem>> -> memref<80x128xf32, #tpu.memory_space<vmem>>
          %dma_start3A_208 = tpu.memref_slice %arg9[%mul3A_203] : memref<2000xi32, #tpu.memory_space<vmem>> -> memref<80xi32, #tpu.memory_space<vmem>>
          %dma_start3A_209 = arith.constant 0 : i32
          %dma_start3A_210 = arith.constant 0 : i32
          %dma_start3A_211 = tpu.memref_slice %arg2[%dma_start3A_209, %dma_start3A_210] : memref<10000x128xf32, #tpu.memory_space<hbm>> -> memref<10000x128xf32, #tpu.memory_space<hbm>>
          %dma_start3A_212 = tpu.memref_slice %arg13[%rem3A_117] : memref<3x!tpu.dma_semaphore, #tpu.memory_space<semaphore_mem>> -> memref<1x!tpu.dma_semaphore, #tpu.memory_space<semaphore_mem>>
          %dma_start3A_213 = tpu.memref_squeeze %dma_start3A_212 : memref<1x!tpu.dma_semaphore, #tpu.memory_space<semaphore_mem>> -> memref<!tpu.dma_semaphore, #tpu.memory_space<semaphore_mem>>
          tpu.enqueue_indirect_dma source(%dma_start3A_211 : memref<10000x128xf32, #tpu.memory_space<hbm>>) target(%dma_start3A_207 : memref<80x128xf32, #tpu.memory_space<vmem>>) offsets(%dma_start3A_208 : memref<80xi32, #tpu.memory_space<vmem>>) semaphore(%dma_start3A_213 : memref<!tpu.dma_semaphore, #tpu.memory_space<semaphore_mem>>)
          %add3A_214 = arith.constant 1 : i32
          %add3A_215 = arith.addi %scan3A_111, %add3A_214 : i32
          %mul3A_216 = arith.constant 80 : i32
          %mul3A_217 = arith.muli %add3A_215, %mul3A_216 : i32
          %add3A_218 = arith.addi %mul3A_20, %mul3A_217 : i32
          %jit3A_219 = arith.constant 2 : i32
          %div3A_220 = arith.divsi %add3A_218, %jit3A_219 : i32
          %sign3A_221 = arith.constant 0 : i32
          %sign3A_222 = arith.cmpi sgt, %add3A_218, %sign3A_221 : i32
          %sign3A_223 = arith.extui %sign3A_222 : i1 to i32
          %sign3A_224 = arith.constant 0 : i32
          %sign3A_225 = arith.cmpi slt, %add3A_218, %sign3A_224 : i32
          %sign3A_226 = arith.extui %sign3A_225 : i1 to i32
          %sign3A_227 = arith.subi %sign3A_223, %sign3A_226 : i32
          %sign3A_228 = arith.constant 0 : i32
          %sign3A_229 = arith.cmpi sgt, %jit3A_219, %sign3A_228 : i32
          %sign3A_230 = arith.extui %sign3A_229 : i1 to i32
          %sign3A_231 = arith.constant 0 : i32
          %sign3A_232 = arith.cmpi slt, %jit3A_219, %sign3A_231 : i32
          %sign3A_233 = arith.extui %sign3A_232 : i1 to i32
          %sign3A_234 = arith.subi %sign3A_230, %sign3A_233 : i32
          %ne3A_235 = arith.cmpi ne, %sign3A_227, %sign3A_234 : i32
          %rem3A_236 = arith.remsi %add3A_218, %jit3A_219 : i32
          %ne3A_237 = arith.constant 0 : i32
          %ne3A_238 = arith.cmpi ne, %rem3A_236, %ne3A_237 : i32
          %and3A_239 = arith.andi %ne3A_235, %ne3A_238 : i1
          %sub3A_240 = arith.constant 1 : i32
          %sub3A_241 = arith.subi %div3A_220, %sub3A_240 : i32
          %select_n3A_242 = arith.select %and3A_239, %sub3A_241, %div3A_220 : i32
          %multiple_of3A_243 = tpu.assume_multiple %select_n3A_242, 8 : i32
          %dma_start3A_244 = arith.constant 0 : i32
          %dma_start3A_245 = arith.constant 0 : i32
          %dma_start3A_246 = tpu.memref_slice %arg12[%rem3A_123, %dma_start3A_244, %dma_start3A_245] : memref<2x40x128xi32, #tpu.memory_space<vmem>> -> memref<1x40x128xi32, #tpu.memory_space<vmem>>
          %dma_start3A_247 = tpu.memref_squeeze %dma_start3A_246 : memref<1x40x128xi32, #tpu.memory_space<vmem>> -> memref<40x128xi32, #tpu.memory_space<vmem>>
          %dma_start3A_248 = arith.constant 0 : i32
          %dma_start3A_249 = tpu.memref_slice %arg3[%multiple_of3A_243, %dma_start3A_248] : memref<160000x128xi32, #tpu.memory_space<hbm>> -> memref<40x128xi32, #tpu.memory_space<hbm>>
          %dma_start3A_250 = tpu.memref_slice %arg14[%rem3A_123] : memref<2x!tpu.dma_semaphore, #tpu.memory_space<semaphore_mem>> -> memref<1x!tpu.dma_semaphore, #tpu.memory_space<semaphore_mem>>
          %dma_start3A_251 = tpu.memref_squeeze %dma_start3A_250 : memref<1x!tpu.dma_semaphore, #tpu.memory_space<semaphore_mem>> -> memref<!tpu.dma_semaphore, #tpu.memory_space<semaphore_mem>>
          %dma_start3A_252 = arith.constant 0 : i32
          %dma_start3A_253 = arith.constant 0 : i32
          %dma_start3A_254 = tpu.memref_slice %arg12[%rem3A_123, %dma_start3A_252, %dma_start3A_253] : memref<2x40x128xi32, #tpu.memory_space<vmem>> -> memref<1x40x128xi32, #tpu.memory_space<vmem>>
          %dma_start3A_255 = tpu.memref_squeeze %dma_start3A_254 : memref<1x40x128xi32, #tpu.memory_space<vmem>> -> memref<40x128xi32, #tpu.memory_space<vmem>>
          %dma_start3A_256 = arith.constant 0 : i32
          %dma_start3A_257 = tpu.memref_slice %arg3[%multiple_of3A_243, %dma_start3A_256] : memref<160000x128xi32, #tpu.memory_space<hbm>> -> memref<40x128xi32, #tpu.memory_space<hbm>>
          tpu.enqueue_dma source(%dma_start3A_257 : memref<40x128xi32, #tpu.memory_space<hbm>>) target(%dma_start3A_255 : memref<40x128xi32, #tpu.memory_space<vmem>>) target_semaphore(%dma_start3A_251 : memref<!tpu.dma_semaphore, #tpu.memory_space<semaphore_mem>>)
        } else {
        }
        %mul3A_128 = arith.constant 80 : i32
        %mul3A_129 = arith.muli %scan3A_111, %mul3A_128 : i32
        %dma_wait3A_130 = arith.constant 0 : i32
        %dma_wait3A_131 = arith.constant 0 : i32
        %dma_wait3A_132 = tpu.memref_slice %arg11[%rem3A_113, %dma_wait3A_130, %dma_wait3A_131] : memref<3x80x128xf32, #tpu.memory_space<vmem>> -> memref<1x80x128xf32, #tpu.memory_space<vmem>>
        %dma_wait3A_133 = tpu.memref_squeeze %dma_wait3A_132 : memref<1x80x128xf32, #tpu.memory_space<vmem>> -> memref<80x128xf32, #tpu.memory_space<vmem>>
        %dma_wait3A_134 = tpu.memref_slice %arg9[%mul3A_129] : memref<2000xi32, #tpu.memory_space<vmem>> -> memref<80xi32, #tpu.memory_space<vmem>>
        %dma_wait3A_135 = arith.constant 0 : i32
        %dma_wait3A_136 = arith.constant 0 : i32
        %dma_wait3A_137 = tpu.memref_slice %arg2[%dma_wait3A_135, %dma_wait3A_136] : memref<10000x128xf32, #tpu.memory_space<hbm>> -> memref<10000x128xf32, #tpu.memory_space<hbm>>
        %dma_wait3A_138 = tpu.memref_slice %arg13[%rem3A_113] : memref<3x!tpu.dma_semaphore, #tpu.memory_space<semaphore_mem>> -> memref<1x!tpu.dma_semaphore, #tpu.memory_space<semaphore_mem>>
        %dma_wait3A_139 = tpu.memref_squeeze %dma_wait3A_138 : memref<1x!tpu.dma_semaphore, #tpu.memory_space<semaphore_mem>> -> memref<!tpu.dma_semaphore, #tpu.memory_space<semaphore_mem>>
        tpu.wait_indirect_dma semaphore(%dma_wait3A_139 : memref<!tpu.dma_semaphore, #tpu.memory_space<semaphore_mem>>) src(%dma_wait3A_137 : memref<10000x128xf32, #tpu.memory_space<hbm>>) dst(%dma_wait3A_133 : memref<80x128xf32, #tpu.memory_space<vmem>>)
        %mul3A_140 = arith.constant 80 : i32
        %mul3A_141 = arith.muli %scan3A_111, %mul3A_140 : i32
        %add3A_142 = arith.addi %mul3A_20, %mul3A_141 : i32
        %jit3A_143 = arith.constant 2 : i32
        %div3A_144 = arith.divsi %add3A_142, %jit3A_143 : i32
        %sign3A_145 = arith.constant 0 : i32
        %sign3A_146 = arith.cmpi sgt, %add3A_142, %sign3A_145 : i32
        %sign3A_147 = arith.extui %sign3A_146 : i1 to i32
        %sign3A_148 = arith.constant 0 : i32
        %sign3A_149 = arith.cmpi slt, %add3A_142, %sign3A_148 : i32
        %sign3A_150 = arith.extui %sign3A_149 : i1 to i32
        %sign3A_151 = arith.subi %sign3A_147, %sign3A_150 : i32
        %sign3A_152 = arith.constant 0 : i32
        %sign3A_153 = arith.cmpi sgt, %jit3A_143, %sign3A_152 : i32
        %sign3A_154 = arith.extui %sign3A_153 : i1 to i32
        %sign3A_155 = arith.constant 0 : i32
        %sign3A_156 = arith.cmpi slt, %jit3A_143, %sign3A_155 : i32
        %sign3A_157 = arith.extui %sign3A_156 : i1 to i32
        %sign3A_158 = arith.subi %sign3A_154, %sign3A_157 : i32
        %ne3A_159 = arith.cmpi ne, %sign3A_151, %sign3A_158 : i32
        %rem3A_160 = arith.remsi %add3A_142, %jit3A_143 : i32
        %ne3A_161 = arith.constant 0 : i32
        %ne3A_162 = arith.cmpi ne, %rem3A_160, %ne3A_161 : i32
        %and3A_163 = arith.andi %ne3A_159, %ne3A_162 : i1
        %sub3A_164 = arith.constant 1 : i32
        %sub3A_165 = arith.subi %div3A_144, %sub3A_164 : i32
        %select_n3A_166 = arith.select %and3A_163, %sub3A_165, %div3A_144 : i32
        %multiple_of3A_167 = tpu.assume_multiple %select_n3A_166, 8 : i32
        %dma_wait3A_168 = arith.constant 0 : i32
        %dma_wait3A_169 = arith.constant 0 : i32
        %dma_wait3A_170 = tpu.memref_slice %arg12[%rem3A_119, %dma_wait3A_168, %dma_wait3A_169] : memref<2x40x128xi32, #tpu.memory_space<vmem>> -> memref<1x40x128xi32, #tpu.memory_space<vmem>>
        %dma_wait3A_171 = tpu.memref_squeeze %dma_wait3A_170 : memref<1x40x128xi32, #tpu.memory_space<vmem>> -> memref<40x128xi32, #tpu.memory_space<vmem>>
        %dma_wait3A_172 = arith.constant 0 : i32
        %dma_wait3A_173 = tpu.memref_slice %arg3[%multiple_of3A_167, %dma_wait3A_172] : memref<160000x128xi32, #tpu.memory_space<hbm>> -> memref<40x128xi32, #tpu.memory_space<hbm>>
        %dma_wait3A_174 = tpu.memref_slice %arg14[%rem3A_119] : memref<2x!tpu.dma_semaphore, #tpu.memory_space<semaphore_mem>> -> memref<1x!tpu.dma_semaphore, #tpu.memory_space<semaphore_mem>>
        %dma_wait3A_175 = tpu.memref_squeeze %dma_wait3A_174 : memref<1x!tpu.dma_semaphore, #tpu.memory_space<semaphore_mem>> -> memref<!tpu.dma_semaphore, #tpu.memory_space<semaphore_mem>>
        %dma_wait3A_176 = arith.constant 0 : i32
        %dma_wait3A_177 = arith.constant 0 : i32
        %dma_wait3A_178 = tpu.memref_slice %arg12[%rem3A_119, %dma_wait3A_176, %dma_wait3A_177] : memref<2x40x128xi32, #tpu.memory_space<vmem>> -> memref<1x40x128xi32, #tpu.memory_space<vmem>>
        %dma_wait3A_179 = tpu.memref_squeeze %dma_wait3A_178 : memref<1x40x128xi32, #tpu.memory_space<vmem>> -> memref<40x128xi32, #tpu.memory_space<vmem>>
        %dma_wait3A_180 = arith.constant 0 : i32
        %dma_wait3A_181 = tpu.memref_slice %arg3[%multiple_of3A_167, %dma_wait3A_180] : memref<160000x128xi32, #tpu.memory_space<hbm>> -> memref<40x128xi32, #tpu.memory_space<hbm>>
        tpu.wait_dma2 semaphore(%dma_wait3A_175 : memref<!tpu.dma_semaphore, #tpu.memory_space<semaphore_mem>>) src(%dma_wait3A_181 : memref<40x128xi32, #tpu.memory_space<hbm>>) dst(%dma_wait3A_179 : memref<40x128xi32, #tpu.memory_space<vmem>>)
        %parallel_loop3A = arith.constant 0 : i32
        %parallel_loop3A_182 = arith.constant 40 : i32
        %parallel_loop3A_183 = arith.constant 1 : i32
        scf.for %parallel_loop3A_196 = %parallel_loop3A to %parallel_loop3A_182 step %parallel_loop3A_183  : i32 {
          %parallel_loop3A_197 = arith.index_cast %rem3A_119 : i32 to index
          %parallel_loop3A_198 = arith.index_cast %parallel_loop3A_196 : i32 to index
          %parallel_loop3A_199 = arith.constant 0 : index
          %parallel_loop3A_200 = tpu.vector_load %arg12[%parallel_loop3A_197, %parallel_loop3A_198, %parallel_loop3A_199] {strides = array<i32>} : memref<2x40x128xi32, #tpu.memory_space<vmem>>, vector<1x1x16xi32>,
          %parallel_loop3A_201 = vector.shape_cast %parallel_loop3A_200 : vector<1x1x16xi32> to vector<16xi32>
          %parallel_loop3A_202 = arith.constant 16 : i32
          %parallel_loop3A_203 = vector.broadcast %parallel_loop3A_202 : i32 to vector<16xi32>
          %parallel_loop3A_204 = arith.shli %parallel_loop3A_201, %parallel_loop3A_203 : vector<16xi32>
          %parallel_loop3A_205 = tpu.bitcast %parallel_loop3A_204 : vector<16xi32> -> vector<16xf32>
          %parallel_loop3A_206 = arith.constant -65536 : i32
          %parallel_loop3A_207 = vector.broadcast %parallel_loop3A_206 : i32 to vector<16xi32>
          %parallel_loop3A_208 = arith.andi %parallel_loop3A_201, %parallel_loop3A_207 : vector<16xi32>
          %parallel_loop3A_209 = tpu.bitcast %parallel_loop3A_208 : vector<16xi32> -> vector<16xf32>
          %parallel_loop3A_210 = arith.constant 2 : i32
          %parallel_loop3A_211 = arith.muli %parallel_loop3A_210, %parallel_loop3A_196 : i32
          %parallel_loop3A_212 = arith.index_cast %rem3A_113 : i32 to index
          %parallel_loop3A_213 = arith.index_cast %parallel_loop3A_211 : i32 to index
          %parallel_loop3A_214 = arith.constant 0 : index
          %parallel_loop3A_215 = tpu.vector_load %arg11[%parallel_loop3A_212, %parallel_loop3A_213, %parallel_loop3A_214] {strides = array<i32>} : memref<3x80x128xf32, #tpu.memory_space<vmem>>, vector<1x1x16xf32>,
          %parallel_loop3A_216 = vector.shape_cast %parallel_loop3A_215 : vector<1x1x16xf32> to vector<16xf32>
          %parallel_loop3A_217 = arith.addf %parallel_loop3A_216, %parallel_loop3A_205 : vector<16xf32>
          %parallel_loop3A_218 = arith.constant 0.000000e+00 : f32
          %parallel_loop3A_219 = vector.broadcast %parallel_loop3A_218 : f32 to vector<16xf32>
          %parallel_loop3A_220 = arith.maximumf %parallel_loop3A_217, %parallel_loop3A_219 : vector<16xf32>
          %parallel_loop3A_221 = arith.constant 2 : i32
          %parallel_loop3A_222 = arith.muli %parallel_loop3A_221, %parallel_loop3A_196 : i32
          %parallel_loop3A_223 = arith.index_cast %rem3A_113 : i32 to index
          %parallel_loop3A_224 = arith.index_cast %parallel_loop3A_222 : i32 to index
          %parallel_loop3A_225 = arith.constant 0 : index
          %parallel_loop3A_226 = tpu.vector_load %arg11[%parallel_loop3A_223, %parallel_loop3A_224, %parallel_loop3A_225] {strides = array<i32>} : memref<3x80x128xf32, #tpu.memory_space<vmem>>, vector<1x1x16xf32>,
          %parallel_loop3A_227 = vector.shape_cast %parallel_loop3A_226 : vector<1x1x16xf32> to vector<16xf32>
          %parallel_loop3A_228 = vector.shape_cast %parallel_loop3A_220 : vector<16xf32> to vector<1x1x16xf32>
          tpu.vector_store %arg11[%parallel_loop3A_223, %parallel_loop3A_224, %parallel_loop3A_225], %parallel_loop3A_228 {strides = array<i32>} : memref<3x80x128xf32, #tpu.memory_space<vmem>>, vector<1x1x16xf32>,
          %parallel_loop3A_229 = arith.constant 2 : i32
          %parallel_loop3A_230 = arith.muli %parallel_loop3A_229, %parallel_loop3A_196 : i32
          %parallel_loop3A_231 = arith.constant 1 : i32
          %parallel_loop3A_232 = arith.addi %parallel_loop3A_230, %parallel_loop3A_231 : i32
          %parallel_loop3A_233 = arith.index_cast %rem3A_113 : i32 to index
          %parallel_loop3A_234 = arith.index_cast %parallel_loop3A_232 : i32 to index
          %parallel_loop3A_235 = arith.constant 0 : index
          %parallel_loop3A_236 = tpu.vector_load %arg11[%parallel_loop3A_233, %parallel_loop3A_234, %parallel_loop3A_235] {strides = array<i32>} : memref<3x80x128xf32, #tpu.memory_space<vmem>>, vector<1x1x16xf32>,
          %parallel_loop3A_237 = vector.shape_cast %parallel_loop3A_236 : vector<1x1x16xf32> to vector<16xf32>
          %parallel_loop3A_238 = arith.addf %parallel_loop3A_237, %parallel_loop3A_209 : vector<16xf32>
          %parallel_loop3A_239 = arith.constant 0.000000e+00 : f32
          %parallel_loop3A_240 = vector.broadcast %parallel_loop3A_239 : f32 to vector<16xf32>
          %parallel_loop3A_241 = arith.maximumf %parallel_loop3A_238, %parallel_loop3A_240 : vector<16xf32>
          %parallel_loop3A_242 = arith.constant 2 : i32
          %parallel_loop3A_243 = arith.muli %parallel_loop3A_242, %parallel_loop3A_196 : i32
          %parallel_loop3A_244 = arith.constant 1 : i32
          %parallel_loop3A_245 = arith.addi %parallel_loop3A_243, %parallel_loop3A_244 : i32
          %parallel_loop3A_246 = arith.index_cast %rem3A_113 : i32 to index
          %parallel_loop3A_247 = arith.index_cast %parallel_loop3A_245 : i32 to index
          %parallel_loop3A_248 = arith.constant 0 : index
          %parallel_loop3A_249 = tpu.vector_load %arg11[%parallel_loop3A_246, %parallel_loop3A_247, %parallel_loop3A_248] {strides = array<i32>} : memref<3x80x128xf32, #tpu.memory_space<vmem>>, vector<1x1x16xf32>,
          %parallel_loop3A_250 = vector.shape_cast %parallel_loop3A_249 : vector<1x1x16xf32> to vector<16xf32>
          %parallel_loop3A_251 = vector.shape_cast %parallel_loop3A_241 : vector<16xf32> to vector<1x1x16xf32>
          tpu.vector_store %arg11[%parallel_loop3A_246, %parallel_loop3A_247, %parallel_loop3A_248], %parallel_loop3A_251 {strides = array<i32>} : memref<3x80x128xf32, #tpu.memory_space<vmem>>, vector<1x1x16xf32>,
          %parallel_loop3A_252 = arith.index_cast %rem3A_119 : i32 to index
          %parallel_loop3A_253 = arith.index_cast %parallel_loop3A_196 : i32 to index
          %parallel_loop3A_254 = arith.constant 16 : index
          %parallel_loop3A_255 = tpu.vector_load %arg12[%parallel_loop3A_252, %parallel_loop3A_253, %parallel_loop3A_254] {strides = array<i32>} : memref<2x40x128xi32, #tpu.memory_space<vmem>>, vector<1x1x16xi32>,
          %parallel_loop3A_256 = vector.shape_cast %parallel_loop3A_255 : vector<1x1x16xi32> to vector<16xi32>
          %parallel_loop3A_257 = arith.constant 16 : i32
          %parallel_loop3A_258 = vector.broadcast %parallel_loop3A_257 : i32 to vector<16xi32>
          %parallel_loop3A_259 = arith.shli %parallel_loop3A_256, %parallel_loop3A_258 : vector<16xi32>
          %parallel_loop3A_260 = tpu.bitcast %parallel_loop3A_259 : vector<16xi32> -> vector<16xf32>
          %parallel_loop3A_261 = arith.constant -65536 : i32
          %parallel_loop3A_262 = vector.broadcast %parallel_loop3A_261 : i32 to vector<16xi32>
          %parallel_loop3A_263 = arith.andi %parallel_loop3A_256, %parallel_loop3A_262 : vector<16xi32>
          %parallel_loop3A_264 = tpu.bitcast %parallel_loop3A_263 : vector<16xi32> -> vector<16xf32>
          %parallel_loop3A_265 = arith.constant 2 : i32
          %parallel_loop3A_266 = arith.muli %parallel_loop3A_265, %parallel_loop3A_196 : i32
          %parallel_loop3A_267 = arith.index_cast %rem3A_113 : i32 to index
          %parallel_loop3A_268 = arith.index_cast %parallel_loop3A_266 : i32 to index
          %parallel_loop3A_269 = arith.constant 16 : index
          %parallel_loop3A_270 = tpu.vector_load %arg11[%parallel_loop3A_267, %parallel_loop3A_268, %parallel_loop3A_269] {strides = array<i32>} : memref<3x80x128xf32, #tpu.memory_space<vmem>>, vector<1x1x16xf32>,
          %parallel_loop3A_271 = vector.shape_cast %parallel_loop3A_270 : vector<1x1x16xf32> to vector<16xf32>
          %parallel_loop3A_272 = arith.addf %parallel_loop3A_271, %parallel_loop3A_260 : vector<16xf32>
          %parallel_loop3A_273 = arith.constant 0.000000e+00 : f32
          %parallel_loop3A_274 = vector.broadcast %parallel_loop3A_273 : f32 to vector<16xf32>
          %parallel_loop3A_275 = arith.maximumf %parallel_loop3A_272, %parallel_loop3A_274 : vector<16xf32>
          %parallel_loop3A_276 = arith.constant 2 : i32
          %parallel_loop3A_277 = arith.muli %parallel_loop3A_276, %parallel_loop3A_196 : i32
          %parallel_loop3A_278 = arith.index_cast %rem3A_113 : i32 to index
          %parallel_loop3A_279 = arith.index_cast %parallel_loop3A_277 : i32 to index
          %parallel_loop3A_280 = arith.constant 16 : index
          %parallel_loop3A_281 = tpu.vector_load %arg11[%parallel_loop3A_278, %parallel_loop3A_279, %parallel_loop3A_280] {strides = array<i32>} : memref<3x80x128xf32, #tpu.memory_space<vmem>>, vector<1x1x16xf32>,
          %parallel_loop3A_282 = vector.shape_cast %parallel_loop3A_281 : vector<1x1x16xf32> to vector<16xf32>
          %parallel_loop3A_283 = vector.shape_cast %parallel_loop3A_275 : vector<16xf32> to vector<1x1x16xf32>
          tpu.vector_store %arg11[%parallel_loop3A_278, %parallel_loop3A_279, %parallel_loop3A_280], %parallel_loop3A_283 {strides = array<i32>} : memref<3x80x128xf32, #tpu.memory_space<vmem>>, vector<1x1x16xf32>,
          %parallel_loop3A_284 = arith.constant 2 : i32
          %parallel_loop3A_285 = arith.muli %parallel_loop3A_284, %parallel_loop3A_196 : i32
          %parallel_loop3A_286 = arith.constant 1 : i32
          %parallel_loop3A_287 = arith.addi %parallel_loop3A_285, %parallel_loop3A_286 : i32
          %parallel_loop3A_288 = arith.index_cast %rem3A_113 : i32 to index
          %parallel_loop3A_289 = arith.index_cast %parallel_loop3A_287 : i32 to index
          %parallel_loop3A_290 = arith.constant 16 : index
          %parallel_loop3A_291 = tpu.vector_load %arg11[%parallel_loop3A_288, %parallel_loop3A_289, %parallel_loop3A_290] {strides = array<i32>} : memref<3x80x128xf32, #tpu.memory_space<vmem>>, vector<1x1x16xf32>,
          %parallel_loop3A_292 = vector.shape_cast %parallel_loop3A_291 : vector<1x1x16xf32> to vector<16xf32>
          %parallel_loop3A_293 = arith.addf %parallel_loop3A_292, %parallel_loop3A_264 : vector<16xf32>
          %parallel_loop3A_294 = arith.constant 0.000000e+00 : f32
          %parallel_loop3A_295 = vector.broadcast %parallel_loop3A_294 : f32 to vector<16xf32>
          %parallel_loop3A_296 = arith.maximumf %parallel_loop3A_293, %parallel_loop3A_295 : vector<16xf32>
          %parallel_loop3A_297 = arith.constant 2 : i32
          %parallel_loop3A_298 = arith.muli %parallel_loop3A_297, %parallel_loop3A_196 : i32
          %parallel_loop3A_299 = arith.constant 1 : i32
          %parallel_loop3A_300 = arith.addi %parallel_loop3A_298, %parallel_loop3A_299 : i32
          %parallel_loop3A_301 = arith.index_cast %rem3A_113 : i32 to index
          %parallel_loop3A_302 = arith.index_cast %parallel_loop3A_300 : i32 to index
          %parallel_loop3A_303 = arith.constant 16 : index
          %parallel_loop3A_304 = tpu.vector_load %arg11[%parallel_loop3A_301, %parallel_loop3A_302, %parallel_loop3A_303] {strides = array<i32>} : memref<3x80x128xf32, #tpu.memory_space<vmem>>, vector<1x1x16xf32>,
          %parallel_loop3A_305 = vector.shape_cast %parallel_loop3A_304 : vector<1x1x16xf32> to vector<16xf32>
          %parallel_loop3A_306 = vector.shape_cast %parallel_loop3A_296 : vector<16xf32> to vector<1x1x16xf32>
          tpu.vector_store %arg11[%parallel_loop3A_301, %parallel_loop3A_302, %parallel_loop3A_303], %parallel_loop3A_306 {strides = array<i32>} : memref<3x80x128xf32, #tpu.memory_space<vmem>>, vector<1x1x16xf32>,
          %parallel_loop3A_307 = arith.index_cast %rem3A_119 : i32 to index
          %parallel_loop3A_308 = arith.index_cast %parallel_loop3A_196 : i32 to index
          %parallel_loop3A_309 = arith.constant 32 : index
          %parallel_loop3A_310 = tpu.vector_load %arg12[%parallel_loop3A_307, %parallel_loop3A_308, %parallel_loop3A_309] {strides = array<i32>} : memref<2x40x128xi32, #tpu.memory_space<vmem>>, vector<1x1x16xi32>,
          %parallel_loop3A_311 = vector.shape_cast %parallel_loop3A_310 : vector<1x1x16xi32> to vector<16xi32>
          %parallel_loop3A_312 = arith.constant 16 : i32
          %parallel_loop3A_313 = vector.broadcast %parallel_loop3A_312 : i32 to vector<16xi32>
          %parallel_loop3A_314 = arith.shli %parallel_loop3A_311, %parallel_loop3A_313 : vector<16xi32>
          %parallel_loop3A_315 = tpu.bitcast %parallel_loop3A_314 : vector<16xi32> -> vector<16xf32>
          %parallel_loop3A_316 = arith.constant -65536 : i32
          %parallel_loop3A_317 = vector.broadcast %parallel_loop3A_316 : i32 to vector<16xi32>
          %parallel_loop3A_318 = arith.andi %parallel_loop3A_311, %parallel_loop3A_317 : vector<16xi32>
          %parallel_loop3A_319 = tpu.bitcast %parallel_loop3A_318 : vector<16xi32> -> vector<16xf32>
          %parallel_loop3A_320 = arith.constant 2 : i32
          %parallel_loop3A_321 = arith.muli %parallel_loop3A_320, %parallel_loop3A_196 : i32
          %parallel_loop3A_322 = arith.index_cast %rem3A_113 : i32 to index
          %parallel_loop3A_323 = arith.index_cast %parallel_loop3A_321 : i32 to index
          %parallel_loop3A_324 = arith.constant 32 : index
          %parallel_loop3A_325 = tpu.vector_load %arg11[%parallel_loop3A_322, %parallel_loop3A_323, %parallel_loop3A_324] {strides = array<i32>} : memref<3x80x128xf32, #tpu.memory_space<vmem>>, vector<1x1x16xf32>,
          %parallel_loop3A_326 = vector.shape_cast %parallel_loop3A_325 : vector<1x1x16xf32> to vector<16xf32>
          %parallel_loop3A_327 = arith.addf %parallel_loop3A_326, %parallel_loop3A_315 : vector<16xf32>
          %parallel_loop3A_328 = arith.constant 0.000000e+00 : f32
          %parallel_loop3A_329 = vector.broadcast %parallel_loop3A_328 : f32 to vector<16xf32>
          %parallel_loop3A_330 = arith.maximumf %parallel_loop3A_327, %parallel_loop3A_329 : vector<16xf32>
          %parallel_loop3A_331 = arith.constant 2 : i32
          %parallel_loop3A_332 = arith.muli %parallel_loop3A_331, %parallel_loop3A_196 : i32
          %parallel_loop3A_333 = arith.index_cast %rem3A_113 : i32 to index
          %parallel_loop3A_334 = arith.index_cast %parallel_loop3A_332 : i32 to index
          %parallel_loop3A_335 = arith.constant 32 : index
          %parallel_loop3A_336 = tpu.vector_load %arg11[%parallel_loop3A_333, %parallel_loop3A_334, %parallel_loop3A_335] {strides = array<i32>} : memref<3x80x128xf32, #tpu.memory_space<vmem>>, vector<1x1x16xf32>,
          %parallel_loop3A_337 = vector.shape_cast %parallel_loop3A_336 : vector<1x1x16xf32> to vector<16xf32>
          %parallel_loop3A_338 = vector.shape_cast %parallel_loop3A_330 : vector<16xf32> to vector<1x1x16xf32>
          tpu.vector_store %arg11[%parallel_loop3A_333, %parallel_loop3A_334, %parallel_loop3A_335], %parallel_loop3A_338 {strides = array<i32>} : memref<3x80x128xf32, #tpu.memory_space<vmem>>, vector<1x1x16xf32>,
          %parallel_loop3A_339 = arith.constant 2 : i32
          %parallel_loop3A_340 = arith.muli %parallel_loop3A_339, %parallel_loop3A_196 : i32
          %parallel_loop3A_341 = arith.constant 1 : i32
          %parallel_loop3A_342 = arith.addi %parallel_loop3A_340, %parallel_loop3A_341 : i32
          %parallel_loop3A_343 = arith.index_cast %rem3A_113 : i32 to index
          %parallel_loop3A_344 = arith.index_cast %parallel_loop3A_342 : i32 to index
          %parallel_loop3A_345 = arith.constant 32 : index
          %parallel_loop3A_346 = tpu.vector_load %arg11[%parallel_loop3A_343, %parallel_loop3A_344, %parallel_loop3A_345] {strides = array<i32>} : memref<3x80x128xf32, #tpu.memory_space<vmem>>, vector<1x1x16xf32>,
          %parallel_loop3A_347 = vector.shape_cast %parallel_loop3A_346 : vector<1x1x16xf32> to vector<16xf32>
          %parallel_loop3A_348 = arith.addf %parallel_loop3A_347, %parallel_loop3A_319 : vector<16xf32>
          %parallel_loop3A_349 = arith.constant 0.000000e+00 : f32
          %parallel_loop3A_350 = vector.broadcast %parallel_loop3A_349 : f32 to vector<16xf32>
          %parallel_loop3A_351 = arith.maximumf %parallel_loop3A_348, %parallel_loop3A_350 : vector<16xf32>
          %parallel_loop3A_352 = arith.constant 2 : i32
          %parallel_loop3A_353 = arith.muli %parallel_loop3A_352, %parallel_loop3A_196 : i32
          %parallel_loop3A_354 = arith.constant 1 : i32
          %parallel_loop3A_355 = arith.addi %parallel_loop3A_353, %parallel_loop3A_354 : i32
          %parallel_loop3A_356 = arith.index_cast %rem3A_113 : i32 to index
          %parallel_loop3A_357 = arith.index_cast %parallel_loop3A_355 : i32 to index
          %parallel_loop3A_358 = arith.constant 32 : index
          %parallel_loop3A_359 = tpu.vector_load %arg11[%parallel_loop3A_356, %parallel_loop3A_357, %parallel_loop3A_358] {strides = array<i32>} : memref<3x80x128xf32, #tpu.memory_space<vmem>>, vector<1x1x16xf32>,
          %parallel_loop3A_360 = vector.shape_cast %parallel_loop3A_359 : vector<1x1x16xf32> to vector<16xf32>
          %parallel_loop3A_361 = vector.shape_cast %parallel_loop3A_351 : vector<16xf32> to vector<1x1x16xf32>
          tpu.vector_store %arg11[%parallel_loop3A_356, %parallel_loop3A_357, %parallel_loop3A_358], %parallel_loop3A_361 {strides = array<i32>} : memref<3x80x128xf32, #tpu.memory_space<vmem>>, vector<1x1x16xf32>,
          %parallel_loop3A_362 = arith.index_cast %rem3A_119 : i32 to index
          %parallel_loop3A_363 = arith.index_cast %parallel_loop3A_196 : i32 to index
          %parallel_loop3A_364 = arith.constant 48 : index
          %parallel_loop3A_365 = tpu.vector_load %arg12[%parallel_loop3A_362, %parallel_loop3A_363, %parallel_loop3A_364] {strides = array<i32>} : memref<2x40x128xi32, #tpu.memory_space<vmem>>, vector<1x1x16xi32>,
          %parallel_loop3A_366 = vector.shape_cast %parallel_loop3A_365 : vector<1x1x16xi32> to vector<16xi32>
          %parallel_loop3A_367 = arith.constant 16 : i32
          %parallel_loop3A_368 = vector.broadcast %parallel_loop3A_367 : i32 to vector<16xi32>
          %parallel_loop3A_369 = arith.shli %parallel_loop3A_366, %parallel_loop3A_368 : vector<16xi32>
          %parallel_loop3A_370 = tpu.bitcast %parallel_loop3A_369 : vector<16xi32> -> vector<16xf32>
          %parallel_loop3A_371 = arith.constant -65536 : i32
          %parallel_loop3A_372 = vector.broadcast %parallel_loop3A_371 : i32 to vector<16xi32>
          %parallel_loop3A_373 = arith.andi %parallel_loop3A_366, %parallel_loop3A_372 : vector<16xi32>
          %parallel_loop3A_374 = tpu.bitcast %parallel_loop3A_373 : vector<16xi32> -> vector<16xf32>
          %parallel_loop3A_375 = arith.constant 2 : i32
          %parallel_loop3A_376 = arith.muli %parallel_loop3A_375, %parallel_loop3A_196 : i32
          %parallel_loop3A_377 = arith.index_cast %rem3A_113 : i32 to index
          %parallel_loop3A_378 = arith.index_cast %parallel_loop3A_376 : i32 to index
          %parallel_loop3A_379 = arith.constant 48 : index
          %parallel_loop3A_380 = tpu.vector_load %arg11[%parallel_loop3A_377, %parallel_loop3A_378, %parallel_loop3A_379] {strides = array<i32>} : memref<3x80x128xf32, #tpu.memory_space<vmem>>, vector<1x1x16xf32>,
          %parallel_loop3A_381 = vector.shape_cast %parallel_loop3A_380 : vector<1x1x16xf32> to vector<16xf32>
          %parallel_loop3A_382 = arith.addf %parallel_loop3A_381, %parallel_loop3A_370 : vector<16xf32>
          %parallel_loop3A_383 = arith.constant 0.000000e+00 : f32
          %parallel_loop3A_384 = vector.broadcast %parallel_loop3A_383 : f32 to vector<16xf32>
          %parallel_loop3A_385 = arith.maximumf %parallel_loop3A_382, %parallel_loop3A_384 : vector<16xf32>
          %parallel_loop3A_386 = arith.constant 2 : i32
          %parallel_loop3A_387 = arith.muli %parallel_loop3A_386, %parallel_loop3A_196 : i32
          %parallel_loop3A_388 = arith.index_cast %rem3A_113 : i32 to index
          %parallel_loop3A_389 = arith.index_cast %parallel_loop3A_387 : i32 to index
          %parallel_loop3A_390 = arith.constant 48 : index
          %parallel_loop3A_391 = tpu.vector_load %arg11[%parallel_loop3A_388, %parallel_loop3A_389, %parallel_loop3A_390] {strides = array<i32>} : memref<3x80x128xf32, #tpu.memory_space<vmem>>, vector<1x1x16xf32>,
          %parallel_loop3A_392 = vector.shape_cast %parallel_loop3A_391 : vector<1x1x16xf32> to vector<16xf32>
          %parallel_loop3A_393 = vector.shape_cast %parallel_loop3A_385 : vector<16xf32> to vector<1x1x16xf32>
          tpu.vector_store %arg11[%parallel_loop3A_388, %parallel_loop3A_389, %parallel_loop3A_390], %parallel_loop3A_393 {strides = array<i32>} : memref<3x80x128xf32, #tpu.memory_space<vmem>>, vector<1x1x16xf32>,
          %parallel_loop3A_394 = arith.constant 2 : i32
          %parallel_loop3A_395 = arith.muli %parallel_loop3A_394, %parallel_loop3A_196 : i32
          %parallel_loop3A_396 = arith.constant 1 : i32
          %parallel_loop3A_397 = arith.addi %parallel_loop3A_395, %parallel_loop3A_396 : i32
          %parallel_loop3A_398 = arith.index_cast %rem3A_113 : i32 to index
          %parallel_loop3A_399 = arith.index_cast %parallel_loop3A_397 : i32 to index
          %parallel_loop3A_400 = arith.constant 48 : index
          %parallel_loop3A_401 = tpu.vector_load %arg11[%parallel_loop3A_398, %parallel_loop3A_399, %parallel_loop3A_400] {strides = array<i32>} : memref<3x80x128xf32, #tpu.memory_space<vmem>>, vector<1x1x16xf32>,
          %parallel_loop3A_402 = vector.shape_cast %parallel_loop3A_401 : vector<1x1x16xf32> to vector<16xf32>
          %parallel_loop3A_403 = arith.addf %parallel_loop3A_402, %parallel_loop3A_374 : vector<16xf32>
          %parallel_loop3A_404 = arith.constant 0.000000e+00 : f32
          %parallel_loop3A_405 = vector.broadcast %parallel_loop3A_404 : f32 to vector<16xf32>
          %parallel_loop3A_406 = arith.maximumf %parallel_loop3A_403, %parallel_loop3A_405 : vector<16xf32>
          %parallel_loop3A_407 = arith.constant 2 : i32
          %parallel_loop3A_408 = arith.muli %parallel_loop3A_407, %parallel_loop3A_196 : i32
          %parallel_loop3A_409 = arith.constant 1 : i32
          %parallel_loop3A_410 = arith.addi %parallel_loop3A_408, %parallel_loop3A_409 : i32
          %parallel_loop3A_411 = arith.index_cast %rem3A_113 : i32 to index
          %parallel_loop3A_412 = arith.index_cast %parallel_loop3A_410 : i32 to index
          %parallel_loop3A_413 = arith.constant 48 : index
          %parallel_loop3A_414 = tpu.vector_load %arg11[%parallel_loop3A_411, %parallel_loop3A_412, %parallel_loop3A_413] {strides = array<i32>} : memref<3x80x128xf32, #tpu.memory_space<vmem>>, vector<1x1x16xf32>,
          %parallel_loop3A_415 = vector.shape_cast %parallel_loop3A_414 : vector<1x1x16xf32> to vector<16xf32>
          %parallel_loop3A_416 = vector.shape_cast %parallel_loop3A_406 : vector<16xf32> to vector<1x1x16xf32>
          tpu.vector_store %arg11[%parallel_loop3A_411, %parallel_loop3A_412, %parallel_loop3A_413], %parallel_loop3A_416 {strides = array<i32>} : memref<3x80x128xf32, #tpu.memory_space<vmem>>, vector<1x1x16xf32>,
          %parallel_loop3A_417 = arith.index_cast %rem3A_119 : i32 to index
          %parallel_loop3A_418 = arith.index_cast %parallel_loop3A_196 : i32 to index
          %parallel_loop3A_419 = arith.constant 64 : index
          %parallel_loop3A_420 = tpu.vector_load %arg12[%parallel_loop3A_417, %parallel_loop3A_418, %parallel_loop3A_419] {strides = array<i32>} : memref<2x40x128xi32, #tpu.memory_space<vmem>>, vector<1x1x16xi32>,
          %parallel_loop3A_421 = vector.shape_cast %parallel_loop3A_420 : vector<1x1x16xi32> to vector<16xi32>
          %parallel_loop3A_422 = arith.constant 16 : i32
          %parallel_loop3A_423 = vector.broadcast %parallel_loop3A_422 : i32 to vector<16xi32>
          %parallel_loop3A_424 = arith.shli %parallel_loop3A_421, %parallel_loop3A_423 : vector<16xi32>
          %parallel_loop3A_425 = tpu.bitcast %parallel_loop3A_424 : vector<16xi32> -> vector<16xf32>
          %parallel_loop3A_426 = arith.constant -65536 : i32
          %parallel_loop3A_427 = vector.broadcast %parallel_loop3A_426 : i32 to vector<16xi32>
          %parallel_loop3A_428 = arith.andi %parallel_loop3A_421, %parallel_loop3A_427 : vector<16xi32>
          %parallel_loop3A_429 = tpu.bitcast %parallel_loop3A_428 : vector<16xi32> -> vector<16xf32>
          %parallel_loop3A_430 = arith.constant 2 : i32
          %parallel_loop3A_431 = arith.muli %parallel_loop3A_430, %parallel_loop3A_196 : i32
          %parallel_loop3A_432 = arith.index_cast %rem3A_113 : i32 to index
          %parallel_loop3A_433 = arith.index_cast %parallel_loop3A_431 : i32 to index
          %parallel_loop3A_434 = arith.constant 64 : index
          %parallel_loop3A_435 = tpu.vector_load %arg11[%parallel_loop3A_432, %parallel_loop3A_433, %parallel_loop3A_434] {strides = array<i32>} : memref<3x80x128xf32, #tpu.memory_space<vmem>>, vector<1x1x16xf32>,
          %parallel_loop3A_436 = vector.shape_cast %parallel_loop3A_435 : vector<1x1x16xf32> to vector<16xf32>
          %parallel_loop3A_437 = arith.addf %parallel_loop3A_436, %parallel_loop3A_425 : vector<16xf32>
          %parallel_loop3A_438 = arith.constant 0.000000e+00 : f32
          %parallel_loop3A_439 = vector.broadcast %parallel_loop3A_438 : f32 to vector<16xf32>
          %parallel_loop3A_440 = arith.maximumf %parallel_loop3A_437, %parallel_loop3A_439 : vector<16xf32>
          %parallel_loop3A_441 = arith.constant 2 : i32
          %parallel_loop3A_442 = arith.muli %parallel_loop3A_441, %parallel_loop3A_196 : i32
          %parallel_loop3A_443 = arith.index_cast %rem3A_113 : i32 to index
          %parallel_loop3A_444 = arith.index_cast %parallel_loop3A_442 : i32 to index
          %parallel_loop3A_445 = arith.constant 64 : index
          %parallel_loop3A_446 = tpu.vector_load %arg11[%parallel_loop3A_443, %parallel_loop3A_444, %parallel_loop3A_445] {strides = array<i32>} : memref<3x80x128xf32, #tpu.memory_space<vmem>>, vector<1x1x16xf32>,
          %parallel_loop3A_447 = vector.shape_cast %parallel_loop3A_446 : vector<1x1x16xf32> to vector<16xf32>
          %parallel_loop3A_448 = vector.shape_cast %parallel_loop3A_440 : vector<16xf32> to vector<1x1x16xf32>
          tpu.vector_store %arg11[%parallel_loop3A_443, %parallel_loop3A_444, %parallel_loop3A_445], %parallel_loop3A_448 {strides = array<i32>} : memref<3x80x128xf32, #tpu.memory_space<vmem>>, vector<1x1x16xf32>,
          %parallel_loop3A_449 = arith.constant 2 : i32
          %parallel_loop3A_450 = arith.muli %parallel_loop3A_449, %parallel_loop3A_196 : i32
          %parallel_loop3A_451 = arith.constant 1 : i32
          %parallel_loop3A_452 = arith.addi %parallel_loop3A_450, %parallel_loop3A_451 : i32
          %parallel_loop3A_453 = arith.index_cast %rem3A_113 : i32 to index
          %parallel_loop3A_454 = arith.index_cast %parallel_loop3A_452 : i32 to index
          %parallel_loop3A_455 = arith.constant 64 : index
          %parallel_loop3A_456 = tpu.vector_load %arg11[%parallel_loop3A_453, %parallel_loop3A_454, %parallel_loop3A_455] {strides = array<i32>} : memref<3x80x128xf32, #tpu.memory_space<vmem>>, vector<1x1x16xf32>,
          %parallel_loop3A_457 = vector.shape_cast %parallel_loop3A_456 : vector<1x1x16xf32> to vector<16xf32>
          %parallel_loop3A_458 = arith.addf %parallel_loop3A_457, %parallel_loop3A_429 : vector<16xf32>
          %parallel_loop3A_459 = arith.constant 0.000000e+00 : f32
          %parallel_loop3A_460 = vector.broadcast %parallel_loop3A_459 : f32 to vector<16xf32>
          %parallel_loop3A_461 = arith.maximumf %parallel_loop3A_458, %parallel_loop3A_460 : vector<16xf32>
          %parallel_loop3A_462 = arith.constant 2 : i32
          %parallel_loop3A_463 = arith.muli %parallel_loop3A_462, %parallel_loop3A_196 : i32
          %parallel_loop3A_464 = arith.constant 1 : i32
          %parallel_loop3A_465 = arith.addi %parallel_loop3A_463, %parallel_loop3A_464 : i32
          %parallel_loop3A_466 = arith.index_cast %rem3A_113 : i32 to index
          %parallel_loop3A_467 = arith.index_cast %parallel_loop3A_465 : i32 to index
          %parallel_loop3A_468 = arith.constant 64 : index
          %parallel_loop3A_469 = tpu.vector_load %arg11[%parallel_loop3A_466, %parallel_loop3A_467, %parallel_loop3A_468] {strides = array<i32>} : memref<3x80x128xf32, #tpu.memory_space<vmem>>, vector<1x1x16xf32>,
          %parallel_loop3A_470 = vector.shape_cast %parallel_loop3A_469 : vector<1x1x16xf32> to vector<16xf32>
          %parallel_loop3A_471 = vector.shape_cast %parallel_loop3A_461 : vector<16xf32> to vector<1x1x16xf32>
          tpu.vector_store %arg11[%parallel_loop3A_466, %parallel_loop3A_467, %parallel_loop3A_468], %parallel_loop3A_471 {strides = array<i32>} : memref<3x80x128xf32, #tpu.memory_space<vmem>>, vector<1x1x16xf32>,
          %parallel_loop3A_472 = arith.index_cast %rem3A_119 : i32 to index
          %parallel_loop3A_473 = arith.index_cast %parallel_loop3A_196 : i32 to index
          %parallel_loop3A_474 = arith.constant 80 : index
          %parallel_loop3A_475 = tpu.vector_load %arg12[%parallel_loop3A_472, %parallel_loop3A_473, %parallel_loop3A_474] {strides = array<i32>} : memref<2x40x128xi32, #tpu.memory_space<vmem>>, vector<1x1x16xi32>,
          %parallel_loop3A_476 = vector.shape_cast %parallel_loop3A_475 : vector<1x1x16xi32> to vector<16xi32>
          %parallel_loop3A_477 = arith.constant 16 : i32
          %parallel_loop3A_478 = vector.broadcast %parallel_loop3A_477 : i32 to vector<16xi32>
          %parallel_loop3A_479 = arith.shli %parallel_loop3A_476, %parallel_loop3A_478 : vector<16xi32>
          %parallel_loop3A_480 = tpu.bitcast %parallel_loop3A_479 : vector<16xi32> -> vector<16xf32>
          %parallel_loop3A_481 = arith.constant -65536 : i32
          %parallel_loop3A_482 = vector.broadcast %parallel_loop3A_481 : i32 to vector<16xi32>
          %parallel_loop3A_483 = arith.andi %parallel_loop3A_476, %parallel_loop3A_482 : vector<16xi32>
          %parallel_loop3A_484 = tpu.bitcast %parallel_loop3A_483 : vector<16xi32> -> vector<16xf32>
          %parallel_loop3A_485 = arith.constant 2 : i32
          %parallel_loop3A_486 = arith.muli %parallel_loop3A_485, %parallel_loop3A_196 : i32
          %parallel_loop3A_487 = arith.index_cast %rem3A_113 : i32 to index
          %parallel_loop3A_488 = arith.index_cast %parallel_loop3A_486 : i32 to index
          %parallel_loop3A_489 = arith.constant 80 : index
          %parallel_loop3A_490 = tpu.vector_load %arg11[%parallel_loop3A_487, %parallel_loop3A_488, %parallel_loop3A_489] {strides = array<i32>} : memref<3x80x128xf32, #tpu.memory_space<vmem>>, vector<1x1x16xf32>,
          %parallel_loop3A_491 = vector.shape_cast %parallel_loop3A_490 : vector<1x1x16xf32> to vector<16xf32>
          %parallel_loop3A_492 = arith.addf %parallel_loop3A_491, %parallel_loop3A_480 : vector<16xf32>
          %parallel_loop3A_493 = arith.constant 0.000000e+00 : f32
          %parallel_loop3A_494 = vector.broadcast %parallel_loop3A_493 : f32 to vector<16xf32>
          %parallel_loop3A_495 = arith.maximumf %parallel_loop3A_492, %parallel_loop3A_494 : vector<16xf32>
          %parallel_loop3A_496 = arith.constant 2 : i32
          %parallel_loop3A_497 = arith.muli %parallel_loop3A_496, %parallel_loop3A_196 : i32
          %parallel_loop3A_498 = arith.index_cast %rem3A_113 : i32 to index
          %parallel_loop3A_499 = arith.index_cast %parallel_loop3A_497 : i32 to index
          %parallel_loop3A_500 = arith.constant 80 : index
          %parallel_loop3A_501 = tpu.vector_load %arg11[%parallel_loop3A_498, %parallel_loop3A_499, %parallel_loop3A_500] {strides = array<i32>} : memref<3x80x128xf32, #tpu.memory_space<vmem>>, vector<1x1x16xf32>,
          %parallel_loop3A_502 = vector.shape_cast %parallel_loop3A_501 : vector<1x1x16xf32> to vector<16xf32>
          %parallel_loop3A_503 = vector.shape_cast %parallel_loop3A_495 : vector<16xf32> to vector<1x1x16xf32>
          tpu.vector_store %arg11[%parallel_loop3A_498, %parallel_loop3A_499, %parallel_loop3A_500], %parallel_loop3A_503 {strides = array<i32>} : memref<3x80x128xf32, #tpu.memory_space<vmem>>, vector<1x1x16xf32>,
          %parallel_loop3A_504 = arith.constant 2 : i32
          %parallel_loop3A_505 = arith.muli %parallel_loop3A_504, %parallel_loop3A_196 : i32
          %parallel_loop3A_506 = arith.constant 1 : i32
          %parallel_loop3A_507 = arith.addi %parallel_loop3A_505, %parallel_loop3A_506 : i32
          %parallel_loop3A_508 = arith.index_cast %rem3A_113 : i32 to index
          %parallel_loop3A_509 = arith.index_cast %parallel_loop3A_507 : i32 to index
          %parallel_loop3A_510 = arith.constant 80 : index
          %parallel_loop3A_511 = tpu.vector_load %arg11[%parallel_loop3A_508, %parallel_loop3A_509, %parallel_loop3A_510] {strides = array<i32>} : memref<3x80x128xf32, #tpu.memory_space<vmem>>, vector<1x1x16xf32>,
          %parallel_loop3A_512 = vector.shape_cast %parallel_loop3A_511 : vector<1x1x16xf32> to vector<16xf32>
          %parallel_loop3A_513 = arith.addf %parallel_loop3A_512, %parallel_loop3A_484 : vector<16xf32>
          %parallel_loop3A_514 = arith.constant 0.000000e+00 : f32
          %parallel_loop3A_515 = vector.broadcast %parallel_loop3A_514 : f32 to vector<16xf32>
          %parallel_loop3A_516 = arith.maximumf %parallel_loop3A_513, %parallel_loop3A_515 : vector<16xf32>
          %parallel_loop3A_517 = arith.constant 2 : i32
          %parallel_loop3A_518 = arith.muli %parallel_loop3A_517, %parallel_loop3A_196 : i32
          %parallel_loop3A_519 = arith.constant 1 : i32
          %parallel_loop3A_520 = arith.addi %parallel_loop3A_518, %parallel_loop3A_519 : i32
          %parallel_loop3A_521 = arith.index_cast %rem3A_113 : i32 to index
          %parallel_loop3A_522 = arith.index_cast %parallel_loop3A_520 : i32 to index
          %parallel_loop3A_523 = arith.constant 80 : index
          %parallel_loop3A_524 = tpu.vector_load %arg11[%parallel_loop3A_521, %parallel_loop3A_522, %parallel_loop3A_523] {strides = array<i32>} : memref<3x80x128xf32, #tpu.memory_space<vmem>>, vector<1x1x16xf32>,
          %parallel_loop3A_525 = vector.shape_cast %parallel_loop3A_524 : vector<1x1x16xf32> to vector<16xf32>
          %parallel_loop3A_526 = vector.shape_cast %parallel_loop3A_516 : vector<16xf32> to vector<1x1x16xf32>
          tpu.vector_store %arg11[%parallel_loop3A_521, %parallel_loop3A_522, %parallel_loop3A_523], %parallel_loop3A_526 {strides = array<i32>} : memref<3x80x128xf32, #tpu.memory_space<vmem>>, vector<1x1x16xf32>,
          %parallel_loop3A_527 = arith.index_cast %rem3A_119 : i32 to index
          %parallel_loop3A_528 = arith.index_cast %parallel_loop3A_196 : i32 to index
          %parallel_loop3A_529 = arith.constant 96 : index
          %parallel_loop3A_530 = tpu.vector_load %arg12[%parallel_loop3A_527, %parallel_loop3A_528, %parallel_loop3A_529] {strides = array<i32>} : memref<2x40x128xi32, #tpu.memory_space<vmem>>, vector<1x1x16xi32>,
          %parallel_loop3A_531 = vector.shape_cast %parallel_loop3A_530 : vector<1x1x16xi32> to vector<16xi32>
          %parallel_loop3A_532 = arith.constant 16 : i32
          %parallel_loop3A_533 = vector.broadcast %parallel_loop3A_532 : i32 to vector<16xi32>
          %parallel_loop3A_534 = arith.shli %parallel_loop3A_531, %parallel_loop3A_533 : vector<16xi32>
          %parallel_loop3A_535 = tpu.bitcast %parallel_loop3A_534 : vector<16xi32> -> vector<16xf32>
          %parallel_loop3A_536 = arith.constant -65536 : i32
          %parallel_loop3A_537 = vector.broadcast %parallel_loop3A_536 : i32 to vector<16xi32>
          %parallel_loop3A_538 = arith.andi %parallel_loop3A_531, %parallel_loop3A_537 : vector<16xi32>
          %parallel_loop3A_539 = tpu.bitcast %parallel_loop3A_538 : vector<16xi32> -> vector<16xf32>
          %parallel_loop3A_540 = arith.constant 2 : i32
          %parallel_loop3A_541 = arith.muli %parallel_loop3A_540, %parallel_loop3A_196 : i32
          %parallel_loop3A_542 = arith.index_cast %rem3A_113 : i32 to index
          %parallel_loop3A_543 = arith.index_cast %parallel_loop3A_541 : i32 to index
          %parallel_loop3A_544 = arith.constant 96 : index
          %parallel_loop3A_545 = tpu.vector_load %arg11[%parallel_loop3A_542, %parallel_loop3A_543, %parallel_loop3A_544] {strides = array<i32>} : memref<3x80x128xf32, #tpu.memory_space<vmem>>, vector<1x1x16xf32>,
          %parallel_loop3A_546 = vector.shape_cast %parallel_loop3A_545 : vector<1x1x16xf32> to vector<16xf32>
          %parallel_loop3A_547 = arith.addf %parallel_loop3A_546, %parallel_loop3A_535 : vector<16xf32>
          %parallel_loop3A_548 = arith.constant 0.000000e+00 : f32
          %parallel_loop3A_549 = vector.broadcast %parallel_loop3A_548 : f32 to vector<16xf32>
          %parallel_loop3A_550 = arith.maximumf %parallel_loop3A_547, %parallel_loop3A_549 : vector<16xf32>
          %parallel_loop3A_551 = arith.constant 2 : i32
          %parallel_loop3A_552 = arith.muli %parallel_loop3A_551, %parallel_loop3A_196 : i32
          %parallel_loop3A_553 = arith.index_cast %rem3A_113 : i32 to index
          %parallel_loop3A_554 = arith.index_cast %parallel_loop3A_552 : i32 to index
          %parallel_loop3A_555 = arith.constant 96 : index
          %parallel_loop3A_556 = tpu.vector_load %arg11[%parallel_loop3A_553, %parallel_loop3A_554, %parallel_loop3A_555] {strides = array<i32>} : memref<3x80x128xf32, #tpu.memory_space<vmem>>, vector<1x1x16xf32>,
          %parallel_loop3A_557 = vector.shape_cast %parallel_loop3A_556 : vector<1x1x16xf32> to vector<16xf32>
          %parallel_loop3A_558 = vector.shape_cast %parallel_loop3A_550 : vector<16xf32> to vector<1x1x16xf32>
          tpu.vector_store %arg11[%parallel_loop3A_553, %parallel_loop3A_554, %parallel_loop3A_555], %parallel_loop3A_558 {strides = array<i32>} : memref<3x80x128xf32, #tpu.memory_space<vmem>>, vector<1x1x16xf32>,
          %parallel_loop3A_559 = arith.constant 2 : i32
          %parallel_loop3A_560 = arith.muli %parallel_loop3A_559, %parallel_loop3A_196 : i32
          %parallel_loop3A_561 = arith.constant 1 : i32
          %parallel_loop3A_562 = arith.addi %parallel_loop3A_560, %parallel_loop3A_561 : i32
          %parallel_loop3A_563 = arith.index_cast %rem3A_113 : i32 to index
          %parallel_loop3A_564 = arith.index_cast %parallel_loop3A_562 : i32 to index
          %parallel_loop3A_565 = arith.constant 96 : index
          %parallel_loop3A_566 = tpu.vector_load %arg11[%parallel_loop3A_563, %parallel_loop3A_564, %parallel_loop3A_565] {strides = array<i32>} : memref<3x80x128xf32, #tpu.memory_space<vmem>>, vector<1x1x16xf32>,
          %parallel_loop3A_567 = vector.shape_cast %parallel_loop3A_566 : vector<1x1x16xf32> to vector<16xf32>
          %parallel_loop3A_568 = arith.addf %parallel_loop3A_567, %parallel_loop3A_539 : vector<16xf32>
          %parallel_loop3A_569 = arith.constant 0.000000e+00 : f32
          %parallel_loop3A_570 = vector.broadcast %parallel_loop3A_569 : f32 to vector<16xf32>
          %parallel_loop3A_571 = arith.maximumf %parallel_loop3A_568, %parallel_loop3A_570 : vector<16xf32>
          %parallel_loop3A_572 = arith.constant 2 : i32
          %parallel_loop3A_573 = arith.muli %parallel_loop3A_572, %parallel_loop3A_196 : i32
          %parallel_loop3A_574 = arith.constant 1 : i32
          %parallel_loop3A_575 = arith.addi %parallel_loop3A_573, %parallel_loop3A_574 : i32
          %parallel_loop3A_576 = arith.index_cast %rem3A_113 : i32 to index
          %parallel_loop3A_577 = arith.index_cast %parallel_loop3A_575 : i32 to index
          %parallel_loop3A_578 = arith.constant 96 : index
          %parallel_loop3A_579 = tpu.vector_load %arg11[%parallel_loop3A_576, %parallel_loop3A_577, %parallel_loop3A_578] {strides = array<i32>} : memref<3x80x128xf32, #tpu.memory_space<vmem>>, vector<1x1x16xf32>,
          %parallel_loop3A_580 = vector.shape_cast %parallel_loop3A_579 : vector<1x1x16xf32> to vector<16xf32>
          %parallel_loop3A_581 = vector.shape_cast %parallel_loop3A_571 : vector<16xf32> to vector<1x1x16xf32>
          tpu.vector_store %arg11[%parallel_loop3A_576, %parallel_loop3A_577, %parallel_loop3A_578], %parallel_loop3A_581 {strides = array<i32>} : memref<3x80x128xf32, #tpu.memory_space<vmem>>, vector<1x1x16xf32>,
          %parallel_loop3A_582 = arith.index_cast %rem3A_119 : i32 to index
          %parallel_loop3A_583 = arith.index_cast %parallel_loop3A_196 : i32 to index
          %parallel_loop3A_584 = arith.constant 112 : index
          %parallel_loop3A_585 = tpu.vector_load %arg12[%parallel_loop3A_582, %parallel_loop3A_583, %parallel_loop3A_584] {strides = array<i32>} : memref<2x40x128xi32, #tpu.memory_space<vmem>>, vector<1x1x16xi32>,
          %parallel_loop3A_586 = vector.shape_cast %parallel_loop3A_585 : vector<1x1x16xi32> to vector<16xi32>
          %parallel_loop3A_587 = arith.constant 16 : i32
          %parallel_loop3A_588 = vector.broadcast %parallel_loop3A_587 : i32 to vector<16xi32>
          %parallel_loop3A_589 = arith.shli %parallel_loop3A_586, %parallel_loop3A_588 : vector<16xi32>
          %parallel_loop3A_590 = tpu.bitcast %parallel_loop3A_589 : vector<16xi32> -> vector<16xf32>
          %parallel_loop3A_591 = arith.constant -65536 : i32
          %parallel_loop3A_592 = vector.broadcast %parallel_loop3A_591 : i32 to vector<16xi32>
          %parallel_loop3A_593 = arith.andi %parallel_loop3A_586, %parallel_loop3A_592 : vector<16xi32>
          %parallel_loop3A_594 = tpu.bitcast %parallel_loop3A_593 : vector<16xi32> -> vector<16xf32>
          %parallel_loop3A_595 = arith.constant 2 : i32
          %parallel_loop3A_596 = arith.muli %parallel_loop3A_595, %parallel_loop3A_196 : i32
          %parallel_loop3A_597 = arith.index_cast %rem3A_113 : i32 to index
          %parallel_loop3A_598 = arith.index_cast %parallel_loop3A_596 : i32 to index
          %parallel_loop3A_599 = arith.constant 112 : index
          %parallel_loop3A_600 = tpu.vector_load %arg11[%parallel_loop3A_597, %parallel_loop3A_598, %parallel_loop3A_599] {strides = array<i32>} : memref<3x80x128xf32, #tpu.memory_space<vmem>>, vector<1x1x16xf32>,
          %parallel_loop3A_601 = vector.shape_cast %parallel_loop3A_600 : vector<1x1x16xf32> to vector<16xf32>
          %parallel_loop3A_602 = arith.addf %parallel_loop3A_601, %parallel_loop3A_590 : vector<16xf32>
          %parallel_loop3A_603 = arith.constant 0.000000e+00 : f32
          %parallel_loop3A_604 = vector.broadcast %parallel_loop3A_603 : f32 to vector<16xf32>
          %parallel_loop3A_605 = arith.maximumf %parallel_loop3A_602, %parallel_loop3A_604 : vector<16xf32>
          %parallel_loop3A_606 = arith.constant 2 : i32
          %parallel_loop3A_607 = arith.muli %parallel_loop3A_606, %parallel_loop3A_196 : i32
          %parallel_loop3A_608 = arith.index_cast %rem3A_113 : i32 to index
          %parallel_loop3A_609 = arith.index_cast %parallel_loop3A_607 : i32 to index
          %parallel_loop3A_610 = arith.constant 112 : index
          %parallel_loop3A_611 = tpu.vector_load %arg11[%parallel_loop3A_608, %parallel_loop3A_609, %parallel_loop3A_610] {strides = array<i32>} : memref<3x80x128xf32, #tpu.memory_space<vmem>>, vector<1x1x16xf32>,
          %parallel_loop3A_612 = vector.shape_cast %parallel_loop3A_611 : vector<1x1x16xf32> to vector<16xf32>
          %parallel_loop3A_613 = vector.shape_cast %parallel_loop3A_605 : vector<16xf32> to vector<1x1x16xf32>
          tpu.vector_store %arg11[%parallel_loop3A_608, %parallel_loop3A_609, %parallel_loop3A_610], %parallel_loop3A_613 {strides = array<i32>} : memref<3x80x128xf32, #tpu.memory_space<vmem>>, vector<1x1x16xf32>,
          %parallel_loop3A_614 = arith.constant 2 : i32
          %parallel_loop3A_615 = arith.muli %parallel_loop3A_614, %parallel_loop3A_196 : i32
          %parallel_loop3A_616 = arith.constant 1 : i32
          %parallel_loop3A_617 = arith.addi %parallel_loop3A_615, %parallel_loop3A_616 : i32
          %parallel_loop3A_618 = arith.index_cast %rem3A_113 : i32 to index
          %parallel_loop3A_619 = arith.index_cast %parallel_loop3A_617 : i32 to index
          %parallel_loop3A_620 = arith.constant 112 : index
          %parallel_loop3A_621 = tpu.vector_load %arg11[%parallel_loop3A_618, %parallel_loop3A_619, %parallel_loop3A_620] {strides = array<i32>} : memref<3x80x128xf32, #tpu.memory_space<vmem>>, vector<1x1x16xf32>,
          %parallel_loop3A_622 = vector.shape_cast %parallel_loop3A_621 : vector<1x1x16xf32> to vector<16xf32>
          %parallel_loop3A_623 = arith.addf %parallel_loop3A_622, %parallel_loop3A_594 : vector<16xf32>
          %parallel_loop3A_624 = arith.constant 0.000000e+00 : f32
          %parallel_loop3A_625 = vector.broadcast %parallel_loop3A_624 : f32 to vector<16xf32>
          %parallel_loop3A_626 = arith.maximumf %parallel_loop3A_623, %parallel_loop3A_625 : vector<16xf32>
          %parallel_loop3A_627 = arith.constant 2 : i32
          %parallel_loop3A_628 = arith.muli %parallel_loop3A_627, %parallel_loop3A_196 : i32
          %parallel_loop3A_629 = arith.constant 1 : i32
          %parallel_loop3A_630 = arith.addi %parallel_loop3A_628, %parallel_loop3A_629 : i32
          %parallel_loop3A_631 = arith.index_cast %rem3A_113 : i32 to index
          %parallel_loop3A_632 = arith.index_cast %parallel_loop3A_630 : i32 to index
          %parallel_loop3A_633 = arith.constant 112 : index
          %parallel_loop3A_634 = tpu.vector_load %arg11[%parallel_loop3A_631, %parallel_loop3A_632, %parallel_loop3A_633] {strides = array<i32>} : memref<3x80x128xf32, #tpu.memory_space<vmem>>, vector<1x1x16xf32>,
          %parallel_loop3A_635 = vector.shape_cast %parallel_loop3A_634 : vector<1x1x16xf32> to vector<16xf32>
          %parallel_loop3A_636 = vector.shape_cast %parallel_loop3A_626 : vector<16xf32> to vector<1x1x16xf32>
          tpu.vector_store %arg11[%parallel_loop3A_631, %parallel_loop3A_632, %parallel_loop3A_633], %parallel_loop3A_636 {strides = array<i32>} : memref<3x80x128xf32, #tpu.memory_space<vmem>>, vector<1x1x16xf32>,
        } {sc.loop_unroll_factor = 4 : i64, sc.parallel_access}
        %mul3A_184 = arith.constant 80 : i32
        %mul3A_185 = arith.muli %scan3A_111, %mul3A_184 : i32
        %dma_start3A_186 = arith.constant 0 : i32
        %dma_start3A_187 = arith.constant 0 : i32
        %dma_start3A_188 = tpu.memref_slice %arg11[%rem3A_113, %dma_start3A_186, %dma_start3A_187] : memref<3x80x128xf32, #tpu.memory_space<vmem>> -> memref<1x80x128xf32, #tpu.memory_space<vmem>>
        %dma_start3A_189 = tpu.memref_squeeze %dma_start3A_188 : memref<1x80x128xf32, #tpu.memory_space<vmem>> -> memref<80x128xf32, #tpu.memory_space<vmem>>
        %dma_start3A_190 = tpu.memref_slice %arg10[%mul3A_185] : memref<2000xi32, #tpu.memory_space<vmem>> -> memref<80xi32, #tpu.memory_space<vmem>>
        %dma_start3A_191 = arith.constant 0 : i32
        %dma_start3A_192 = arith.constant 0 : i32
        %dma_start3A_193 = tpu.memref_slice %arg8[%dma_start3A_191, %dma_start3A_192] : memref<10240x128xf32, #tpu.memory_space<vmem_shared>> -> memref<10240x128xf32, #tpu.memory_space<vmem_shared>>
        %dma_start3A_194 = tpu.memref_slice %arg15[%rem3A_113] : memref<3x!tpu.dma_semaphore, #tpu.memory_space<semaphore_mem>> -> memref<1x!tpu.dma_semaphore, #tpu.memory_space<semaphore_mem>>
        %dma_start3A_195 = tpu.memref_squeeze %dma_start3A_194 : memref<1x!tpu.dma_semaphore, #tpu.memory_space<semaphore_mem>> -> memref<!tpu.dma_semaphore, #tpu.memory_space<semaphore_mem>>
        tpu.enqueue_indirect_dma source(%dma_start3A_189 : memref<80x128xf32, #tpu.memory_space<vmem>>) target(%dma_start3A_193 : memref<10240x128xf32, #tpu.memory_space<vmem_shared>>) offsets(%dma_start3A_190 : memref<80xi32, #tpu.memory_space<vmem>>) semaphore(%dma_start3A_195 : memref<!tpu.dma_semaphore, #tpu.memory_space<semaphore_mem>>) {add = true}
      }
      %scan3A_72 = arith.constant 25 : i32
      %dma_wait3A = arith.constant 1 : i32
      %dma_wait3A_73 = arith.constant 1 : i32
      %dma_wait3A_74 = arith.constant 0 : i32
      %dma_wait3A_75 = arith.constant 0 : i32
      %dma_wait3A_76 = tpu.memref_slice %arg11[%dma_wait3A, %dma_wait3A_74, %dma_wait3A_75] : memref<3x80x128xf32, #tpu.memory_space<vmem>> -> memref<1x80x128xf32, #tpu.memory_space<vmem>>
      %dma_wait3A_77 = tpu.memref_squeeze %dma_wait3A_76 : memref<1x80x128xf32, #tpu.memory_space<vmem>> -> memref<80x128xf32, #tpu.memory_space<vmem>>
      %dma_wait3A_78 = arith.constant 1760 : i32
      %dma_wait3A_79 = tpu.memref_slice %arg10[%dma_wait3A_78] : memref<2000xi32, #tpu.memory_space<vmem>> -> memref<80xi32, #tpu.memory_space<vmem>>
      %dma_wait3A_80 = arith.constant 0 : i32
      %dma_wait3A_81 = arith.constant 0 : i32
      %dma_wait3A_82 = tpu.memref_slice %arg8[%dma_wait3A_80, %dma_wait3A_81] : memref<10240x128xf32, #tpu.memory_space<vmem_shared>> -> memref<10240x128xf32, #tpu.memory_space<vmem_shared>>
      %dma_wait3A_83 = tpu.memref_slice %arg15[%dma_wait3A_73] : memref<3x!tpu.dma_semaphore, #tpu.memory_space<semaphore_mem>> -> memref<1x!tpu.dma_semaphore, #tpu.memory_space<semaphore_mem>>
      %dma_wait3A_84 = tpu.memref_squeeze %dma_wait3A_83 : memref<1x!tpu.dma_semaphore, #tpu.memory_space<semaphore_mem>> -> memref<!tpu.dma_semaphore, #tpu.memory_space<semaphore_mem>>
      tpu.wait_indirect_dma semaphore(%dma_wait3A_84 : memref<!tpu.dma_semaphore, #tpu.memory_space<semaphore_mem>>) src(%dma_wait3A_77 : memref<80x128xf32, #tpu.memory_space<vmem>>) dst(%dma_wait3A_82 : memref<10240x128xf32, #tpu.memory_space<vmem_shared>>)
      %dma_wait3A_85 = arith.constant 2 : i32
      %dma_wait3A_86 = arith.constant 2 : i32
      %dma_wait3A_87 = arith.constant 0 : i32
      %dma_wait3A_88 = arith.constant 0 : i32
      %dma_wait3A_89 = tpu.memref_slice %arg11[%dma_wait3A_85, %dma_wait3A_87, %dma_wait3A_88] : memref<3x80x128xf32, #tpu.memory_space<vmem>> -> memref<1x80x128xf32, #tpu.memory_space<vmem>>
      %dma_wait3A_90 = tpu.memref_squeeze %dma_wait3A_89 : memref<1x80x128xf32, #tpu.memory_space<vmem>> -> memref<80x128xf32, #tpu.memory_space<vmem>>
      %dma_wait3A_91 = arith.constant 1840 : i32
      %dma_wait3A_92 = tpu.memref_slice %arg10[%dma_wait3A_91] : memref<2000xi32, #tpu.memory_space<vmem>> -> memref<80xi32, #tpu.memory_space<vmem>>
      %dma_wait3A_93 = arith.constant 0 : i32
      %dma_wait3A_94 = arith.constant 0 : i32
      %dma_wait3A_95 = tpu.memref_slice %arg8[%dma_wait3A_93, %dma_wait3A_94] : memref<10240x128xf32, #tpu.memory_space<vmem_shared>> -> memref<10240x128xf32, #tpu.memory_space<vmem_shared>>
      %dma_wait3A_96 = tpu.memref_slice %arg15[%dma_wait3A_86] : memref<3x!tpu.dma_semaphore, #tpu.memory_space<semaphore_mem>> -> memref<1x!tpu.dma_semaphore, #tpu.memory_space<semaphore_mem>>
      %dma_wait3A_97 = tpu.memref_squeeze %dma_wait3A_96 : memref<1x!tpu.dma_semaphore, #tpu.memory_space<semaphore_mem>> -> memref<!tpu.dma_semaphore, #tpu.memory_space<semaphore_mem>>
      tpu.wait_indirect_dma semaphore(%dma_wait3A_97 : memref<!tpu.dma_semaphore, #tpu.memory_space<semaphore_mem>>) src(%dma_wait3A_90 : memref<80x128xf32, #tpu.memory_space<vmem>>) dst(%dma_wait3A_95 : memref<10240x128xf32, #tpu.memory_space<vmem_shared>>)
      %dma_wait3A_98 = arith.constant 0 : i32
      %dma_wait3A_99 = arith.constant 0 : i32
      %dma_wait3A_100 = arith.constant 0 : i32
      %dma_wait3A_101 = arith.constant 0 : i32
      %dma_wait3A_102 = tpu.memref_slice %arg11[%dma_wait3A_98, %dma_wait3A_100, %dma_wait3A_101] : memref<3x80x128xf32, #tpu.memory_space<vmem>> -> memref<1x80x128xf32, #tpu.memory_space<vmem>>
      %dma_wait3A_103 = tpu.memref_squeeze %dma_wait3A_102 : memref<1x80x128xf32, #tpu.memory_space<vmem>> -> memref<80x128xf32, #tpu.memory_space<vmem>>
      %dma_wait3A_104 = arith.constant 1920 : i32
      %dma_wait3A_105 = tpu.memref_slice %arg10[%dma_wait3A_104] : memref<2000xi32, #tpu.memory_space<vmem>> -> memref<80xi32, #tpu.memory_space<vmem>>
      %dma_wait3A_106 = arith.constant 0 : i32
      %dma_wait3A_107 = arith.constant 0 : i32
      %dma_wait3A_108 = tpu.memref_slice %arg8[%dma_wait3A_106, %dma_wait3A_107] : memref<10240x128xf32, #tpu.memory_space<vmem_shared>> -> memref<10240x128xf32, #tpu.memory_space<vmem_shared>>
      %dma_wait3A_109 = tpu.memref_slice %arg15[%dma_wait3A_99] : memref<3x!tpu.dma_semaphore, #tpu.memory_space<semaphore_mem>> -> memref<1x!tpu.dma_semaphore, #tpu.memory_space<semaphore_mem>>
      %dma_wait3A_110 = tpu.memref_squeeze %dma_wait3A_109 : memref<1x!tpu.dma_semaphore, #tpu.memory_space<semaphore_mem>> -> memref<!tpu.dma_semaphore, #tpu.memory_space<semaphore_mem>>
      tpu.wait_indirect_dma semaphore(%dma_wait3A_110 : memref<!tpu.dma_semaphore, #tpu.memory_space<semaphore_mem>>) src(%dma_wait3A_103 : memref<80x128xf32, #tpu.memory_space<vmem>>) dst(%dma_wait3A_108 : memref<10240x128xf32, #tpu.memory_space<vmem_shared>>)
    }
    %scan3A_9 = arith.constant 5 : i32
    %barrier3A_10 = arith.constant 0 : index
    tpu.barrier barrier_id(%barrier3A_10)
    %mul3A_11 = arith.constant 640 : i32
    %mul3A_12 = arith.muli %arg1, %mul3A_11 : i32
    %mul3A_13 = arith.constant 640 : i32
    %mul3A_14 = arith.muli %arg1, %mul3A_13 : i32
    "tpu.region"() ({
      %run_scoped3A = tpu.sem_alloc : memref<!tpu.dma_semaphore, #tpu.memory_space<semaphore_mem>>
      %dma_start3A = arith.constant 0 : i32
      %dma_start3A_15 = tpu.memref_slice %arg7[%arg0, %mul3A_14, %dma_start3A] : memref<2x10240x128xf32, #tpu.memory_space<hbm>> -> memref<1x640x128xf32, #tpu.memory_space<hbm>>
      %dma_start3A_16 = tpu.memref_squeeze %dma_start3A_15 : memref<1x640x128xf32, #tpu.memory_space<hbm>> -> memref<640x128xf32, #tpu.memory_space<hbm>>
      %dma_start3A_17 = arith.constant 0 : i32
      %dma_start3A_18 = tpu.memref_slice %arg8[%mul3A_12, %dma_start3A_17] : memref<10240x128xf32, #tpu.memory_space<vmem_shared>> -> memref<640x128xf32, #tpu.memory_space<vmem_shared>>
      tpu.enqueue_dma source(%dma_start3A_18 : memref<640x128xf32, #tpu.memory_space<vmem_shared>>) target(%dma_start3A_16 : memref<640x128xf32, #tpu.memory_space<hbm>>) target_semaphore(%run_scoped3A : memref<!tpu.dma_semaphore, #tpu.memory_space<semaphore_mem>>)
      %dma_wait3A = arith.constant 0 : i32
      %dma_wait3A_19 = tpu.memref_slice %arg7[%arg0, %mul3A_14, %dma_wait3A] : memref<2x10240x128xf32, #tpu.memory_space<hbm>> -> memref<1x640x128xf32, #tpu.memory_space<hbm>>
      %dma_wait3A_20 = tpu.memref_squeeze %dma_wait3A_19 : memref<1x640x128xf32, #tpu.memory_space<hbm>> -> memref<640x128xf32, #tpu.memory_space<hbm>>
      %dma_wait3A_21 = arith.constant 0 : i32
      %dma_wait3A_22 = tpu.memref_slice %arg8[%mul3A_12, %dma_wait3A_21] : memref<10240x128xf32, #tpu.memory_space<vmem_shared>> -> memref<640x128xf32, #tpu.memory_space<vmem_shared>>
      tpu.wait_dma2 semaphore(%run_scoped3A : memref<!tpu.dma_semaphore, #tpu.memory_space<semaphore_mem>>) src(%dma_wait3A_22 : memref<640x128xf32, #tpu.memory_space<vmem_shared>>) dst(%dma_wait3A_20 : memref<640x128xf32, #tpu.memory_space<hbm>>)
      tpu.yield
    }) : () -> ()
    return
  }
}

module attributes {stable_mosaic.version = 14 : i64} {
  func.func @_edge_lin_body(%arg0: i32, %arg1: memref<2000x16xf32, #tpu.memory_space<vmem>>, %arg2: memref<16x128xf32, #tpu.memory_space<vmem>>, %arg3: memref<1x128xf32, #tpu.memory_space<vmem>>, %arg4: memref<1000x128xi32, #tpu.memory_space<vmem>>) attributes {dimension_semantics = [#tpu.dimension_semantics<arbitrary>], iteration_bounds = array<i64: 160>, scalar_prefetch = 0 : i64, scratch_operands = 0 : i64, tpu.core_type = #tpu.core_type<tc>, window_params = [{transform_indices = @transform_0, window_bounds = array<i64: 2000, 16>}, {pipeline_mode = #tpu.pipeline_mode<synchronous>, transform_indices = @transform_1, window_bounds = array<i64: 16, 128>}, {pipeline_mode = #tpu.pipeline_mode<synchronous>, transform_indices = @transform_2, window_bounds = array<i64: 1, 128>}, {transform_indices = @transform_3, window_bounds = array<i64: 1000, 128>}]} {
    %get3A = arith.constant 0 : index
    %get3A_0 = arith.constant 0 : index
    %get3A_1 = vector.load %arg1[%get3A, %get3A_0] : memref<2000x16xf32, #tpu.memory_space<vmem>>, vector<2000x16xf32>
    %get3A_2 = arith.constant 0 : index
    %get3A_3 = arith.constant 0 : index
    %get3A_4 = vector.load %arg2[%get3A_2, %get3A_3] : memref<16x128xf32, #tpu.memory_space<vmem>>, vector<16x128xf32>
    %dot_general3A = arith.constant dense<0.000000e+00> : vector<2000x128xf32>
    %dot_general3A_5 = tpu.matmul %get3A_1, %get3A_4, %dot_general3A {dimension_numbers = #tpu.dot_dimension_numbers<[1], [0], [0], [1], [0, 0, 1, 1], [], []>, transpose_lhs_hint = false} : vector<2000x16xf32>, vector<16x128xf32>, vector<2000x128xf32> -> vector<2000x128xf32>
    %get3A_6 = arith.constant 0 : index
    %get3A_7 = arith.constant 0 : index
    %get3A_8 = vector.load %arg3[%get3A_6, %get3A_7] : memref<1x128xf32, #tpu.memory_space<vmem>>, vector<1x128xf32>
    %add3A = vector.broadcast %get3A_8 : vector<1x128xf32> to vector<2000x128xf32>
    %add3A_9 = arith.addf %dot_general3A_5, %add3A : vector<2000x128xf32>
    %convert_element_type3A = arith.truncf %add3A_9 : vector<2000x128xf32> to vector<2000x128xbf16>
    %bitcast3A = tpu.bitcast %convert_element_type3A : vector<2000x128xbf16> -> vector<1000x128xi32>
    %swap3A = arith.constant 0 : index
    %swap3A_10 = arith.constant 0 : index
    %swap3A_11 = vector.load %arg4[%swap3A, %swap3A_10] : memref<1000x128xi32, #tpu.memory_space<vmem>>, vector<1000x128xi32>
    tpu.vector_store %arg4[%swap3A, %swap3A_10], %bitcast3A {strides = array<i32>} : memref<1000x128xi32, #tpu.memory_space<vmem>>, vector<1000x128xi32>,
    return
  }
  func.func @transform_0(%arg0: i32) -> (i32, i32) {
    %c0_i32 = arith.constant 0 : i32
    %c0_i32_0 = arith.constant 0 : i32
    return %arg0, %c0_i32 : i32, i32
  }
  func.func @transform_1(%arg0: i32) -> (i32, i32) {
    %c0_i32 = arith.constant 0 : i32
    %c0_i32_0 = arith.constant 0 : i32
    %c0_i32_1 = arith.constant 0 : i32
    return %c0_i32, %c0_i32_0 : i32, i32
  }
  func.func @transform_2(%arg0: i32) -> (i32, i32) {
    %c0_i32 = arith.constant 0 : i32
    %c0_i32_0 = arith.constant 0 : i32
    %c0_i32_1 = arith.constant 0 : i32
    return %c0_i32, %c0_i32_0 : i32, i32
  }
  func.func @transform_3(%arg0: i32) -> (i32, i32) {
    %c0_i32 = arith.constant 0 : i32
    %c0_i32_0 = arith.constant 0 : i32
    return %arg0, %c0_i32 : i32, i32
  }
}

module attributes {stable_mosaic.version = 14 : i64} {
  func.func @_node_body(%arg0: i32, %arg1: memref<1x1000x128xf32, #tpu.memory_space<vmem>>, %arg2: memref<1x1000x128xf32, #tpu.memory_space<vmem>>, %arg3: memref<1000x128xf32, #tpu.memory_space<vmem>>, %arg4: memref<128x128xf32, #tpu.memory_space<vmem>>, %arg5: memref<1x128xf32, #tpu.memory_space<vmem>>, %arg6: memref<128x128xf32, #tpu.memory_space<vmem>>, %arg7: memref<1x128xf32, #tpu.memory_space<vmem>>, %arg8: memref<1x1xf32, #tpu.memory_space<vmem>>, %arg9: memref<1x128xf32, #tpu.memory_space<vmem>>, %arg10: memref<1x128xf32, #tpu.memory_space<vmem>>, %arg11: memref<1000x128xf32, #tpu.memory_space<vmem>>) attributes {dimension_semantics = [#tpu.dimension_semantics<arbitrary>], iteration_bounds = array<i64: 10>, scalar_prefetch = 0 : i64, scratch_operands = 0 : i64, tpu.core_type = #tpu.core_type<tc>, window_params = [{transform_indices = @transform_0, window_bounds = array<i64: 1, 1000, 128>}, {transform_indices = @transform_1, window_bounds = array<i64: 1, 1000, 128>}, {transform_indices = @transform_2, window_bounds = array<i64: 1000, 128>}, {pipeline_mode = #tpu.pipeline_mode<synchronous>, transform_indices = @transform_3, window_bounds = array<i64: 128, 128>}, {pipeline_mode = #tpu.pipeline_mode<synchronous>, transform_indices = @transform_4, window_bounds = array<i64: 1, 128>}, {pipeline_mode = #tpu.pipeline_mode<synchronous>, transform_indices = @transform_5, window_bounds = array<i64: 128, 128>}, {pipeline_mode = #tpu.pipeline_mode<synchronous>, transform_indices = @transform_6, window_bounds = array<i64: 1, 128>}, {pipeline_mode = #tpu.pipeline_mode<synchronous>, transform_indices = @transform_7, window_bounds = array<i64: 1, 1>}, {pipeline_mode = #tpu.pipeline_mode<synchronous>, transform_indices = @transform_8, window_bounds = array<i64: 1, 128>}, {pipeline_mode = #tpu.pipeline_mode<synchronous>, transform_indices = @transform_9, window_bounds = array<i64: 1, 128>}, {transform_indices = @transform_10, window_bounds = array<i64: 1000, 128>}]} {
    %get3A = arith.constant 0 : index
    %get3A_0 = arith.constant 0 : index
    %get3A_1 = vector.load %arg8[%get3A, %get3A_0] : memref<1x1xf32, #tpu.memory_space<vmem>>, vector<1x1xf32>
    %get3A_2 = arith.constant 0 : index
    %get3A_3 = arith.constant 0 : index
    %get3A_4 = vector.load %arg3[%get3A_2, %get3A_3] : memref<1000x128xf32, #tpu.memory_space<vmem>>, vector<1000x128xf32>
    %mul3A = vector.broadcast %get3A_1 : vector<1x1xf32> to vector<1000x128xf32>
    %mul3A_5 = arith.mulf %mul3A, %get3A_4 : vector<1000x128xf32>
    %get3A_6 = arith.constant 0 : index
    %get3A_7 = arith.constant 0 : index
    %get3A_8 = arith.constant 0 : index
    %get3A_9 = vector.load %arg1[%get3A_6, %get3A_7, %get3A_8] : memref<1x1000x128xf32, #tpu.memory_space<vmem>>, vector<1x1000x128xf32>
    %get3A_10 = vector.shape_cast %get3A_9 : vector<1x1000x128xf32> to vector<1000x128xf32>
    %add3A = arith.addf %mul3A_5, %get3A_10 : vector<1000x128xf32>
    %get3A_11 = arith.constant 0 : index
    %get3A_12 = arith.constant 0 : index
    %get3A_13 = arith.constant 0 : index
    %get3A_14 = vector.load %arg2[%get3A_11, %get3A_12, %get3A_13] : memref<1x1000x128xf32, #tpu.memory_space<vmem>>, vector<1x1000x128xf32>
    %get3A_15 = vector.shape_cast %get3A_14 : vector<1x1000x128xf32> to vector<1000x128xf32>
    %add3A_16 = arith.addf %add3A, %get3A_15 : vector<1000x128xf32>
    %get3A_17 = arith.constant 0 : index
    %get3A_18 = arith.constant 0 : index
    %get3A_19 = vector.load %arg4[%get3A_17, %get3A_18] : memref<128x128xf32, #tpu.memory_space<vmem>>, vector<128x128xf32>
    %dot_general3A = arith.constant dense<0.000000e+00> : vector<1000x128xf32>
    %dot_general3A_20 = tpu.matmul %add3A_16, %get3A_19, %dot_general3A {dimension_numbers = #tpu.dot_dimension_numbers<[1], [0], [0], [1], [0, 0, 1, 1], [], []>, transpose_lhs_hint = false} : vector<1000x128xf32>, vector<128x128xf32>, vector<1000x128xf32> -> vector<1000x128xf32>
    %get3A_21 = arith.constant 0 : index
    %get3A_22 = arith.constant 0 : index
    %get3A_23 = vector.load %arg5[%get3A_21, %get3A_22] : memref<1x128xf32, #tpu.memory_space<vmem>>, vector<1x128xf32>
    %add3A_24 = vector.broadcast %get3A_23 : vector<1x128xf32> to vector<1000x128xf32>
    %add3A_25 = arith.addf %dot_general3A_20, %add3A_24 : vector<1000x128xf32>
    %max3A = arith.constant 0.000000e+00 : f32
    %max3A_26 = vector.broadcast %max3A : f32 to vector<1000x128xf32>
    %max3A_27 = arith.maximumf %add3A_25, %max3A_26 : vector<1000x128xf32>
    %get3A_28 = arith.constant 0 : index
    %get3A_29 = arith.constant 0 : index
    %get3A_30 = vector.load %arg6[%get3A_28, %get3A_29] : memref<128x128xf32, #tpu.memory_space<vmem>>, vector<128x128xf32>
    %dot_general3A_31 = arith.constant dense<0.000000e+00> : vector<1000x128xf32>
    %dot_general3A_32 = tpu.matmul %max3A_27, %get3A_30, %dot_general3A_31 {dimension_numbers = #tpu.dot_dimension_numbers<[1], [0], [0], [1], [0, 0, 1, 1], [], []>, transpose_lhs_hint = false} : vector<1000x128xf32>, vector<128x128xf32>, vector<1000x128xf32> -> vector<1000x128xf32>
    %get3A_33 = arith.constant 0 : index
    %get3A_34 = arith.constant 0 : index
    %get3A_35 = vector.load %arg7[%get3A_33, %get3A_34] : memref<1x128xf32, #tpu.memory_space<vmem>>, vector<1x128xf32>
    %add3A_36 = vector.broadcast %get3A_35 : vector<1x128xf32> to vector<1000x128xf32>
    %add3A_37 = arith.addf %dot_general3A_32, %add3A_36 : vector<1000x128xf32>
    %reduce_sum3A = arith.constant dense<0.000000e+00> : vector<1000xf32>
    %reduce_sum3A_38 = vector.multi_reduction <add>, %add3A_37, %reduce_sum3A [1] : vector<1000x128xf32> to vector<1000xf32>
    %broadcast_in_dim3A = vector.shape_cast %reduce_sum3A_38 : vector<1000xf32> to vector<1000x1xf32>
    %div3A = arith.constant 1.280000e+02 : f32
    %div3A_39 = vector.broadcast %div3A : f32 to vector<1000x1xf32>
    %div3A_40 = arith.divf %broadcast_in_dim3A, %div3A_39 : vector<1000x1xf32>
    %sub3A = vector.broadcast %div3A_40 : vector<1000x1xf32> to vector<1000x128xf32>
    %sub3A_41 = arith.subf %add3A_37, %sub3A : vector<1000x128xf32>
    %mul3A_42 = arith.mulf %sub3A_41, %sub3A_41 : vector<1000x128xf32>
    %reduce_sum3A_43 = arith.constant dense<0.000000e+00> : vector<1000xf32>
    %reduce_sum3A_44 = vector.multi_reduction <add>, %mul3A_42, %reduce_sum3A_43 [1] : vector<1000x128xf32> to vector<1000xf32>
    %broadcast_in_dim3A_45 = vector.shape_cast %reduce_sum3A_44 : vector<1000xf32> to vector<1000x1xf32>
    %div3A_46 = arith.constant 1.280000e+02 : f32
    %div3A_47 = vector.broadcast %div3A_46 : f32 to vector<1000x1xf32>
    %div3A_48 = arith.divf %broadcast_in_dim3A_45, %div3A_47 : vector<1000x1xf32>
    %add3A_49 = arith.constant 9.99999974E-6 : f32
    %add3A_50 = vector.broadcast %add3A_49 : f32 to vector<1000x1xf32>
    %add3A_51 = arith.addf %div3A_48, %add3A_50 : vector<1000x1xf32>
    %rsqrt3A = math.rsqrt %add3A_51 : vector<1000x1xf32>
    %mul3A_52 = vector.broadcast %rsqrt3A : vector<1000x1xf32> to vector<1000x128xf32>
    %mul3A_53 = arith.mulf %sub3A_41, %mul3A_52 : vector<1000x128xf32>
    %get3A_54 = arith.constant 0 : index
    %get3A_55 = arith.constant 0 : index
    %get3A_56 = vector.load %arg9[%get3A_54, %get3A_55] : memref<1x128xf32, #tpu.memory_space<vmem>>, vector<1x128xf32>
    %mul3A_57 = vector.broadcast %get3A_56 : vector<1x128xf32> to vector<1000x128xf32>
    %mul3A_58 = arith.mulf %mul3A_53, %mul3A_57 : vector<1000x128xf32>
    %get3A_59 = arith.constant 0 : index
    %get3A_60 = arith.constant 0 : index
    %get3A_61 = vector.load %arg10[%get3A_59, %get3A_60] : memref<1x128xf32, #tpu.memory_space<vmem>>, vector<1x128xf32>
    %add3A_62 = vector.broadcast %get3A_61 : vector<1x128xf32> to vector<1000x128xf32>
    %add3A_63 = arith.addf %mul3A_58, %add3A_62 : vector<1000x128xf32>
    %max3A_64 = arith.constant 0.000000e+00 : f32
    %max3A_65 = vector.broadcast %max3A_64 : f32 to vector<1000x128xf32>
    %max3A_66 = arith.maximumf %add3A_63, %max3A_65 : vector<1000x128xf32>
    %swap3A = arith.constant 0 : index
    %swap3A_67 = arith.constant 0 : index
    %swap3A_68 = vector.load %arg11[%swap3A, %swap3A_67] : memref<1000x128xf32, #tpu.memory_space<vmem>>, vector<1000x128xf32>
    tpu.vector_store %arg11[%swap3A, %swap3A_67], %max3A_66 {strides = array<i32>} : memref<1000x128xf32, #tpu.memory_space<vmem>>, vector<1000x128xf32>,
    return
  }
  func.func @transform_0(%arg0: i32) -> (i32, i32, i32) {
    %c0_i32 = arith.constant 0 : i32
    %c0_i32_0 = arith.constant 0 : i32
    %c0_i32_1 = arith.constant 0 : i32
    return %c0_i32, %arg0, %c0_i32_0 : i32, i32, i32
  }
  func.func @transform_1(%arg0: i32) -> (i32, i32, i32) {
    %c1_i32 = arith.constant 1 : i32
    %c0_i32 = arith.constant 0 : i32
    %c0_i32_0 = arith.constant 0 : i32
    return %c1_i32, %arg0, %c0_i32 : i32, i32, i32
  }
  func.func @transform_2(%arg0: i32) -> (i32, i32) {
    %c0_i32 = arith.constant 0 : i32
    %c0_i32_0 = arith.constant 0 : i32
    return %arg0, %c0_i32 : i32, i32
  }
  func.func @transform_3(%arg0: i32) -> (i32, i32) {
    %c0_i32 = arith.constant 0 : i32
    %c0_i32_0 = arith.constant 0 : i32
    %c0_i32_1 = arith.constant 0 : i32
    return %c0_i32, %c0_i32_0 : i32, i32
  }
  func.func @transform_4(%arg0: i32) -> (i32, i32) {
    %c0_i32 = arith.constant 0 : i32
    %c0_i32_0 = arith.constant 0 : i32
    %c0_i32_1 = arith.constant 0 : i32
    return %c0_i32, %c0_i32_0 : i32, i32
  }
  func.func @transform_5(%arg0: i32) -> (i32, i32) {
    %c0_i32 = arith.constant 0 : i32
    %c0_i32_0 = arith.constant 0 : i32
    %c0_i32_1 = arith.constant 0 : i32
    return %c0_i32, %c0_i32_0 : i32, i32
  }
  func.func @transform_6(%arg0: i32) -> (i32, i32) {
    %c0_i32 = arith.constant 0 : i32
    %c0_i32_0 = arith.constant 0 : i32
    %c0_i32_1 = arith.constant 0 : i32
    return %c0_i32, %c0_i32_0 : i32, i32
  }
  func.func @transform_7(%arg0: i32) -> (i32, i32) {
    %c0_i32 = arith.constant 0 : i32
    %c0_i32_0 = arith.constant 0 : i32
    %c0_i32_1 = arith.constant 0 : i32
    return %c0_i32, %c0_i32_0 : i32, i32
  }
  func.func @transform_8(%arg0: i32) -> (i32, i32) {
    %c0_i32 = arith.constant 0 : i32
    %c0_i32_0 = arith.constant 0 : i32
    %c0_i32_1 = arith.constant 0 : i32
    return %c0_i32, %c0_i32_0 : i32, i32
  }
  func.func @transform_9(%arg0: i32) -> (i32, i32) {
    %c0_i32 = arith.constant 0 : i32
    %c0_i32_0 = arith.constant 0 : i32
    %c0_i32_1 = arith.constant 0 : i32
    return %c0_i32, %c0_i32_0 : i32, i32
  }
  func.func @transform_10(%arg0: i32) -> (i32, i32) {
    %c0_i32 = arith.constant 0 : i32
    %c0_i32_0 = arith.constant 0 : i32
    return %arg0, %c0_i32 : i32, i32
  }
}

module attributes {stable_mosaic.version = 14 : i64} {
  func.func @_node_pool_body(%arg0: i32, %arg1: memref<1x1000x128xf32, #tpu.memory_space<vmem>>, %arg2: memref<1x1000x128xf32, #tpu.memory_space<vmem>>, %arg3: memref<1000x128xf32, #tpu.memory_space<vmem>>, %arg4: memref<128x128xf32, #tpu.memory_space<vmem>>, %arg5: memref<1x128xf32, #tpu.memory_space<vmem>>, %arg6: memref<128x128xf32, #tpu.memory_space<vmem>>, %arg7: memref<1x128xf32, #tpu.memory_space<vmem>>, %arg8: memref<1x1xf32, #tpu.memory_space<vmem>>, %arg9: memref<1x128xf32, #tpu.memory_space<vmem>>, %arg10: memref<1x128xf32, #tpu.memory_space<vmem>>, %arg11: memref<1x1x1000xi32, #tpu.memory_space<vmem>>, %arg12: memref<1000x128xf32, #tpu.memory_space<vmem>>, %arg13: memref<64x128xf32, #tpu.memory_space<vmem>>, %arg14: memref<64x128xf32, #tpu.memory_space<vmem>>, %arg15: memref<64x128xf32, #tpu.memory_space<vmem>>) attributes {dimension_semantics = [#tpu.dimension_semantics<arbitrary>], iteration_bounds = array<i64: 10>, scalar_prefetch = 0 : i64, scratch_operands = 2 : i64, tpu.core_type = #tpu.core_type<tc>, window_params = [{transform_indices = @transform_0, window_bounds = array<i64: 1, 1000, 128>}, {transform_indices = @transform_1, window_bounds = array<i64: 1, 1000, 128>}, {transform_indices = @transform_2, window_bounds = array<i64: 1000, 128>}, {pipeline_mode = #tpu.pipeline_mode<synchronous>, transform_indices = @transform_3, window_bounds = array<i64: 128, 128>}, {pipeline_mode = #tpu.pipeline_mode<synchronous>, transform_indices = @transform_4, window_bounds = array<i64: 1, 128>}, {pipeline_mode = #tpu.pipeline_mode<synchronous>, transform_indices = @transform_5, window_bounds = array<i64: 128, 128>}, {pipeline_mode = #tpu.pipeline_mode<synchronous>, transform_indices = @transform_6, window_bounds = array<i64: 1, 128>}, {pipeline_mode = #tpu.pipeline_mode<synchronous>, transform_indices = @transform_7, window_bounds = array<i64: 1, 1>}, {pipeline_mode = #tpu.pipeline_mode<synchronous>, transform_indices = @transform_8, window_bounds = array<i64: 1, 128>}, {pipeline_mode = #tpu.pipeline_mode<synchronous>, transform_indices = @transform_9, window_bounds = array<i64: 1, 128>}, {transform_indices = @transform_10, window_bounds = array<i64: 1, 1, 1000>}, {transform_indices = @transform_11, window_bounds = array<i64: 1000, 128>}, {pipeline_mode = #tpu.pipeline_mode<synchronous>, transform_indices = @transform_12, window_bounds = array<i64: 64, 128>}]} {
    %get3A = arith.constant 0 : index
    %get3A_0 = arith.constant 0 : index
    %get3A_1 = vector.load %arg8[%get3A, %get3A_0] : memref<1x1xf32, #tpu.memory_space<vmem>>, vector<1x1xf32>
    %get3A_2 = arith.constant 0 : index
    %get3A_3 = arith.constant 0 : index
    %get3A_4 = vector.load %arg3[%get3A_2, %get3A_3] : memref<1000x128xf32, #tpu.memory_space<vmem>>, vector<1000x128xf32>
    %mul3A = vector.broadcast %get3A_1 : vector<1x1xf32> to vector<1000x128xf32>
    %mul3A_5 = arith.mulf %mul3A, %get3A_4 : vector<1000x128xf32>
    %get3A_6 = arith.constant 0 : index
    %get3A_7 = arith.constant 0 : index
    %get3A_8 = arith.constant 0 : index
    %get3A_9 = vector.load %arg1[%get3A_6, %get3A_7, %get3A_8] : memref<1x1000x128xf32, #tpu.memory_space<vmem>>, vector<1x1000x128xf32>
    %get3A_10 = vector.shape_cast %get3A_9 : vector<1x1000x128xf32> to vector<1000x128xf32>
    %add3A = arith.addf %mul3A_5, %get3A_10 : vector<1000x128xf32>
    %get3A_11 = arith.constant 0 : index
    %get3A_12 = arith.constant 0 : index
    %get3A_13 = arith.constant 0 : index
    %get3A_14 = vector.load %arg2[%get3A_11, %get3A_12, %get3A_13] : memref<1x1000x128xf32, #tpu.memory_space<vmem>>, vector<1x1000x128xf32>
    %get3A_15 = vector.shape_cast %get3A_14 : vector<1x1000x128xf32> to vector<1000x128xf32>
    %add3A_16 = arith.addf %add3A, %get3A_15 : vector<1000x128xf32>
    %get3A_17 = arith.constant 0 : index
    %get3A_18 = arith.constant 0 : index
    %get3A_19 = vector.load %arg4[%get3A_17, %get3A_18] : memref<128x128xf32, #tpu.memory_space<vmem>>, vector<128x128xf32>
    %dot_general3A = arith.constant dense<0.000000e+00> : vector<1000x128xf32>
    %dot_general3A_20 = tpu.matmul %add3A_16, %get3A_19, %dot_general3A {dimension_numbers = #tpu.dot_dimension_numbers<[1], [0], [0], [1], [0, 0, 1, 1], [], []>, transpose_lhs_hint = false} : vector<1000x128xf32>, vector<128x128xf32>, vector<1000x128xf32> -> vector<1000x128xf32>
    %get3A_21 = arith.constant 0 : index
    %get3A_22 = arith.constant 0 : index
    %get3A_23 = vector.load %arg5[%get3A_21, %get3A_22] : memref<1x128xf32, #tpu.memory_space<vmem>>, vector<1x128xf32>
    %add3A_24 = vector.broadcast %get3A_23 : vector<1x128xf32> to vector<1000x128xf32>
    %add3A_25 = arith.addf %dot_general3A_20, %add3A_24 : vector<1000x128xf32>
    %max3A = arith.constant 0.000000e+00 : f32
    %max3A_26 = vector.broadcast %max3A : f32 to vector<1000x128xf32>
    %max3A_27 = arith.maximumf %add3A_25, %max3A_26 : vector<1000x128xf32>
    %get3A_28 = arith.constant 0 : index
    %get3A_29 = arith.constant 0 : index
    %get3A_30 = vector.load %arg6[%get3A_28, %get3A_29] : memref<128x128xf32, #tpu.memory_space<vmem>>, vector<128x128xf32>
    %dot_general3A_31 = arith.constant dense<0.000000e+00> : vector<1000x128xf32>
    %dot_general3A_32 = tpu.matmul %max3A_27, %get3A_30, %dot_general3A_31 {dimension_numbers = #tpu.dot_dimension_numbers<[1], [0], [0], [1], [0, 0, 1, 1], [], []>, transpose_lhs_hint = false} : vector<1000x128xf32>, vector<128x128xf32>, vector<1000x128xf32> -> vector<1000x128xf32>
    %get3A_33 = arith.constant 0 : index
    %get3A_34 = arith.constant 0 : index
    %get3A_35 = vector.load %arg7[%get3A_33, %get3A_34] : memref<1x128xf32, #tpu.memory_space<vmem>>, vector<1x128xf32>
    %add3A_36 = vector.broadcast %get3A_35 : vector<1x128xf32> to vector<1000x128xf32>
    %add3A_37 = arith.addf %dot_general3A_32, %add3A_36 : vector<1000x128xf32>
    %reduce_sum3A = arith.constant dense<0.000000e+00> : vector<1000xf32>
    %reduce_sum3A_38 = vector.multi_reduction <add>, %add3A_37, %reduce_sum3A [1] : vector<1000x128xf32> to vector<1000xf32>
    %broadcast_in_dim3A = vector.shape_cast %reduce_sum3A_38 : vector<1000xf32> to vector<1000x1xf32>
    %div3A = arith.constant 1.280000e+02 : f32
    %div3A_39 = vector.broadcast %div3A : f32 to vector<1000x1xf32>
    %div3A_40 = arith.divf %broadcast_in_dim3A, %div3A_39 : vector<1000x1xf32>
    %sub3A = vector.broadcast %div3A_40 : vector<1000x1xf32> to vector<1000x128xf32>
    %sub3A_41 = arith.subf %add3A_37, %sub3A : vector<1000x128xf32>
    %mul3A_42 = arith.mulf %sub3A_41, %sub3A_41 : vector<1000x128xf32>
    %reduce_sum3A_43 = arith.constant dense<0.000000e+00> : vector<1000xf32>
    %reduce_sum3A_44 = vector.multi_reduction <add>, %mul3A_42, %reduce_sum3A_43 [1] : vector<1000x128xf32> to vector<1000xf32>
    %broadcast_in_dim3A_45 = vector.shape_cast %reduce_sum3A_44 : vector<1000xf32> to vector<1000x1xf32>
    %div3A_46 = arith.constant 1.280000e+02 : f32
    %div3A_47 = vector.broadcast %div3A_46 : f32 to vector<1000x1xf32>
    %div3A_48 = arith.divf %broadcast_in_dim3A_45, %div3A_47 : vector<1000x1xf32>
    %add3A_49 = arith.constant 9.99999974E-6 : f32
    %add3A_50 = vector.broadcast %add3A_49 : f32 to vector<1000x1xf32>
    %add3A_51 = arith.addf %div3A_48, %add3A_50 : vector<1000x1xf32>
    %rsqrt3A = math.rsqrt %add3A_51 : vector<1000x1xf32>
    %mul3A_52 = vector.broadcast %rsqrt3A : vector<1000x1xf32> to vector<1000x128xf32>
    %mul3A_53 = arith.mulf %sub3A_41, %mul3A_52 : vector<1000x128xf32>
    %get3A_54 = arith.constant 0 : index
    %get3A_55 = arith.constant 0 : index
    %get3A_56 = vector.load %arg9[%get3A_54, %get3A_55] : memref<1x128xf32, #tpu.memory_space<vmem>>, vector<1x128xf32>
    %mul3A_57 = vector.broadcast %get3A_56 : vector<1x128xf32> to vector<1000x128xf32>
    %mul3A_58 = arith.mulf %mul3A_53, %mul3A_57 : vector<1000x128xf32>
    %get3A_59 = arith.constant 0 : index
    %get3A_60 = arith.constant 0 : index
    %get3A_61 = vector.load %arg10[%get3A_59, %get3A_60] : memref<1x128xf32, #tpu.memory_space<vmem>>, vector<1x128xf32>
    %add3A_62 = vector.broadcast %get3A_61 : vector<1x128xf32> to vector<1000x128xf32>
    %add3A_63 = arith.addf %mul3A_58, %add3A_62 : vector<1000x128xf32>
    %max3A_64 = arith.constant 0.000000e+00 : f32
    %max3A_65 = vector.broadcast %max3A_64 : f32 to vector<1000x128xf32>
    %max3A_66 = arith.maximumf %add3A_63, %max3A_65 : vector<1000x128xf32>
    %swap3A = arith.constant 0 : index
    %swap3A_67 = arith.constant 0 : index
    %swap3A_68 = vector.load %arg12[%swap3A, %swap3A_67] : memref<1000x128xf32, #tpu.memory_space<vmem>>, vector<1000x128xf32>
    tpu.vector_store %arg12[%swap3A, %swap3A_67], %max3A_66 {strides = array<i32>} : memref<1000x128xf32, #tpu.memory_space<vmem>>, vector<1000x128xf32>,
    %eq3A = arith.constant 0 : i32
    %eq3A_69 = arith.cmpi eq, %arg0, %eq3A : i32
    %convert_element_type3A = arith.extui %eq3A_69 : i1 to i32
    %cond3A = arith.constant 0 : i32
    %cond3A_70 = arith.cmpi ne, %convert_element_type3A, %cond3A : i32
    scf.if %cond3A_70 {
      %broadcast_in_dim3A_106 = arith.constant 0.000000e+00 : f32
      %broadcast_in_dim3A_107 = vector.broadcast %broadcast_in_dim3A_106 : f32 to vector<64x128xf32>
      %swap3A_108 = arith.constant 0 : index
      %swap3A_109 = arith.constant 0 : index
      %swap3A_110 = vector.load %arg14[%swap3A_108, %swap3A_109] : memref<64x128xf32, #tpu.memory_space<vmem>>, vector<64x128xf32>
      tpu.vector_store %arg14[%swap3A_108, %swap3A_109], %broadcast_in_dim3A_107 {strides = array<i32>} : memref<64x128xf32, #tpu.memory_space<vmem>>, vector<64x128xf32>,
      %broadcast_in_dim3A_111 = arith.constant 0.000000e+00 : f32
      %broadcast_in_dim3A_112 = vector.broadcast %broadcast_in_dim3A_111 : f32 to vector<64x128xf32>
      %swap3A_113 = arith.constant 0 : index
      %swap3A_114 = arith.constant 0 : index
      %swap3A_115 = vector.load %arg15[%swap3A_113, %swap3A_114] : memref<64x128xf32, #tpu.memory_space<vmem>>, vector<64x128xf32>
      tpu.vector_store %arg15[%swap3A_113, %swap3A_114], %broadcast_in_dim3A_112 {strides = array<i32>} : memref<64x128xf32, #tpu.memory_space<vmem>>, vector<64x128xf32>,
    } else {
    }
    %get3A_71 = arith.constant 0 : index
    %get3A_72 = arith.constant 0 : index
    %get3A_73 = arith.constant 0 : index
    %get3A_74 = vector.load %arg11[%get3A_71, %get3A_72, %get3A_73] : memref<1x1x1000xi32, #tpu.memory_space<vmem>>, vector<1x1x1000xi32>
    %get3A_75 = vector.shape_cast %get3A_74 : vector<1x1x1000xi32> to vector<1000xi32>
    %broadcast_in_dim3A_76 = vector.shape_cast %get3A_75 : vector<1000xi32> to vector<1000x1xi32>
    %iota3A = tpu.iota {dimensions = array<i32: 1>} : vector<1000x64xi32>
    %eq3A_77 = vector.broadcast %broadcast_in_dim3A_76 : vector<1000x1xi32> to vector<1000x64xi32>
    %eq3A_78 = arith.cmpi eq, %eq3A_77, %iota3A : vector<1000x64xi32>
    %convert_element_type3A_79 = arith.extui %eq3A_78 : vector<1000x64xi1> to vector<1000x64xi32>
    %convert_element_type3A_80 = arith.sitofp %convert_element_type3A_79 : vector<1000x64xi32> to vector<1000x64xf32>
    %get3A_81 = arith.constant 0 : index
    %get3A_82 = arith.constant 0 : index
    %get3A_83 = vector.load %arg14[%get3A_81, %get3A_82] : memref<64x128xf32, #tpu.memory_space<vmem>>, vector<64x128xf32>
    %dot_general3A_84 = arith.constant dense<0.000000e+00> : vector<64x128xf32>
    %dot_general3A_85 = tpu.matmul %convert_element_type3A_80, %max3A_66, %dot_general3A_84 {dimension_numbers = #tpu.dot_dimension_numbers<[0], [0], [1], [1], [0, 1, 1, 1], [], []>, transpose_lhs_hint = false} : vector<1000x64xf32>, vector<1000x128xf32>, vector<64x128xf32> -> vector<64x128xf32>
    %add3A_86 = arith.addf %get3A_83, %dot_general3A_85 : vector<64x128xf32>
    %swap3A_87 = arith.constant 0 : index
    %swap3A_88 = arith.constant 0 : index
    %swap3A_89 = vector.load %arg14[%swap3A_87, %swap3A_88] : memref<64x128xf32, #tpu.memory_space<vmem>>, vector<64x128xf32>
    tpu.vector_store %arg14[%swap3A_87, %swap3A_88], %add3A_86 {strides = array<i32>} : memref<64x128xf32, #tpu.memory_space<vmem>>, vector<64x128xf32>,
    %get3A_90 = arith.constant 0 : index
    %get3A_91 = arith.constant 0 : index
    %get3A_92 = vector.load %arg15[%get3A_90, %get3A_91] : memref<64x128xf32, #tpu.memory_space<vmem>>, vector<64x128xf32>
    %broadcast_in_dim3A_93 = arith.constant 1.000000e+00 : f32
    %broadcast_in_dim3A_94 = vector.broadcast %broadcast_in_dim3A_93 : f32 to vector<1000x128xf32>
    %dot_general3A_95 = arith.constant dense<0.000000e+00> : vector<64x128xf32>
    %dot_general3A_96 = tpu.matmul %convert_element_type3A_80, %broadcast_in_dim3A_94, %dot_general3A_95 {dimension_numbers = #tpu.dot_dimension_numbers<[0], [0], [1], [1], [0, 1, 1, 1], [], []>, transpose_lhs_hint = false} : vector<1000x64xf32>, vector<1000x128xf32>, vector<64x128xf32> -> vector<64x128xf32>
    %add3A_97 = arith.addf %get3A_92, %dot_general3A_96 : vector<64x128xf32>
    %swap3A_98 = arith.constant 0 : index
    %swap3A_99 = arith.constant 0 : index
    %swap3A_100 = vector.load %arg15[%swap3A_98, %swap3A_99] : memref<64x128xf32, #tpu.memory_space<vmem>>, vector<64x128xf32>
    tpu.vector_store %arg15[%swap3A_98, %swap3A_99], %add3A_97 {strides = array<i32>} : memref<64x128xf32, #tpu.memory_space<vmem>>, vector<64x128xf32>,
    %eq3A_101 = arith.constant 9 : i32
    %eq3A_102 = arith.cmpi eq, %arg0, %eq3A_101 : i32
    %convert_element_type3A_103 = arith.extui %eq3A_102 : i1 to i32
    %cond3A_104 = arith.constant 0 : i32
    %cond3A_105 = arith.cmpi ne, %convert_element_type3A_103, %cond3A_104 : i32
    scf.if %cond3A_105 {
      %get3A_106 = arith.constant 0 : index
      %get3A_107 = arith.constant 0 : index
      %get3A_108 = vector.load %arg14[%get3A_106, %get3A_107] : memref<64x128xf32, #tpu.memory_space<vmem>>, vector<64x128xf32>
      %get3A_109 = arith.constant 0 : index
      %get3A_110 = arith.constant 0 : index
      %get3A_111 = vector.load %arg15[%get3A_109, %get3A_110] : memref<64x128xf32, #tpu.memory_space<vmem>>, vector<64x128xf32>
      %max3A_112 = arith.constant 1.000000e+00 : f32
      %max3A_113 = vector.broadcast %max3A_112 : f32 to vector<64x128xf32>
      %max3A_114 = arith.maximumf %get3A_111, %max3A_113 : vector<64x128xf32>
      %div3A_115 = arith.divf %get3A_108, %max3A_114 : vector<64x128xf32>
      %swap3A_116 = arith.constant 0 : index
      %swap3A_117 = arith.constant 0 : index
      %swap3A_118 = vector.load %arg13[%swap3A_116, %swap3A_117] : memref<64x128xf32, #tpu.memory_space<vmem>>, vector<64x128xf32>
      tpu.vector_store %arg13[%swap3A_116, %swap3A_117], %div3A_115 {strides = array<i32>} : memref<64x128xf32, #tpu.memory_space<vmem>>, vector<64x128xf32>,
    } else {
    }
    return
  }
  func.func @transform_0(%arg0: i32) -> (i32, i32, i32) {
    %c0_i32 = arith.constant 0 : i32
    %c0_i32_0 = arith.constant 0 : i32
    %c0_i32_1 = arith.constant 0 : i32
    return %c0_i32, %arg0, %c0_i32_0 : i32, i32, i32
  }
  func.func @transform_1(%arg0: i32) -> (i32, i32, i32) {
    %c1_i32 = arith.constant 1 : i32
    %c0_i32 = arith.constant 0 : i32
    %c0_i32_0 = arith.constant 0 : i32
    return %c1_i32, %arg0, %c0_i32 : i32, i32, i32
  }
  func.func @transform_2(%arg0: i32) -> (i32, i32) {
    %c0_i32 = arith.constant 0 : i32
    %c0_i32_0 = arith.constant 0 : i32
    return %arg0, %c0_i32 : i32, i32
  }
  func.func @transform_3(%arg0: i32) -> (i32, i32) {
    %c0_i32 = arith.constant 0 : i32
    %c0_i32_0 = arith.constant 0 : i32
    %c0_i32_1 = arith.constant 0 : i32
    return %c0_i32, %c0_i32_0 : i32, i32
  }
  func.func @transform_4(%arg0: i32) -> (i32, i32) {
    %c0_i32 = arith.constant 0 : i32
    %c0_i32_0 = arith.constant 0 : i32
    %c0_i32_1 = arith.constant 0 : i32
    return %c0_i32, %c0_i32_0 : i32, i32
  }
  func.func @transform_5(%arg0: i32) -> (i32, i32) {
    %c0_i32 = arith.constant 0 : i32
    %c0_i32_0 = arith.constant 0 : i32
    %c0_i32_1 = arith.constant 0 : i32
    return %c0_i32, %c0_i32_0 : i32, i32
  }
  func.func @transform_6(%arg0: i32) -> (i32, i32) {
    %c0_i32 = arith.constant 0 : i32
    %c0_i32_0 = arith.constant 0 : i32
    %c0_i32_1 = arith.constant 0 : i32
    return %c0_i32, %c0_i32_0 : i32, i32
  }
  func.func @transform_7(%arg0: i32) -> (i32, i32) {
    %c0_i32 = arith.constant 0 : i32
    %c0_i32_0 = arith.constant 0 : i32
    %c0_i32_1 = arith.constant 0 : i32
    return %c0_i32, %c0_i32_0 : i32, i32
  }
  func.func @transform_8(%arg0: i32) -> (i32, i32) {
    %c0_i32 = arith.constant 0 : i32
    %c0_i32_0 = arith.constant 0 : i32
    %c0_i32_1 = arith.constant 0 : i32
    return %c0_i32, %c0_i32_0 : i32, i32
  }
  func.func @transform_9(%arg0: i32) -> (i32, i32) {
    %c0_i32 = arith.constant 0 : i32
    %c0_i32_0 = arith.constant 0 : i32
    %c0_i32_1 = arith.constant 0 : i32
    return %c0_i32, %c0_i32_0 : i32, i32
  }
  func.func @transform_10(%arg0: i32) -> (i32, i32, i32) {
    %c0_i32 = arith.constant 0 : i32
    %c0_i32_0 = arith.constant 0 : i32
    %c0_i32_1 = arith.constant 0 : i32
    return %arg0, %c0_i32, %c0_i32_0 : i32, i32, i32
  }
  func.func @transform_11(%arg0: i32) -> (i32, i32) {
    %c0_i32 = arith.constant 0 : i32
    %c0_i32_0 = arith.constant 0 : i32
    return %arg0, %c0_i32 : i32, i32
  }
  func.func @transform_12(%arg0: i32) -> (i32, i32) {
    %c0_i32 = arith.constant 0 : i32
    %c0_i32_0 = arith.constant 0 : i32
    %c0_i32_1 = arith.constant 0 : i32
    return %c0_i32, %c0_i32_0 : i32, i32
  }
}

</mosaic_0001>

<sc_bundles>
// kernel: kernel.11.cloned.1.call-start
scs
__scs_entry_jumppad:
0x0: {  	(pc) =	sbr.rel $0x88, $3  }
0x1: {  	(tag) =	ssettag $0x0;
	lr =	simm.s32 $0x1  }
0x2: {  	[smem:$0x3F8B] =	sst lr;
	_ =	strace $0xD0000000  }
0x3: {  	_ = 	snop  }
0x4: {  	_ = 	snop  }
0x5: {  	_ = 	snop  }
0x6: {  	_ = 	snop  }
0x7: {  	_ = 	snop  }
__scs_overlays_trampoline_lowered:
0x8: {  	[smem:$0x3F9A] =	sst s0  }
0x9: {  	[smem:$0x3F9B] =	sst s1  }
0xa: {  	[smem:$0x3F9C] =	sst s2  }
0xb: {  	[smem:$0x3F9D] =	sst s3  }
0xc: {  	[smem:$0x3F9E] =	sst s4  }
0xd: {  	[smem:$0x3F9F] =	sst s5  }
0xe: {  	[smem:$0x3FA0] =	sst s6  }
0xf: {  	[smem:$0x3FA1] =	sst s7  }
0x10: {  	[smem:$0x3FA2] =	sst s8  }
0x11: {  	[smem:$0x3FA3] =	sst s9;
	s0 =	simm.s32 @!p0 $0x0  }
0x12: {  	s1 =	sld [smem:$0x3F89];
	s0 =	simm.s32 @p0 $0x1  }
0x13: {  	[smem:$0x3FA4] =	sst s0;
	s0 =	simm.s32 @!p1 $0x0  }
0x14: {  	s2 =	sld [smem:$0x3F88];
	s0 =	simm.s32 @p1 $0x1  }
0x15: {  	[smem:$0x3FA5] =	sst s0;
	s0 =	simm.s32 @!p2 $0x0  }
0x16: {  	s3 =	sld [smem:$0x3FDB];
	s0 =	simm.s32 @p2 $0x1  }
0x17: {  	s4 =	simm.s32 $0x1BF5;
	[smem:$0x3FA7] =	sst s0  }
0x18: {  	s0 =	sld [smem:$0x3F8A];
	_ =	swait.ge [sflag:s4], $0x0  }
0x19: {  	s7 =	sld [smem:$0x3F8B]  }
0x1a: {  	s8 =	sadd.s32 $0xFFFFE003, lr  }
0x1b: {  	s9 =	sadd.s32 $0xFFFFFEF7, lr;
	s5 =	simm.s32 $0xFFFFFFFF;
	p2 =	slt.u32 s8, $0xFFFFF086  }
0x1c: {  	p1 =	slt.u32 s9, $0xF7A;
	s5 =	simm.s32 @!p2 $0x0  }
0x1d: {  	s5 =	simm.s32 @p1 $0x1;
	p0 =	seq.s32 s7, s2  }
0x1e: {  	s7 =	smul.u32 @!p0 $0xF7A, s2;
	p2 =	seq.s32 @!p0 s5, $0x0  }
0x1f: {  	s9 =	smul.u32 $0xF7A, s1;
	s8 =	simm.s32 @!p0 $0x1BF5;
	p2 =	por !p2, p0  }
0x20: {  	[sflag:s8] =	ssyncset.s32 @!p0 $0xFFFFF086;
	s6 =	sadd.s32 @!p0 s3, s7;
	s7 =	simm.s32 @!p0 $0x108  }
0x21: {  	s3 =	sadd.s32 s3, s9;
	s6 =	sadd.s32 @!p0 $0x88, s6;
	s7 =	simm.s32 @p2 $0x1082  }
0x22: {  	[simem:s7], [sflag:s8] =	dma.local @!p0 [hbm:s6], $0xF7A  }
0x23: {  	s9 =	sor.u32 $0xD0000000, s2;
	s6 =	simm.s32 $0x108;
	_ =	swait.ge @!p0 [sflag:s8], $0x0  }
0x24: {  	s3 =	sadd.s32 $0x88, s3;
	s6 =	simm.s32 @!p1 $0x1082;
	[sflag:s4] =	ssyncset.s32 $0xFFFFF086  }
0x25: {  	[simem:s6], [sflag:s4] =	dma.local [hbm:s3], $0xF7A  }
0x26: {  	[smem:$0x3F8B] =	sst s1;
	(tag) =	ssettag s2;
	_ =	strace s9  }
0x27: {  	s1 =	sld [smem:$0x3F9B]  }
0x28: {  	s2 =	sld [smem:$0x3F9C]  }
0x29: {  	s4 =	sld [smem:$0x3F9E]  }
0x2a: {  	p0 =	seq.s32 s5, $0x0;
	s5 =	sld [smem:$0x3F9F]  }
0x2b: {  	s6 =	sld [smem:$0x3FA0]  }
0x2c: {  	s7 =	sld [smem:$0x3FA1]  }
0x2d: {  	s3 =	simm.s32 $0x108;
	s8 =	sld [smem:$0x3FA2]  }
0x2e: {  	s3 =	simm.s32 @!p0 $0x1082;
	s9 =	sld [smem:$0x3FA3]  }
0x2f: {  	lr =	sadd.s32 s0, s3;
	s0 =	sld [smem:$0x3F9A]  }
0x30: {  	s3 =	sld [smem:$0x3F9D]  }
0x31: {  	[smem:$0x3FA6] =	sst s10  }
0x32: {  	s10 =	sld [smem:$0x3FA4];
	_ =	sdelay $0x3  }
0x33: {  	p0 =	seq.s32 s10, $0x1;
	s10 =	sld [smem:$0x3FA6];
	_ =	sdelay $0x3  }
0x34: {  	[smem:$0x3FA6] =	sst s10  }
0x35: {  	s10 =	sld [smem:$0x3FA5];
	_ =	sdelay $0x3  }
0x36: {  	p1 =	seq.s32 s10, $0x1;
	s10 =	sld [smem:$0x3FA6];
	_ =	sdelay $0x3  }
0x37: {  	[smem:$0x3FA6] =	sst s10  }
0x38: {  	s10 =	sld [smem:$0x3FA7]  }
0x39: {  	_ = 	snop;
	(pc) =	sbr.ind lr, $3  }
0x3a: {  	_ = 	snop  }
0x3b: {  	_ = 	snop  }
0x3c: {  	p2 =	seq.s32 s10, $0x1;
	s10 =	sld [smem:$0x3FA6]  }
0x3d: {  	_ =	shalt  }
0x3e: {  	_ =	shalt  }
0x3f: {  	_ =	shalt  }
0x40: {  	_ =	shalt  }
0x41: {  	_ =	shalt  }
0x42: {  	_ =	shalt  }
0x43: {  	_ =	shalt  }
0x44: {  	_ =	shalt  }
0x45: {  	_ =	shalt  }
0x46: {  	_ =	shalt  }
0x47: {  	_ =	shalt  }
0x48: {  	_ =	shalt  }
0x49: {  	_ =	shalt  }
0x4a: {  	_ =	shalt  }
0x4b: {  	_ =	shalt  }
0x4c: {  	_ =	shalt  }
0x4d: {  	_ =	shalt  }
0x4e: {  	_ =	shalt  }
0x4f: {  	_ =	shalt  }
0x50: {  	_ =	shalt  }
0x51: {  	_ =	shalt  }
0x52: {  	_ =	shalt  }
0x53: {  	_ =	shalt  }
0x54: {  	_ =	shalt  }
0x55: {  	_ =	shalt  }
0x56: {  	_ =	shalt  }
0x57: {  	_ =	shalt  }
0x58: {  	_ =	shalt  }
0x59: {  	_ =	shalt  }
0x5a: {  	_ =	shalt  }
0x5b: {  	_ =	shalt  }
0x5c: {  	_ =	shalt  }
0x5d: {  	_ =	shalt  }
0x5e: {  	_ =	shalt  }
0x5f: {  	_ =	shalt  }
0x60: {  	_ =	shalt  }
0x61: {  	_ =	shalt  }
0x62: {  	_ =	shalt  }
0x63: {  	_ =	shalt  }
0x64: {  	_ =	shalt  }
0x65: {  	_ =	shalt  }
0x66: {  	_ =	shalt  }
0x67: {  	_ =	shalt  }
0x68: {  	_ =	shalt  }
0x69: {  	_ =	shalt  }
0x6a: {  	_ =	shalt  }
0x6b: {  	_ =	shalt  }
0x6c: {  	_ =	shalt  }
0x6d: {  	_ =	shalt  }
0x6e: {  	_ =	shalt  }
0x6f: {  	_ =	shalt  }
0x70: {  	_ =	shalt  }
0x71: {  	_ =	shalt  }
0x72: {  	_ =	shalt  }
0x73: {  	_ =	shalt  }
0x74: {  	_ =	shalt  }
0x75: {  	_ =	shalt  }
0x76: {  	_ =	shalt  }
0x77: {  	_ =	shalt  }
0x78: {  	_ =	shalt  }
0x79: {  	_ =	shalt  }
0x7a: {  	_ =	shalt  }
0x7b: {  	_ =	shalt  }
0x7c: {  	_ =	shalt  }
0x7d: {  	_ =	shalt  }
0x7e: {  	_ =	shalt  }
0x7f: {  	_ =	shalt  }
0x80: {  	_ =	shalt  }
0x81: {  	_ =	shalt  }
0x82: {  	_ =	shalt  }
0x83: {  	_ =	shalt  }
0x84: {  	_ =	shalt  }
0x85: {  	_ =	shalt  }
0x86: {  	_ =	shalt  }
0x87: {  	_ =	shalt  }
.Lfunc_end0:
.L_simem_size_0:
called_computation.1_lowered:
.L_overlay_start_0:
0x88: {  	s2 =	sld [smem:$0x3FD9]  }
0x89: {  	s3 =	sld [smem:$0x3FFE];
	_ =	sdelay $0x1  }
0x8a: {  	s1 =	srdreg.scid  }
0x8b: {  	s0 =	sand.u32 $0x1, s1  }
0x8c: {  	s14 =	sshll.u32 s0, $0xA;
	s2 =	sadd.s32 s3, s2  }
0x8d: {  	s2 =	sadd.s32 s2, s14  }
0x8e: {  	[smem:$0x3FB2] =	sst s2  }
0x8f: {  	_ = 	snop  }
0x90: {  	s2 =	sld [smem:$0x3FD0];
	_ =	sdelay $0x2  }
0x91: {  	s15 =	simm.s32 $0xA;
	s4 =	simm.s32 $0x10  }
0x92: {  	[smem:s4], [sflag:s15] =	dma.local [hbm:s2], $0x1  }
0x93: {  	_ =	swait.eq [sflag:s15], $0x1  }
0x94: {  	[sflag:s15] =	ssyncset.done $0x0  }
0x95: {  	[sflag:s15] =	ssyncadd.s32 $0xFFFFFFFF  }
0x96: {  	s16 =	sld [smem:$0x11];
	(tm) =	ssettm $0x1  }
0x97: {  	s17 =	sld [smem:$0x3FFB];
	_ =	sdelay $0x3  }
0x98: {  	_ =	strace s17  }
0x99: {  	s3 =	sld [smem:$0x3FFC];
	_ =	sdelay $0x3  }
0x9a: {  	_ =	strace s3  }
0x9b: {  	s3 =	sld [smem:$0x3FFD];
	_ =	sdelay $0x3  }
0x9c: {  	_ =	strace s3  }
0x9d: {  	_ =	strace $0x8FFFFFFF  }
0x9e: {  	s18 =	sld [smem:$0x3FDB];
	_ =	sdelay $0x1  }
0x9f: {  	s19 =	simm.s32 $_scs_section_size  }
0xa0: {  	s5 =	simm.s32 $_size__tile_overlayer_lowered;
	s6 =	simm.s32 $_tile_overlayer_lowered  }
0xa1: {  	s22 =	simm.s32 $0x1BFF;
	s21 =	sshll.u32 s6, $0x1;
	s3 =	sadd.s32 s19, s18  }
0xa2: {  	s7 =	simm.s32 $0x0;
	s20 =	sshll.u32 s5, $0x1;
	s5 =	sadd.s32 s21, s3  }
0xa3: {  	[timem:s7], [sflag:s22] =	dma.local [hbm:s5], s20  }
0xa4: {  	_ =	swait.ge [sflag:s22], s20  }
0xa5: {  	s4 =	ssub.s32 $0x0, s20;
	[sflag:s22] =	ssyncset.done $0x0  }
0xa6: {  	[sflag:s22] =	ssyncadd.s32 s4;
	_ =	sdelay $0x1  }
0xa7: {  	s23 =	simm.s32 $0x1B8B  }
0xa8: {  	_ =	swait.ge [sflag:s23], $0x1  }
0xa9: {  	[sflag:s23] =	ssyncset.done $0x0  }
0xaa: {  	s25 =	simm.s32 $0x1B8E;
	s24 =	sld [smem:$0x3FFE];
	[sflag:s23] =	ssyncadd.s32 $0xFFFFFFFF  }
0xab: {  	s26 =	simm.s32 $execute0_lowered;
	[smem:$0x3FD2] =	sst s25  }
0xac: {  	s5 =	sshll.u32 s26, $0x1;
	_ =	strace $0x80000049;
	[dreg:$0x1] =	wrdreg $0xFFFFFFFF  }
0xad: {  	s28 =	simm.s32 $_size_execute0_lowered;
	s3 =	sadd.s32 s3, s5;
	[dreg:$0x0] =	wrdreg $0x0  }
0xae: {  	s5 =	sshll.u32 s28, $0x1;
	[dreg:$0x2] =	wrdreg s3  }
0xaf: {  	[dreg:$0x3] =	wrdreg s5  }
0xb0: {  	[dreg:$0x4] =	wrdreg $0xC0  }
0xb1: {  	_ =	task [dreg:s7], $0x5FFFF  }
0xb2: {  	[dreg:$0x1] =	wrdreg $0xFFFFFFFF  }
0xb3: {  	[dreg:$0x0] =	wrdreg $0x60  }
0xb4: {  	[dreg:$0x2] =	wrdreg s16  }
0xb5: {  	[dreg:$0x3] =	wrdreg s24  }
0xb6: {  	[dreg:$0x4] =	wrdreg $0x0  }
0xb7: {  	[dreg:$0x5] =	wrdreg $0x9  }
0xb8: {  	_ =	task.clear_ibuf [dreg:s7], $0x6FFFF;
	_ =	strace $0x90000049  }
0xb9: {  	s29 =	simm.s32 $0x9;
	_ =	strace $0x8000004B  }
0xba: {  	_ =	swait.ge [sflag:s29], $0x1  }
0xbb: {  	[sflag:s29] =	ssyncadd.s32 $0xFFFFFFFF  }
0xbc: {  	_ =	strace $0x9000004B  }
0xbd: {  	_ =	sfence  }
0xbe: {  	s30 =	sld [smem:$0x0];
	_ =	sdelay $0x2  }
0xbf: {  	s31 =	sshll.u32 s1, $0xD;
	s1 =	sshrl.u32 s1, $0x2  }
0xc0: {  	s3 =	sand.u32 $0x4000, s31;
	s1 =	sadd.s32 s1, s30  }
0xc1: {  	s0 =	sor.u32 s3, s0;
	s1 =	sshll.u32 s1, $0x11  }
0xc2: {  	s0 =	sor.u32 s1, s0  }
0xc3: {  	s0 =	sadd.s32 $0x8F2B, s0  }
0xc4: {  	[sflag:s0] =	ssyncadd.remote.s32 $0x1  }
0xc5: {  	_ =	sfence.sel $0xFFFF  }
0xc6: {  	[dreg:$0x0] =	wrdreg $0xFFFFFFFF;
	(pc) =	sbr.abs _section_cstart, $3  }
0xc7: {  	[dreg:$0x1] =	wrdreg $0xFFFFFFFF  }
0xc8: {  	_ =	task.clear_ibuf [dreg:s7], $0x2FFFF;
	_ =	strace $0x9FFFFFFF  }
0xc9: {  	(tm) =	ssettm $0x7FFFFFFF  }
tec
execute0_lowered:
.L_overlay_start_1:
0x0: {  	(tag) =	ssettag $0x1  }
0x1: {  	s1 =	rddreg [dreg:$0x0]  }
0x2: {  	s0 =	rddreg [dreg:$0x1]  }
0x3: {  	s3 =	rddreg [dreg:$0x2];
	s4 =	simm.s32 $0x0  }
0x4: {  	s2 =	stileid.u32;
	s5 =	srdreg.scid;
	s14 =	simm.s32 $0x9  }
0x5: {  	s15 =	simm.s32 $0x14000;
	s16 =	simm.s32 $0x14800;
	s17 =	simm.s32 $0x50  }
0x6: {  	s18 =	simm.s32 $0x1C800;
	s19 =	simm.s32 $0x7;
	s20 =	simm.s32 $0x8  }
0x7: {  	s21 =	simm.s32 $0x6;
	[smem:$0x7FF] =	sst s4;
	s8 =	smul.u32 $0x14000, s2  }
0x8: {  	s9 =	sand.u32 $0x1, s5;
	s5 =	sadd.s32 $0x7E1A00, s0;
	s6 =	sadd.s32 $0xCC00, s0  }
0x9: {  	s7 =	sadd.s32 $0x2E00, s0;
	s12 =	smul.u32 $0x50000, s2;
	s30 =	sshll.u32 s2, $0x6  }
0xa: {  	_ =	strace $0x8000004A;
	s10 =	smul.u32 $0x140000, s9;
	s25 =	ssub.s32 $0x2, s9  }
0xb: {  	s11 =	sshrl.u32 s8, $0x3;
	s26 =	sshrl.u32 s25, $0x1;
	s28 =	sshrl.u32 s12, $0x2  }
0xc: {  	s8 =	sadd.s32 s8, s10;
	s11 =	sadd.s32 s11, s0;
	s13 =	ssub.s32 s25, s26  }
0xd: {  	s8 =	sshrl.u32 s8, $0x3;
	s29 =	sadd.s32 $0x769A00, s11;
	s31 =	smax.u32 s13, $0x1  }
0xe: {  	s0 =	sadd.s32 s8, s0;
	s8 =	sshll.u32 s9, $0x4;
	[dreg:$0x4] =	wrdreg s29  }
0xf: {  	s9 =	sadd.s32 s28, s3;
	[dreg:$0x6] =	wrdreg s31;
	s0 =	sadd.s32 $0x791A00, s0  }
0x10: {  	s10 =	sor.u32 $0x1C09, s30;
	s13 =	sshrl.u32 s9, $0x3;
	[dreg:$0x5] =	wrdreg s0  }
.LBB2_1:
0x11: {  	s0 =	rddreg [dreg:$0x4]  }
0x12: {  	[spmem:s13], [sflag:s10] =	dma.local [hbm:s0], $0x2800  }
0x13: {  	_ =	swait.ge [sflag:s14], $0x2800  }
0x14: {  	[sflag:s14] =	ssyncset.done $0x0  }
0x15: {  	[sflag:s14] =	ssyncadd.s32 $0xFFFFD800  }
0x16: {  	s22 =	simm.s32 $0x0;
	[bflag:$0x0] =	sbarrier.arrive $0xFFFF  }
.LBB2_2:
0x17: {  	s0 =	sshll.u32 s22, $0x5  }
0x18: {  	s0 =	sor.u32 s0, s8  }
0x19: {  	s0 =	sor.u32 s2, s0  }
0x1a: {  	s23 =	smul.u32 $0x7D0, s0;
	_ =	sdelay $0x1  }
0x1b: {  	s9 =	sshrl.u32 s23, $0x3  }
0x1c: {  	s25 =	simm.s32 $0x0;
	s24 =	sadd.s32 s6, s9  }
0x1d: {  	[tilespmem:s15], [sflag:$0x9] =	stream.linear.gather [hbm4b:s24+s25], $0x7D0, $0x38;
	[tilespmem:$0x1F000] =	vst v63  }
0x1e: {  	_ =	swait.ge [sflag:s14], $0x7D0  }
0x1f: {  	[sflag:s14] =	ssyncset.done $0x0  }
0x20: {  	s9 =	sadd.s32 s7, s9;
	[sflag:s14] =	ssyncadd.s32 $0xFFFFF830  }
0x21: {  	[tilespmem:s16], [sflag:$0x9] =	stream.linear.gather [hbm4b:s9+s25], $0x7D0, $0x38;
	[tilespmem:$0x1F000] =	vst v63  }
0x22: {  	_ =	swait.ge [sflag:s14], $0x7D0  }
0x23: {  	[sflag:s14] =	ssyncset.done $0x0  }
0x24: {  	s0 =	smul.u32 $0x3E80, s0;
	s24 =	simm.s32 $0x15000;
	[sflag:s14] =	ssyncadd.s32 $0xFFFFF830  }
0x25: {  	[tilespmem:s24], [sflag:$0x1] =	stream.indirect.gather [hbm4b:s1+s17], $0x80, s15, s17, $0xb8;
	[tilespmem:$0x1F000] =	vst v63  }
0x26: {  	p0 =	por $0x0, $0x0;
	s0 =	sadd.s32 s5, s0  }
0x27: {  	[tilespmem:s18], [sflag:$0x4] =	stream.linear.gather [hbm4b:s0+s25], $0x1400, $0x38;
	[tilespmem:$0x1F000] =	vst v63  }
.LBB2_3:
0x28: {  	s0 =	smul.u32 $0xAB, s25;
	_ =	sdelay $0x1  }
0x29: {  	s9 =	sadd.s32 $0xAB, s0  }
0x2a: {  	s9 =	sshrl.u32 s9, $0x9  }
0x2b: {  	s9 =	sand.u32 $0x7F, s9  }
0x2c: {  	s26 =	sadd.s32 $0x1, s25;
	p1 =	seq.s32 s25, $0x18;
	s9 =	smul.u32 $0x3, s9  }
0x2d: {  	p2 =	slt.u32 @!p1 s25, $0x2;
	s30 =	smul.u32 @!p1 $0x50, s26  }
0x2e: {  	s31 =	sand.u32 $0x1, s26;
	s0 =	sshrl.u32 s0, $0x9;
	s9 =	ssub.s32 s26, s9  }
0x2f: {  	p2 =	por p2, p1;
	s12 =	smul.u32 @!p1 $0x5000, s31;
	s9 =	sand.u32 $0xFF, s9  }
0x30: {  	s0 =	sand.u32 $0x7F, s0;
	s28 =	sadd.s32 @!p2 $0x6, s9;
	s29 =	smul.u32 @!p1 $0xA000, s9  }
0x31: {  	s11 =	simm.s32 @!p1 $0x50;
	s0 =	smul.u32 $0x3, s0;
	_ =	swait.ge @!p2 [sflag:s28], $0x2800  }
0x32: {  	s9 =	sadd.s32 @!p1 $0x1, s9;
	[sflag:s28] =	ssyncset.done @!p2 $0x0;
	s29 =	sshrl.u32 @!p1 s29, $0x2  }
0x33: {  	[sflag:s28] =	ssyncadd.s32 @!p2 $0xFFFFD800;
	s28 =	sadd.s32 @!p1 $0x15000, s29;
	s29 =	sadd.s32 @!p1 $0x14000, s30  }
0x34: {  	[tilespmem:s28], [sflag:s9] =	stream.indirect.gather @!p1 [hbm4b:s1+s11], $0x80, s29, s11, $0xb8;
	[tilespmem:$0x1F000] =	vst v63  }
0x35: {  	s0 =	ssub.s32 s25, s0;
	s9 =	sshrl.u32 @!p1 s12, $0x2;
	s11 =	sadd.s32 @!p1 s23, s30  }
0x36: {  	s28 =	sand.u32 $0xFF, s0;
	s0 =	sadd.s32 @!p1 $0x1C800, s9;
	s9 =	sshll.u32 @!p1 s11, $0x3  }
0x37: {  	s12 =	simm.s32 @!p1 $0x0;
	s11 =	sor.u32 @!p1 $0x4, s31;
	s9 =	sadd.s32 @!p1 s5, s9  }
0x38: {  	[tilespmem:s0], [sflag:s11] =	stream.linear.gather @!p1 [hbm4b:s9+s12], $0x1400, $0x38;
	[tilespmem:$0x1F000] =	vst v63  }
0x39: {  	s0 =	simm.s32 $0x1;
	s9 =	sadd.s32 $0x1, s28  }
0x3a: {  	s11 =	smulhi.u32 $0xAAAAAAAB, s25;
	s12 =	sand.u32 $0x1, s25;
	_ =	swait.ge [sflag:s9], $0x2800  }
0x3b: {  	s0 =	simm.s32 @!p0 $0x0;
	s12 =	sor.u32 $0x4, s12;
	[sflag:s9] =	ssyncset.done $0x0  }
0x3c: {  	s0 =	smul.u32 $0x5000, s0;
	s11 =	sshrl.u32 s11, $0x1;
	[sflag:s9] =	ssyncadd.s32 $0xFFFFD800  }
0x3d: {  	s11 =	smul.u32 $0xFFFE2000, s11;
	_ =	swait.ge [sflag:s12], $0x1400  }
0x3e: {  	s0 =	sshrl.u32 s0, $0x2;
	[sflag:s12] =	ssyncset.done $0x0  }
0x3f: {  	s9 =	sadd.s32 $0x1C900, s0;
	s11 =	sshra.s32 s11, $0x2;
	[sflag:s12] =	ssyncadd.s32 $0xFFFFEC00  }
0x40: {  	s29 =	sadd.s32 s11, s24;
	v0 =	vld [tilespmem:s9+$0x80]  }
0x41: {  	v1 =	vld [tilespmem:s29+$0x300]  }
0x42: {  	v2 =	vld [tilespmem:s29+$0x380]  }
0x43: {  	v3 =	vld [tilespmem:s9+$0xFFFFFF80]  }
0x44: {  	v4 =	vld [tilespmem:s9+$0xFFFFFF00]  }
0x45: {  	v6 =	vld [tilespmem:s29+$0x0];
	v5 =	vshll.u32 v0, $0x10  }
0x46: {  	v7 =	vld [tilespmem:s9+$0x0];
	v0 =	vand.u32 $0xFFFF0000, v0;
	v1 =	vadd.f32 v5, v1  }
0x47: {  	v5 =	vld [tilespmem:s29+$0x80];
	v0 =	vadd.f32 v0, v2  }
0x48: {  	v2 =	vld [tilespmem:s29+$0x100];
	v1 =	vmax.f32 v1, $0.0e+00  }
0x49: {  	v8 =	vld [tilespmem:s29+$0x180];
	v0 =	vmax.f32 v0, $0.0e+00;
	[tilespmem:s29+$0x300] =	vst v1  }
0x4a: {  	v9 =	vld [tilespmem:s29+$0x200];
	v1 =	vshll.u32 v4, $0x10;
	[tilespmem:s29+$0x380] =	vst v0  }
0x4b: {  	v4 =	vand.u32 $0xFFFF0000, v4;
	v0 =	vadd.f32 v1, v6;
	v1 =	vld [tilespmem:s9+$0x90]  }
0x4c: {  	v6 =	vld [tilespmem:s29+$0x310];
	v4 =	vadd.f32 v4, v5;
	v5 =	vshll.u32 v3, $0x10  }
0x4d: {  	v3 =	vand.u32 $0xFFFF0000, v3;
	v0 =	vmax.f32 v0, $0.0e+00;
	v2 =	vadd.f32 v5, v2;
	v5 =	vld [tilespmem:s29+$0x390]  }
0x4e: {  	v10 =	vld [tilespmem:s29+$0x90];
	v3 =	vadd.f32 v3, v8;
	[tilespmem:s29+$0x0] =	vst v0;
	v0 =	vmax.f32 v4, $0.0e+00  }
0x4f: {  	v4 =	vld [tilespmem:s29+$0x280];
	[tilespmem:s29+$0x80] =	vst v0;
	v0 =	vshll.u32 v7, $0x10;
	v2 =	vmax.f32 v2, $0.0e+00  }
0x50: {  	v0 =	vadd.f32 v0, v9;
	v9 =	vld [tilespmem:s9+$0xFFFFFF10];
	[tilespmem:s29+$0x100] =	vst v2;
	v2 =	vmax.f32 v3, $0.0e+00;
	v3 =	vshll.u32 v1, $0x10  }
0x51: {  	v8 =	vld [tilespmem:s29+$0x10];
	v1 =	vand.u32 $0xFFFF0000, v1;
	[tilespmem:s29+$0x180] =	vst v2;
	v2 =	vadd.f32 v3, v6  }
0x52: {  	v0 =	vmax.f32 v0, $0.0e+00;
	v3 =	vld [tilespmem:s9+$0xFFFFFF90];
	v1 =	vadd.f32 v1, v5  }
0x53: {  	[tilespmem:s29+$0x200] =	vst v0;
	v0 =	vld [tilespmem:s29+$0x110];
	v2 =	vmax.f32 v2, $0.0e+00  }
0x54: {  	v6 =	vld [tilespmem:s29+$0x190];
	v5 =	vand.u32 $0xFFFF0000, v7;
	[tilespmem:s29+$0x310] =	vst v2;
	v1 =	vmax.f32 v1, $0.0e+00  }
0x55: {  	v2 =	vadd.f32 v5, v4;
	v5 =	vld [tilespmem:s29+$0x210];
	v4 =	vshll.u32 v9, $0x10;
	[tilespmem:s29+$0x390] =	vst v1  }
0x56: {  	v1 =	vand.u32 $0xFFFF0000, v9;
	v4 =	vadd.f32 v4, v8;
	v7 =	vld [tilespmem:s9+$0xA0]  }
0x57: {  	v9 =	vld [tilespmem:s29+$0x320];
	v2 =	vmax.f32 v2, $0.0e+00;
	v1 =	vadd.f32 v1, v10;
	v8 =	vshll.u32 v3, $0x10  }
0x58: {  	[tilespmem:s29+$0x280] =	vst v2;
	v2 =	vand.u32 $0xFFFF0000, v3;
	v3 =	vmax.f32 v4, $0.0e+00;
	v0 =	vadd.f32 v8, v0;
	v4 =	vld [tilespmem:s29+$0x3A0]  }
0x59: {  	v1 =	vmax.f32 v1, $0.0e+00;
	v2 =	vadd.f32 v2, v6;
	[tilespmem:s29+$0x10] =	vst v3;
	v3 =	vld [tilespmem:s9+$0x10]  }
0x5a: {  	v8 =	vld [tilespmem:s29+$0x20];
	[tilespmem:s29+$0x90] =	vst v1;
	v0 =	vmax.f32 v0, $0.0e+00  }
0x5b: {  	v1 =	vld [tilespmem:s29+$0x290];
	[tilespmem:s29+$0x110] =	vst v0;
	v0 =	vmax.f32 v2, $0.0e+00;
	v2 =	vshll.u32 v7, $0x10  }
0x5c: {  	v6 =	vld [tilespmem:s9+$0xFFFFFF20];
	[tilespmem:s29+$0x190] =	vst v0;
	v0 =	vand.u32 $0xFFFF0000, v7;
	v2 =	vadd.f32 v2, v9  }
0x5d: {  	v7 =	vld [tilespmem:s9+$0xFFFFFFA0];
	v0 =	vadd.f32 v0, v4  }
0x5e: {  	v4 =	vld [tilespmem:s29+$0xA0];
	v9 =	vshll.u32 v3, $0x10;
	v2 =	vmax.f32 v2, $0.0e+00  }
0x5f: {  	v10 =	vld [tilespmem:s29+$0x120];
	v3 =	vand.u32 $0xFFFF0000, v3;
	v5 =	vadd.f32 v9, v5;
	[tilespmem:s29+$0x320] =	vst v2;
	v0 =	vmax.f32 v0, $0.0e+00  }
0x60: {  	v1 =	vadd.f32 v3, v1;
	v2 =	vld [tilespmem:s29+$0x1A0];
	[tilespmem:s29+$0x3A0] =	vst v0  }
0x61: {  	v0 =	vshll.u32 v6, $0x10;
	v3 =	vmax.f32 v5, $0.0e+00;
	v5 =	vld [tilespmem:s9+$0xB0]  }
0x62: {  	v6 =	vand.u32 $0xFFFF0000, v6;
	v0 =	vadd.f32 v0, v8;
	v1 =	vmax.f32 v1, $0.0e+00;
	[tilespmem:s29+$0x210] =	vst v3;
	v3 =	vld [tilespmem:s29+$0x330]  }
0x63: {  	v8 =	vshll.u32 v7, $0x10;
	v4 =	vadd.f32 v6, v4;
	[tilespmem:s29+$0x290] =	vst v1;
	v1 =	vld [tilespmem:s29+$0x3B0]  }
0x64: {  	v6 =	vand.u32 $0xFFFF0000, v7;
	v0 =	vmax.f32 v0, $0.0e+00;
	v7 =	vadd.f32 v8, v10;
	v8 =	vld [tilespmem:s9+$0x20]  }
0x65: {  	[tilespmem:s29+$0x20] =	vst v0;
	v0 =	vmax.f32 v4, $0.0e+00;
	v2 =	vadd.f32 v6, v2;
	v4 =	vld [tilespmem:s29+$0x220]  }
0x66: {  	v6 =	vld [tilespmem:s29+$0x2A0];
	[tilespmem:s29+$0xA0] =	vst v0;
	v0 =	vmax.f32 v7, $0.0e+00;
	v7 =	vshll.u32 v5, $0x10  }
0x67: {  	v9 =	vld [tilespmem:s9+$0xFFFFFF30];
	[tilespmem:s29+$0x120] =	vst v0;
	v0 =	vmax.f32 v2, $0.0e+00;
	v2 =	vand.u32 $0xFFFF0000, v5;
	v3 =	vadd.f32 v7, v3  }
0x68: {  	v5 =	vld [tilespmem:s29+$0x30];
	[tilespmem:s29+$0x1A0] =	vst v0;
	v0 =	vadd.f32 v2, v1  }
0x69: {  	v1 =	vld [tilespmem:s9+$0xFFFFFFB0];
	v2 =	vshll.u32 v8, $0x10;
	v3 =	vmax.f32 v3, $0.0e+00  }
0x6a: {  	v7 =	vand.u32 $0xFFFF0000, v8;
	v8 =	vld [tilespmem:s29+$0xB0];
	v2 =	vadd.f32 v2, v4;
	v0 =	vmax.f32 v0, $0.0e+00;
	[tilespmem:s29+$0x330] =	vst v3  }
0x6b: {  	v4 =	vadd.f32 v7, v6;
	v3 =	vld [tilespmem:s29+$0x130];
	[tilespmem:s29+$0x3B0] =	vst v0  }
0x6c: {  	v0 =	vmax.f32 v2, $0.0e+00;
	v2 =	vld [tilespmem:s9+$0xC0]  }
0x6d: {  	v6 =	vshll.u32 v9, $0x10;
	[tilespmem:s29+$0x220] =	vst v0;
	v0 =	vmax.f32 v4, $0.0e+00;
	v4 =	vld [tilespmem:s29+$0x340]  }
0x6e: {  	v7 =	vand.u32 $0xFFFF0000, v9;
	v5 =	vadd.f32 v6, v5;
	[tilespmem:s29+$0x2A0] =	vst v0;
	v0 =	vld [tilespmem:s29+$0x3C0]  }
0x6f: {  	v9 =	vld [tilespmem:s29+$0x1B0];
	v6 =	vadd.f32 v7, v8  }
0x70: {  	v8 =	vshll.u32 v1, $0x10;
	v7 =	vld [tilespmem:s9+$0x30];
	v5 =	vmax.f32 v5, $0.0e+00  }
0x71: {  	[tilespmem:s29+$0x30] =	vst v5;
	v3 =	vadd.f32 v8, v3;
	v5 =	vmax.f32 v6, $0.0e+00;
	v6 =	vld [tilespmem:s29+$0x230];
	v8 =	vshll.u32 v2, $0x10  }
0x72: {  	[tilespmem:s29+$0xB0] =	vst v5;
	v5 =	vld [tilespmem:s29+$0x2B0];
	v2 =	vand.u32 $0xFFFF0000, v2;
	v4 =	vadd.f32 v8, v4  }
0x73: {  	v10 =	vld [tilespmem:s29+$0xC0];
	v3 =	vmax.f32 v3, $0.0e+00;
	v0 =	vadd.f32 v2, v0  }
0x74: {  	v1 =	vand.u32 $0xFFFF0000, v1;
	v8 =	vld [tilespmem:s9+$0xFFFFFF40];
	[tilespmem:s29+$0x130] =	vst v3;
	v3 =	vmax.f32 v4, $0.0e+00  }
0x75: {  	v1 =	vadd.f32 v1, v9;
	v2 =	vld [tilespmem:s29+$0x40];
	v4 =	vshll.u32 v7, $0x10;
	[tilespmem:s29+$0x340] =	vst v3;
	v0 =	vmax.f32 v0, $0.0e+00  }
0x76: {  	v3 =	vand.u32 $0xFFFF0000, v7;
	v7 =	vld [tilespmem:s29+$0x140];
	v4 =	vadd.f32 v4, v6;
	[tilespmem:s29+$0x3C0] =	vst v0  }
0x77: {  	v0 =	vmax.f32 v1, $0.0e+00;
	v1 =	vadd.f32 v3, v5;
	v3 =	vld [tilespmem:s9+$0xD0]  }
0x78: {  	[tilespmem:s29+$0x1B0] =	vst v0;
	v0 =	vmax.f32 v4, $0.0e+00;
	v4 =	vld [tilespmem:s29+$0x350]  }
0x79: {  	v5 =	vshll.u32 v8, $0x10;
	v6 =	vand.u32 $0xFFFF0000, v8;
	v8 =	vld [tilespmem:s29+$0x1C0]  }
0x7a: {  	[tilespmem:s29+$0x230] =	vst v0;
	v0 =	vmax.f32 v1, $0.0e+00;
	v1 =	vld [tilespmem:s29+$0x3D0]  }
0x7b: {  	v2 =	vadd.f32 v5, v2;
	v5 =	vld [tilespmem:s9+$0xFFFFFFC0]  }
0x7c: {  	[tilespmem:s29+$0x2B0] =	vst v0;
	v0 =	vadd.f32 v6, v10;
	v10 =	vld [tilespmem:s29+$0x50]  }
0x7d: {  	v6 =	vld [tilespmem:s9+$0x40];
	v2 =	vmax.f32 v2, $0.0e+00;
	v9 =	vshll.u32 v3, $0x10  }
0x7e: {  	[tilespmem:s29+$0x40] =	vst v2;
	v0 =	vmax.f32 v0, $0.0e+00;
	v2 =	vld [tilespmem:s29+$0x240];
	v3 =	vand.u32 $0xFFFF0000, v3;
	v4 =	vadd.f32 v9, v4  }
0x7f: {  	[tilespmem:s29+$0xC0] =	vst v0;
	v0 =	vld [tilespmem:s29+$0x2C0];
	v1 =	vadd.f32 v3, v1  }
0x80: {  	v3 =	vld [tilespmem:s9+$0xFFFFFF50];
	v9 =	vshll.u32 v5, $0x10;
	v5 =	vand.u32 $0xFFFF0000, v5;
	v4 =	vmax.f32 v4, $0.0e+00  }
0x81: {  	v5 =	vadd.f32 v5, v8;
	v1 =	vmax.f32 v1, $0.0e+00;
	[tilespmem:s29+$0x350] =	vst v4;
	v4 =	vadd.f32 v9, v7;
	v7 =	vld [tilespmem:s29+$0xD0]  }
0x82: {  	[tilespmem:s29+$0x3D0] =	vst v1;
	v1 =	vshll.u32 v6, $0x10;
	v9 =	vld [tilespmem:s29+$0x150]  }
0x83: {  	v6 =	vand.u32 $0xFFFF0000, v6;
	v8 =	vld [tilespmem:s9+$0xE0];
	v1 =	vadd.f32 v1, v2;
	v2 =	vmax.f32 v5, $0.0e+00  }
0x84: {  	v5 =	vld [tilespmem:s29+$0x360];
	v0 =	vadd.f32 v6, v0;
	v4 =	vmax.f32 v4, $0.0e+00;
	[tilespmem:s29+$0x1C0] =	vst v2  }
0x85: {  	[tilespmem:s29+$0x140] =	vst v4;
	v4 =	vld [tilespmem:s29+$0x3E0];
	v1 =	vmax.f32 v1, $0.0e+00  }
0x86: {  	v6 =	vshll.u32 v3, $0x10;
	v0 =	vmax.f32 v0, $0.0e+00;
	v2 =	vld [tilespmem:s9+$0xFFFFFFD0];
	[tilespmem:s29+$0x240] =	vst v1  }
0x87: {  	v1 =	vand.u32 $0xFFFF0000, v3;
	v3 =	vadd.f32 v6, v10;
	v6 =	vld [tilespmem:s29+$0x1D0];
	[tilespmem:s29+$0x2C0] =	vst v0  }
0x88: {  	v0 =	vadd.f32 v1, v7;
	v7 =	vld [tilespmem:s9+$0x50];
	v1 =	vshll.u32 v8, $0x10  }
0x89: {  	v3 =	vmax.f32 v3, $0.0e+00;
	v8 =	vand.u32 $0xFFFF0000, v8;
	v1 =	vadd.f32 v1, v5;
	v5 =	vld [tilespmem:s29+$0x250]  }
0x8a: {  	[tilespmem:s29+$0x50] =	vst v3;
	v0 =	vmax.f32 v0, $0.0e+00;
	v3 =	vadd.f32 v8, v4;
	v4 =	vld [tilespmem:s29+$0x2D0]  }
0x8b: {  	v11 =	vld [tilespmem:s29+$0xF0];
	[tilespmem:s29+$0xD0] =	vst v0;
	v8 =	vshll.u32 v2, $0x10;
	v0 =	vmax.f32 v1, $0.0e+00  }
0x8c: {  	v1 =	vand.u32 $0xFFFF0000, v2;
	v2 =	vadd.f32 v8, v9;
	v8 =	vld [tilespmem:s9+$0xFFFFFF60];
	[tilespmem:s29+$0x360] =	vst v0;
	v0 =	vmax.f32 v3, $0.0e+00  }
0x8d: {  	v1 =	vadd.f32 v1, v6;
	v3 =	vld [tilespmem:s29+$0x60];
	[tilespmem:s29+$0x3E0] =	vst v0;
	v0 =	vshll.u32 v7, $0x10  }
0x8e: {  	v6 =	vand.u32 $0xFFFF0000, v7;
	v7 =	vld [tilespmem:s29+$0x2E0];
	v2 =	vmax.f32 v2, $0.0e+00;
	v0 =	vadd.f32 v0, v5  }
0x8f: {  	v1 =	vmax.f32 v1, $0.0e+00;
	[tilespmem:s29+$0x150] =	vst v2;
	v2 =	vld [tilespmem:s29+$0xE0];
	v4 =	vadd.f32 v6, v4  }
0x90: {  	[tilespmem:s29+$0x1D0] =	vst v1;
	v1 =	vld [tilespmem:s29+$0x160];
	v0 =	vmax.f32 v0, $0.0e+00  }
0x91: {  	v6 =	vld [tilespmem:s9+$0xFFFFFFE0];
	[tilespmem:s29+$0x250] =	vst v0;
	v0 =	vmax.f32 v4, $0.0e+00  }
0x92: {  	v5 =	vshll.u32 v8, $0x10;
	v4 =	vld [tilespmem:s29+$0x1E0];
	[tilespmem:s29+$0x2D0] =	vst v0  }
0x93: {  	v3 =	vadd.f32 v5, v3;
	v0 =	vand.u32 $0xFFFF0000, v8;
	v5 =	vld [tilespmem:s9+$0x60]  }
0x94: {  	v0 =	vadd.f32 v0, v2;
	v2 =	vld [tilespmem:s29+$0x260]  }
0x95: {  	v9 =	vld [tilespmem:s9+$0xF0];
	v3 =	vmax.f32 v3, $0.0e+00  }
0x96: {  	v10 =	vld [tilespmem:s29+$0x3F0];
	[tilespmem:s29+$0x60] =	vst v3;
	v3 =	vshll.u32 v6, $0x10;
	v0 =	vmax.f32 v0, $0.0e+00  }
0x97: {  	v8 =	vld [tilespmem:s29+$0x70];
	[tilespmem:s29+$0xE0] =	vst v0;
	v0 =	vadd.f32 v3, v1;
	v1 =	vand.u32 $0xFFFF0000, v6  }
0x98: {  	v3 =	vadd.f32 v1, v4;
	v4 =	vshll.u32 v5, $0x10;
	v12 =	vld [tilespmem:s9+$0xFFFFFF70]  }
0x99: {  	v1 =	vld [tilespmem:s29+$0x170];
	v5 =	vand.u32 $0xFFFF0000, v5;
	v0 =	vmax.f32 v0, $0.0e+00;
	v2 =	vadd.f32 v4, v2  }
0x9a: {  	v4 =	vadd.f32 v5, v7;
	v5 =	vand.u32 $0xFFFF0000, v9;
	[tilespmem:s29+$0x160] =	vst v0;
	v0 =	vmax.f32 v3, $0.0e+00;
	v3 =	vld [tilespmem:s29+$0x1F0]  }
0x9b: {  	v5 =	vadd.f32 v5, v10;
	[tilespmem:s29+$0x1E0] =	vst v0;
	v0 =	vmax.f32 v2, $0.0e+00;
	v2 =	vld [tilespmem:s29+$0x270]  }
0x9c: {  	s12 =	smul.u32 $0xA000, s28;
	[tilespmem:s29+$0x260] =	vst v0;
	v0 =	vmax.f32 v4, $0.0e+00;
	v6 =	vld [tilespmem:s9+$0xFFFFFFF0]  }
0x9d: {  	v4 =	vld [tilespmem:s29+$0x2F0];
	[tilespmem:s29+$0x2E0] =	vst v0;
	v0 =	vmax.f32 v5, $0.0e+00;
	v5 =	vshll.u32 v12, $0x10;
	v10 =	vand.u32 $0xFFFF0000, v12  }
0x9e: {  	s31 =	smov.u32 s29;
	s0 =	sshrl.u32 s12, $0x2;
	[tilespmem:s29+$0x3F0] =	vst v0;
	v7 =	vld [tilespmem:s9+$0x70];
	v0 =	vshll.u32 v9, $0x10;
	v9 =	vadd.f32 v5, v8;
	v8 =	vadd.f32 v10, v11  }
0x9f: {  	s30 =	sadd.s32 $0x15000, s0;
	s0 =	simm.s32 $0x0;
	v5 =	vld [tilespmem:s29+$0x370];
	s9 =	sadd.s32 $0x200, s9  }
.LBB2_4:
0xa0: {  	v10 =	vld [tilespmem:s9+$0x80];
	v9 =	vmax.f32 v9, $0.0e+00;
	v8 =	vmax.f32 v8, $0.0e+00;
	s29 =	sadd.s32 $0x400, s29  }
0xa1: {  	v11 =	vld [tilespmem:s29+$0x300];
	[tilespmem:s31+$0x70] =	vst v9;
	v9 =	vshll.u32 v6, $0x10;
	v6 =	vand.u32 $0xFFFF0000, v6  }
0xa2: {  	v12 =	vld [tilespmem:s29+$0x380];
	[tilespmem:s31+$0xF0] =	vst v8;
	v1 =	vadd.f32 v9, v1;
	v3 =	vadd.f32 v6, v3  }
0xa3: {  	v6 =	vld [tilespmem:s9+$0xFFFFFF80];
	v8 =	vshll.u32 v7, $0x10;
	v7 =	vand.u32 $0xFFFF0000, v7  }
0xa4: {  	v9 =	vld [tilespmem:s9+$0x0];
	v1 =	vmax.f32 v1, $0.0e+00;
	v2 =	vadd.f32 v8, v2;
	v4 =	vadd.f32 v7, v4  }
0xa5: {  	v0 =	vadd.f32 v0, v5;
	v7 =	vld [tilespmem:s9+$0xFFFFFF00];
	v8 =	vshll.u32 v10, $0x10;
	[tilespmem:s31+$0x170] =	vst v1;
	v1 =	vmax.f32 v3, $0.0e+00  }
0xa6: {  	v5 =	vand.u32 $0xFFFF0000, v10;
	v3 =	vld [tilespmem:s29+$0x0];
	v8 =	vadd.f32 v8, v11;
	[tilespmem:s31+$0x1F0] =	vst v1;
	v1 =	vmax.f32 v2, $0.0e+00  }
0xa7: {  	s0 =	sadd.s32 $0x4, s0;
	v0 =	vmax.f32 v0, $0.0e+00;
	v2 =	vld [tilespmem:s29+$0x80];
	v5 =	vadd.f32 v5, v12;
	[tilespmem:s31+$0x270] =	vst v1;
	v1 =	vmax.f32 v4, $0.0e+00  }
0xa8: {  	p1 =	slt.u32 s0, $0x24;
	v4 =	vshll.u32 v6, $0x10;
	v6 =	vand.u32 $0xFFFF0000, v6;
	v10 =	vld [tilespmem:s29+$0x100];
	v8 =	vmax.f32 v8, $0.0e+00;
	[tilespmem:s31+$0x2F0] =	vst v1  }
0xa9: {  	v1 =	vld [tilespmem:s29+$0x180];
	v11 =	vshll.u32 v9, $0x10;
	v9 =	vand.u32 $0xFFFF0000, v9;
	[tilespmem:s29+$0x300] =	vst v8;
	v5 =	vmax.f32 v5, $0.0e+00  }
0xaa: {  	v8 =	vshll.u32 v7, $0x10;
	v7 =	vand.u32 $0xFFFF0000, v7;
	v12 =	vld [tilespmem:s29+$0x200];
	[tilespmem:s29+$0x380] =	vst v5  }
0xab: {  	v3 =	vadd.f32 v8, v3;
	v5 =	vld [tilespmem:s9+$0x90];
	[tilespmem:s31+$0x370] =	vst v0;
	s31 =	smov.u32 s29  }
0xac: {  	v0 =	vadd.f32 v7, v2;
	v2 =	vld [tilespmem:s29+$0x310]  }
0xad: {  	v3 =	vmax.f32 v3, $0.0e+00;
	v4 =	vadd.f32 v4, v10;
	v7 =	vld [tilespmem:s29+$0x390]  }
0xae: {  	[tilespmem:s29+$0x0] =	vst v3;
	v0 =	vmax.f32 v0, $0.0e+00;
	v1 =	vadd.f32 v6, v1;
	v3 =	vld [tilespmem:s29+$0x280]  }
0xaf: {  	[tilespmem:s29+$0x80] =	vst v0;
	v0 =	vld [tilespmem:s29+$0x10];
	v4 =	vmax.f32 v4, $0.0e+00;
	v6 =	vadd.f32 v11, v12  }
0xb0: {  	v8 =	vld [tilespmem:s9+$0xFFFFFF10];
	[tilespmem:s29+$0x100] =	vst v4;
	v1 =	vmax.f32 v1, $0.0e+00;
	v4 =	vshll.u32 v5, $0x10  }
0xb1: {  	v5 =	vand.u32 $0xFFFF0000, v5;
	v10 =	vld [tilespmem:s29+$0x90];
	[tilespmem:s29+$0x180] =	vst v1;
	v1 =	vmax.f32 v6, $0.0e+00;
	v2 =	vadd.f32 v4, v2  }
0xb2: {  	v4 =	vld [tilespmem:s9+$0xFFFFFF90];
	[tilespmem:s29+$0x200] =	vst v1;
	v1 =	vadd.f32 v5, v7  }
0xb3: {  	v5 =	vld [tilespmem:s29+$0x110];
	v3 =	vadd.f32 v9, v3;
	v2 =	vmax.f32 v2, $0.0e+00  }
0xb4: {  	v6 =	vld [tilespmem:s29+$0x190];
	[tilespmem:s29+$0x310] =	vst v2;
	v1 =	vmax.f32 v1, $0.0e+00  }
0xb5: {  	v2 =	vshll.u32 v8, $0x10;
	v7 =	vand.u32 $0xFFFF0000, v8;
	v3 =	vmax.f32 v3, $0.0e+00;
	v8 =	vld [tilespmem:s29+$0x210];
	[tilespmem:s29+$0x390] =	vst v1  }
0xb6: {  	v0 =	vadd.f32 v2, v0;
	v1 =	vadd.f32 v7, v10;
	[tilespmem:s29+$0x280] =	vst v3;
	v2 =	vld [tilespmem:s9+$0xA0]  }
0xb7: {  	v3 =	vshll.u32 v4, $0x10;
	v4 =	vand.u32 $0xFFFF0000, v4;
	v7 =	vld [tilespmem:s29+$0x320]  }
0xb8: {  	v0 =	vmax.f32 v0, $0.0e+00;
	v1 =	vmax.f32 v1, $0.0e+00;
	v3 =	vadd.f32 v3, v5;
	v5 =	vld [tilespmem:s29+$0x3A0]  }
0xb9: {  	[tilespmem:s29+$0x10] =	vst v0;
	v0 =	vadd.f32 v4, v6;
	v4 =	vld [tilespmem:s9+$0x10]  }
0xba: {  	[tilespmem:s29+$0x90] =	vst v1;
	v1 =	vmax.f32 v3, $0.0e+00;
	v3 =	vld [tilespmem:s29+$0x290]  }
0xbb: {  	v6 =	vld [tilespmem:s9+$0xFFFFFF20];
	[tilespmem:s29+$0x110] =	vst v1;
	v0 =	vmax.f32 v0, $0.0e+00;
	v1 =	vshll.u32 v2, $0x10  }
0xbc: {  	v9 =	vld [tilespmem:s29+$0x20];
	[tilespmem:s29+$0x190] =	vst v0;
	v0 =	vand.u32 $0xFFFF0000, v2;
	v1 =	vadd.f32 v1, v7  }
0xbd: {  	v2 =	vld [tilespmem:s9+$0xFFFFFFA0];
	v0 =	vadd.f32 v0, v5  }
0xbe: {  	v5 =	vld [tilespmem:s29+$0xA0];
	v7 =	vshll.u32 v4, $0x10;
	v4 =	vand.u32 $0xFFFF0000, v4;
	v1 =	vmax.f32 v1, $0.0e+00  }
0xbf: {  	v10 =	vld [tilespmem:s29+$0x120];
	v7 =	vadd.f32 v7, v8;
	v3 =	vadd.f32 v4, v3;
	[tilespmem:s29+$0x320] =	vst v1;
	v0 =	vmax.f32 v0, $0.0e+00  }
0xc0: {  	v1 =	vshll.u32 v6, $0x10;
	v4 =	vand.u32 $0xFFFF0000, v6;
	v6 =	vld [tilespmem:s29+$0x1A0];
	[tilespmem:s29+$0x3A0] =	vst v0  }
0xc1: {  	v0 =	vadd.f32 v1, v9;
	v1 =	vmax.f32 v7, $0.0e+00;
	v3 =	vmax.f32 v3, $0.0e+00;
	v7 =	vld [tilespmem:s9+$0xB0]  }
0xc2: {  	v8 =	vshll.u32 v2, $0x10;
	v2 =	vand.u32 $0xFFFF0000, v2;
	[tilespmem:s29+$0x210] =	vst v1;
	v1 =	vld [tilespmem:s29+$0x330]  }
0xc3: {  	v0 =	vmax.f32 v0, $0.0e+00;
	v4 =	vadd.f32 v4, v5;
	[tilespmem:s29+$0x290] =	vst v3;
	v3 =	vld [tilespmem:s29+$0x3B0]  }
0xc4: {  	[tilespmem:s29+$0x20] =	vst v0;
	v0 =	vadd.f32 v8, v10;
	v5 =	vld [tilespmem:s9+$0x20]  }
0xc5: {  	v4 =	vmax.f32 v4, $0.0e+00;
	v2 =	vadd.f32 v2, v6;
	v6 =	vld [tilespmem:s29+$0x220]  }
0xc6: {  	[tilespmem:s29+$0xA0] =	vst v4;
	v0 =	vmax.f32 v0, $0.0e+00;
	v4 =	vld [tilespmem:s29+$0x2A0];
	v8 =	vshll.u32 v7, $0x10  }
0xc7: {  	v9 =	vld [tilespmem:s9+$0xFFFFFF30];
	[tilespmem:s29+$0x120] =	vst v0;
	v0 =	vmax.f32 v2, $0.0e+00;
	v2 =	vand.u32 $0xFFFF0000, v7;
	v1 =	vadd.f32 v8, v1  }
0xc8: {  	v7 =	vld [tilespmem:s29+$0x30];
	[tilespmem:s29+$0x1A0] =	vst v0;
	v0 =	vadd.f32 v2, v3  }
0xc9: {  	v2 =	vld [tilespmem:s9+$0xFFFFFFB0];
	v3 =	vshll.u32 v5, $0x10;
	v5 =	vand.u32 $0xFFFF0000, v5;
	v1 =	vmax.f32 v1, $0.0e+00  }
0xca: {  	v8 =	vld [tilespmem:s29+$0xB0];
	v3 =	vadd.f32 v3, v6;
	[tilespmem:s29+$0x330] =	vst v1;
	v0 =	vmax.f32 v0, $0.0e+00  }
0xcb: {  	v1 =	vld [tilespmem:s29+$0x130];
	v4 =	vadd.f32 v5, v4;
	[tilespmem:s29+$0x3B0] =	vst v0  }
0xcc: {  	v0 =	vshll.u32 v9, $0x10;
	v5 =	vand.u32 $0xFFFF0000, v9;
	v3 =	vmax.f32 v3, $0.0e+00;
	v6 =	vld [tilespmem:s9+$0xC0]  }
0xcd: {  	v0 =	vadd.f32 v0, v7;
	[tilespmem:s29+$0x220] =	vst v3;
	v3 =	vmax.f32 v4, $0.0e+00;
	v4 =	vld [tilespmem:s29+$0x340]  }
0xce: {  	v7 =	vshll.u32 v2, $0x10;
	v2 =	vand.u32 $0xFFFF0000, v2;
	[tilespmem:s29+$0x2A0] =	vst v3;
	v3 =	vld [tilespmem:s29+$0x3C0]  }
0xcf: {  	v0 =	vmax.f32 v0, $0.0e+00;
	v5 =	vadd.f32 v5, v8;
	v8 =	vld [tilespmem:s9+$0x30]  }
0xd0: {  	[tilespmem:s29+$0x30] =	vst v0;
	v0 =	vadd.f32 v7, v1;
	v1 =	vld [tilespmem:s29+$0x1B0]  }
0xd1: {  	v5 =	vmax.f32 v5, $0.0e+00;
	v7 =	vld [tilespmem:s29+$0x230];
	v9 =	vshll.u32 v6, $0x10  }
0xd2: {  	v6 =	vand.u32 $0xFFFF0000, v6;
	[tilespmem:s29+$0xB0] =	vst v5;
	v0 =	vmax.f32 v0, $0.0e+00;
	v5 =	vld [tilespmem:s29+$0x2B0];
	v4 =	vadd.f32 v9, v4  }
0xd3: {  	v9 =	vld [tilespmem:s9+$0xFFFFFF40];
	[tilespmem:s29+$0x130] =	vst v0;
	v0 =	vadd.f32 v6, v3  }
0xd4: {  	v3 =	vld [tilespmem:s29+$0x40];
	v6 =	vshll.u32 v8, $0x10;
	v8 =	vand.u32 $0xFFFF0000, v8;
	v4 =	vmax.f32 v4, $0.0e+00  }
0xd5: {  	v10 =	vld [tilespmem:s29+$0xC0];
	v1 =	vadd.f32 v2, v1;
	[tilespmem:s29+$0x340] =	vst v4;
	v0 =	vmax.f32 v0, $0.0e+00  }
0xd6: {  	v2 =	vld [tilespmem:s29+$0x140];
	v4 =	vadd.f32 v6, v7;
	[tilespmem:s29+$0x3C0] =	vst v0  }
0xd7: {  	v0 =	vmax.f32 v1, $0.0e+00;
	v1 =	vadd.f32 v8, v5;
	v5 =	vld [tilespmem:s9+$0xD0]  }
0xd8: {  	v6 =	vshll.u32 v9, $0x10;
	v7 =	vand.u32 $0xFFFF0000, v9;
	[tilespmem:s29+$0x1B0] =	vst v0;
	v0 =	vmax.f32 v4, $0.0e+00;
	v4 =	vld [tilespmem:s29+$0x350]  }
0xd9: {  	v3 =	vadd.f32 v6, v3;
	[tilespmem:s29+$0x230] =	vst v0;
	v0 =	vmax.f32 v1, $0.0e+00;
	v1 =	vld [tilespmem:s29+$0x3D0]  }
0xda: {  	v6 =	vadd.f32 v7, v10;
	v7 =	vld [tilespmem:s9+$0xFFFFFFC0];
	[tilespmem:s29+$0x2B0] =	vst v0  }
0xdb: {  	v0 =	vmax.f32 v3, $0.0e+00;
	v3 =	vld [tilespmem:s9+$0x40]  }
0xdc: {  	[tilespmem:s29+$0x40] =	vst v0;
	v0 =	vmax.f32 v6, $0.0e+00;
	v6 =	vld [tilespmem:s29+$0x1C0];
	v8 =	vshll.u32 v5, $0x10  }
0xdd: {  	v5 =	vand.u32 $0xFFFF0000, v5;
	[tilespmem:s29+$0xC0] =	vst v0;
	v0 =	vld [tilespmem:s29+$0x240];
	v4 =	vadd.f32 v8, v4  }
0xde: {  	v8 =	vld [tilespmem:s29+$0x2C0];
	v1 =	vadd.f32 v5, v1  }
0xdf: {  	v5 =	vld [tilespmem:s9+$0xFFFFFF50];
	v9 =	vshll.u32 v7, $0x10;
	v7 =	vand.u32 $0xFFFF0000, v7;
	v4 =	vmax.f32 v4, $0.0e+00  }
0xe0: {  	v10 =	vld [tilespmem:s29+$0x50];
	v11 =	vshll.u32 v3, $0x10;
	v3 =	vand.u32 $0xFFFF0000, v3;
	[tilespmem:s29+$0x350] =	vst v4;
	v1 =	vmax.f32 v1, $0.0e+00  }
0xe1: {  	v2 =	vadd.f32 v9, v2;
	v4 =	vld [tilespmem:s29+$0xD0];
	v6 =	vadd.f32 v7, v6;
	[tilespmem:s29+$0x3D0] =	vst v1  }
0xe2: {  	v0 =	vadd.f32 v11, v0;
	v1 =	vld [tilespmem:s9+$0xE0]  }
0xe3: {  	v2 =	vmax.f32 v2, $0.0e+00;
	v6 =	vmax.f32 v6, $0.0e+00;
	v3 =	vadd.f32 v3, v8;
	v7 =	vld [tilespmem:s29+$0x360]  }
0xe4: {  	v8 =	vshll.u32 v5, $0x10;
	v5 =	vand.u32 $0xFFFF0000, v5;
	[tilespmem:s29+$0x140] =	vst v2;
	v0 =	vmax.f32 v0, $0.0e+00;
	v2 =	vld [tilespmem:s29+$0x3E0]  }
0xe5: {  	v8 =	vadd.f32 v8, v10;
	[tilespmem:s29+$0x1C0] =	vst v6;
	v6 =	vld [tilespmem:s29+$0x150];
	v3 =	vmax.f32 v3, $0.0e+00  }
0xe6: {  	v4 =	vadd.f32 v5, v4;
	v5 =	vld [tilespmem:s9+$0xFFFFFFD0];
	[tilespmem:s29+$0x240] =	vst v0  }
0xe7: {  	v0 =	vmax.f32 v8, $0.0e+00;
	v8 =	vld [tilespmem:s29+$0x1D0];
	[tilespmem:s29+$0x2C0] =	vst v3;
	v3 =	vshll.u32 v1, $0x10  }
0xe8: {  	v1 =	vand.u32 $0xFFFF0000, v1;
	[tilespmem:s29+$0x50] =	vst v0;
	v0 =	vmax.f32 v4, $0.0e+00;
	v4 =	vld [tilespmem:s9+$0x50];
	v3 =	vadd.f32 v3, v7  }
0xe9: {  	[tilespmem:s29+$0xD0] =	vst v0;
	v0 =	vld [tilespmem:s29+$0x250];
	v1 =	vadd.f32 v1, v2  }
0xea: {  	v2 =	vld [tilespmem:s29+$0x2D0];
	v3 =	vmax.f32 v3, $0.0e+00  }
0xeb: {  	v7 =	vld [tilespmem:s9+$0xFFFFFF60];
	v9 =	vshll.u32 v5, $0x10;
	v5 =	vand.u32 $0xFFFF0000, v5;
	[tilespmem:s29+$0x360] =	vst v3;
	v1 =	vmax.f32 v1, $0.0e+00  }
0xec: {  	v3 =	vld [tilespmem:s29+$0x60];
	v6 =	vadd.f32 v9, v6;
	v5 =	vadd.f32 v5, v8;
	[tilespmem:s29+$0x3E0] =	vst v1  }
0xed: {  	v1 =	vshll.u32 v4, $0x10;
	v4 =	vand.u32 $0xFFFF0000, v4;
	v8 =	vld [tilespmem:s9+$0xF0]  }
0xee: {  	v6 =	vmax.f32 v6, $0.0e+00;
	v5 =	vmax.f32 v5, $0.0e+00;
	v0 =	vadd.f32 v1, v0;
	v1 =	vld [tilespmem:s29+$0x3F0]  }
0xef: {  	v9 =	vld [tilespmem:s29+$0xE0];
	[tilespmem:s29+$0x150] =	vst v6;
	v2 =	vadd.f32 v4, v2  }
0xf0: {  	v4 =	vshll.u32 v7, $0x10;
	v6 =	vand.u32 $0xFFFF0000, v7;
	[tilespmem:s29+$0x1D0] =	vst v5;
	v5 =	vld [tilespmem:s29+$0x160];
	v0 =	vmax.f32 v0, $0.0e+00  }
0xf1: {  	v3 =	vadd.f32 v4, v3;
	v4 =	vld [tilespmem:s9+$0xFFFFFFE0];
	[tilespmem:s29+$0x250] =	vst v0;
	v0 =	vmax.f32 v2, $0.0e+00  }
0xf2: {  	v2 =	vld [tilespmem:s29+$0x1E0];
	[tilespmem:s29+$0x2D0] =	vst v0;
	v0 =	vshll.u32 v8, $0x10;
	v7 =	vand.u32 $0xFFFF0000, v8  }
0xf3: {  	v3 =	vmax.f32 v3, $0.0e+00;
	v8 =	vld [tilespmem:s9+$0x60];
	v1 =	vadd.f32 v7, v1  }
0xf4: {  	[tilespmem:s29+$0x60] =	vst v3;
	v3 =	vadd.f32 v6, v9;
	v6 =	vld [tilespmem:s29+$0x260]  }
0xf5: {  	v7 =	vld [tilespmem:s29+$0x2E0];
	v1 =	vmax.f32 v1, $0.0e+00  }
0xf6: {  	v3 =	vmax.f32 v3, $0.0e+00;
	v9 =	vld [tilespmem:s29+$0x70];
	v10 =	vshll.u32 v4, $0x10;
	v4 =	vand.u32 $0xFFFF0000, v4;
	[tilespmem:s29+$0x3F0] =	vst v1  }
0xf7: {  	[tilespmem:s29+$0xE0] =	vst v3;
	v11 =	vld [tilespmem:s29+$0xF0];
	v1 =	vadd.f32 v10, v5;
	v2 =	vadd.f32 v4, v2  }
0xf8: {  	v4 =	vld [tilespmem:s9+$0xFFFFFF70];
	v3 =	vshll.u32 v8, $0x10;
	v5 =	vand.u32 $0xFFFF0000, v8  }
0xf9: {  	v8 =	vmax.f32 v1, $0.0e+00;
	v2 =	vmax.f32 v2, $0.0e+00;
	v1 =	vld [tilespmem:s29+$0x170];
	v6 =	vadd.f32 v3, v6  }
0xfa: {  	[tilespmem:s29+$0x160] =	vst v8;
	v3 =	vld [tilespmem:s29+$0x1F0];
	v5 =	vadd.f32 v5, v7  }
.Ltmp0:
0xfb: {  	[tilespmem:s29+$0x1E0] =	vst v2;
	v7 =	vmax.f32 v6, $0.0e+00;
	v2 =	vld [tilespmem:s29+$0x270];
	(pc) =	sbr.rel @p1 .LBB2_4-.Ltmp0, $4  }
0xfc: {  	v6 =	vld [tilespmem:s9+$0xFFFFFFF0];
	[tilespmem:s29+$0x260] =	vst v7;
	v5 =	vmax.f32 v5, $0.0e+00  }
0xfd: {  	v7 =	vshll.u32 v4, $0x10;
	v8 =	vand.u32 $0xFFFF0000, v4;
	[tilespmem:s29+$0x2E0] =	vst v5;
	v4 =	vld [tilespmem:s29+$0x2F0]  }
0xfe: {  	v9 =	vadd.f32 v7, v9;
	v8 =	vadd.f32 v8, v11;
	v7 =	vld [tilespmem:s9+$0x70]  }
0xff: {  	s9 =	sadd.s32 $0x200, s9;
	v5 =	vld [tilespmem:s29+$0x370]  }
0x100: {  	_ = 	snop  }
0x101: {  	v10 =	vshll.u32 v6, $0x10  }
0x102: {  	v9 =	vmax.f32 v9, $0.0e+00;
	v58 =	vand.u32 $0xFFFF0000, v6;
	v1 =	vadd.f32 v10, v1  }
0x103: {  	v8 =	vmax.f32 v8, $0.0e+00;
	[tilespmem:s31+$0x70] =	vst v9;
	v3 =	vadd.f32 v58, v3;
	v59 =	vshll.u32 v7, $0x10  }
0x104: {  	[tilespmem:s31+$0xF0] =	vst v8;
	v60 =	vand.u32 $0xFFFF0000, v7;
	v1 =	vmax.f32 v1, $0.0e+00;
	v2 =	vadd.f32 v59, v2  }
0x105: {  	s0 =	smul.u32 $0x140, s25;
	p1 =	sne.s32 s26, $0x19;
	v4 =	vadd.f32 v60, v4;
	v61 =	vmax.f32 v3, $0.0e+00;
	[tilespmem:s31+$0x170] =	vst v1  }
.Ltmp1:
0x106: {  	v0 =	vadd.f32 v0, v5;
	[tilespmem:s31+$0x1F0] =	vst v61;
	v62 =	vmax.f32 v2, $0.0e+00;
	(pc) =	sbr.rel @p1 .LBB2_3-.Ltmp1, $4  }
0x107: {  	v63 =	vmax.f32 v4, $0.0e+00;
	[tilespmem:s31+$0x270] =	vst v62  }
0x108: {  	s9 =	sadd.s32 $0x6, s28;
	p0 =	por !p0, !p0;
	s0 =	sshra.s32 s0, $0x2;
	v0 =	vmax.f32 v0, $0.0e+00;
	[tilespmem:s31+$0x2F0] =	vst v63  }
0x109: {  	s24 =	sadd.s32 $0x2800, s24;
	s25 =	smov.u32 s26;
	s0 =	sadd.s32 $0x14800, s0;
	[tilespmem:s31+$0x370] =	vst v0  }
0x10a: {  	[spmem:s3] =	stream.indirect.scatter.add.f32 [tilespmem:s30], [sflag:s9], $0x80, s0, s17, $0xb8;
	[tilespmem:$0x1F000] =	vst v63  }
0x10b: {  	_ =	swait.ge [sflag:s19], $0x2800  }
0x10c: {  	[sflag:s19] =	ssyncset.done $0x0  }
0x10d: {  	s22 =	sadd.s32 $0x1, s22;
	[sflag:s19] =	ssyncadd.s32 $0xFFFFD800  }
0x10e: {  	p0 =	sne.s32 s22, $0x5;
	_ =	swait.ge [sflag:s20], $0x2800  }
.Ltmp2:
0x10f: {  	[sflag:s20] =	ssyncset.done $0x0;
	(pc) =	sbr.rel @p0 .LBB2_2-.Ltmp2, $4  }
0x110: {  	[sflag:s20] =	ssyncadd.s32 $0xFFFFD800  }
0x111: {  	_ =	swait.ge [sflag:s21], $0x2800  }
0x112: {  	[sflag:s21] =	ssyncset.done $0x0  }
0x113: {  	[sflag:s21] =	ssyncadd.s32 $0xFFFFD800  }
0x114: {  	[bflag:$0x0] =	sbarrier.arrive $0xFFFF  }
0x115: {  	s0 =	rddreg [dreg:$0x5]  }
0x116: {  	[hbm:s0], [sflag:s10] =	dma.local [spmem:s13], $0x2800  }
0x117: {  	_ =	swait.ge [sflag:s14], $0x2800  }
0x118: {  	s4 =	sadd.s32 $0x1, s4;
	s31 =	rddreg [dreg:$0x6]  }
0x119: {  	p0 =	sne.s32 s4, s31  }
.Ltmp3:
0x11a: {  	_ = 	snop;
	(pc) =	sbr.rel @p0 .LBB2_1-.Ltmp3, $3  }
0x11b: {  	_ =	sdelay $0x1  }
0x11c: {  	[sflag:s14] =	ssyncset.done $0x0  }
0x11d: {  	[sflag:s14] =	ssyncadd.s32 $0xFFFFD800  }
0x11e: {  	_ =	sfence.sel $0x180000  }
0x11f: {  	[bflag:$0x0] =	sbarrier.arrive $0xFFFF  }
0x120: {  	_ =	strace $0x9000004A  }
0x121: {  	[bflag:$0x2] =	sbarrier.arrive $0xFFFF  }
0x122: {  	p0 =	sne.s32 s2, $0x0;
	s0 =	rddreg [dreg:$0x3]  }
0x123: {  	s0 =	sadd.s32 @!p0 $0x100000, s0  }
0x124: {  	[sflag:s0] =	ssyncadd.tile.s32 @!p0 $0x1;
	_ =	shalt  }
.Lfunc_end2:
_tile_overlayer_lowered:
.L_overlay_start_2:
0x125: {  	(tag) =	ssettag $0x2  }
0x126: {  	s0 =	rddreg [dreg:$0x0];
	s2 =	stileid.u32  }
0x127: {  	s1 =	rddreg [dreg:$0x1];
	p0 =	sne.s32 s2, $0x0  }
0x128: {  	s3 =	rddreg [dreg:$0x2];
	[bflag:$0x3] =	sbarrier.arrive $0xFFFF;
	s2 =	simm.s32 @!p0 $0x1C09  }
0x129: {  	[timem:s3], [sflag:s2] =	dma.local @!p0 [hbm:s0], s1  }
0x12a: {  	s0 =	simm.s32 @!p0 $0x9  }
0x12b: {  	_ =	swait.ge @!p0 [sflag:s0], s1  }
0x12c: {  	s1 =	ssub.s32 @!p0 $0x0, s1;
	[sflag:s0] =	ssyncset.done @!p0 $0x0  }
0x12d: {  	[sflag:s0] =	ssyncadd.s32 @!p0 s1  }
0x12e: {  	[bflag:$0x3] =	sbarrier.arrive $0xFFFF  }
0x12f: {  	_ =	shalt  }

// kernel: kernel.8.cloned.1.call-start
scs
__scs_entry_jumppad:
0x0: {  	(pc) =	sbr.rel $0x88, $3  }
0x1: {  	(tag) =	ssettag $0x0;
	lr =	simm.s32 $0x1  }
0x2: {  	[smem:$0x3F8B] =	sst lr;
	_ =	strace $0xD0000000  }
0x3: {  	_ = 	snop  }
0x4: {  	_ = 	snop  }
0x5: {  	_ = 	snop  }
0x6: {  	_ = 	snop  }
0x7: {  	_ = 	snop  }
__scs_overlays_trampoline_lowered:
0x8: {  	[smem:$0x3F9A] =	sst s0  }
0x9: {  	[smem:$0x3F9B] =	sst s1  }
0xa: {  	[smem:$0x3F9C] =	sst s2  }
0xb: {  	[smem:$0x3F9D] =	sst s3  }
0xc: {  	[smem:$0x3F9E] =	sst s4  }
0xd: {  	[smem:$0x3F9F] =	sst s5  }
0xe: {  	[smem:$0x3FA0] =	sst s6  }
0xf: {  	[smem:$0x3FA1] =	sst s7  }
0x10: {  	[smem:$0x3FA2] =	sst s8  }
0x11: {  	[smem:$0x3FA3] =	sst s9;
	s0 =	simm.s32 @!p0 $0x0  }
0x12: {  	s1 =	sld [smem:$0x3F89];
	s0 =	simm.s32 @p0 $0x1  }
0x13: {  	[smem:$0x3FA4] =	sst s0;
	s0 =	simm.s32 @!p1 $0x0  }
0x14: {  	s2 =	sld [smem:$0x3F88];
	s0 =	simm.s32 @p1 $0x1  }
0x15: {  	[smem:$0x3FA5] =	sst s0;
	s0 =	simm.s32 @!p2 $0x0  }
0x16: {  	s3 =	sld [smem:$0x3FDB];
	s0 =	simm.s32 @p2 $0x1  }
0x17: {  	s4 =	simm.s32 $0x1BF5;
	[smem:$0x3FA7] =	sst s0  }
0x18: {  	s0 =	sld [smem:$0x3F8A];
	_ =	swait.ge [sflag:s4], $0x0  }
0x19: {  	s7 =	sld [smem:$0x3F8B]  }
0x1a: {  	s8 =	sadd.s32 $0xFFFFE003, lr  }
0x1b: {  	s9 =	sadd.s32 $0xFFFFFEF7, lr;
	s5 =	simm.s32 $0xFFFFFFFF;
	p2 =	slt.u32 s8, $0xFFFFF086  }
0x1c: {  	p1 =	slt.u32 s9, $0xF7A;
	s5 =	simm.s32 @!p2 $0x0  }
0x1d: {  	s5 =	simm.s32 @p1 $0x1;
	p0 =	seq.s32 s7, s2  }
0x1e: {  	s7 =	smul.u32 @!p0 $0xF7A, s2;
	p2 =	seq.s32 @!p0 s5, $0x0  }
0x1f: {  	s9 =	smul.u32 $0xF7A, s1;
	s8 =	simm.s32 @!p0 $0x1BF5;
	p2 =	por !p2, p0  }
0x20: {  	[sflag:s8] =	ssyncset.s32 @!p0 $0xFFFFF086;
	s6 =	sadd.s32 @!p0 s3, s7;
	s7 =	simm.s32 @!p0 $0x108  }
0x21: {  	s3 =	sadd.s32 s3, s9;
	s6 =	sadd.s32 @!p0 $0x88, s6;
	s7 =	simm.s32 @p2 $0x1082  }
0x22: {  	[simem:s7], [sflag:s8] =	dma.local @!p0 [hbm:s6], $0xF7A  }
0x23: {  	s9 =	sor.u32 $0xD0000000, s2;
	s6 =	simm.s32 $0x108;
	_ =	swait.ge @!p0 [sflag:s8], $0x0  }
0x24: {  	s3 =	sadd.s32 $0x88, s3;
	s6 =	simm.s32 @!p1 $0x1082;
	[sflag:s4] =	ssyncset.s32 $0xFFFFF086  }
0x25: {  	[simem:s6], [sflag:s4] =	dma.local [hbm:s3], $0xF7A  }
0x26: {  	[smem:$0x3F8B] =	sst s1;
	(tag) =	ssettag s2;
	_ =	strace s9  }
0x27: {  	s1 =	sld [smem:$0x3F9B]  }
0x28: {  	s2 =	sld [smem:$0x3F9C]  }
0x29: {  	s4 =	sld [smem:$0x3F9E]  }
0x2a: {  	p0 =	seq.s32 s5, $0x0;
	s5 =	sld [smem:$0x3F9F]  }
0x2b: {  	s6 =	sld [smem:$0x3FA0]  }
0x2c: {  	s7 =	sld [smem:$0x3FA1]  }
0x2d: {  	s3 =	simm.s32 $0x108;
	s8 =	sld [smem:$0x3FA2]  }
0x2e: {  	s3 =	simm.s32 @!p0 $0x1082;
	s9 =	sld [smem:$0x3FA3]  }
0x2f: {  	lr =	sadd.s32 s0, s3;
	s0 =	sld [smem:$0x3F9A]  }
0x30: {  	s3 =	sld [smem:$0x3F9D]  }
0x31: {  	[smem:$0x3FA6] =	sst s10  }
0x32: {  	s10 =	sld [smem:$0x3FA4];
	_ =	sdelay $0x3  }
0x33: {  	p0 =	seq.s32 s10, $0x1;
	s10 =	sld [smem:$0x3FA6];
	_ =	sdelay $0x3  }
0x34: {  	[smem:$0x3FA6] =	sst s10  }
0x35: {  	s10 =	sld [smem:$0x3FA5];
	_ =	sdelay $0x3  }
0x36: {  	p1 =	seq.s32 s10, $0x1;
	s10 =	sld [smem:$0x3FA6];
	_ =	sdelay $0x3  }
0x37: {  	[smem:$0x3FA6] =	sst s10  }
0x38: {  	s10 =	sld [smem:$0x3FA7]  }
0x39: {  	_ = 	snop;
	(pc) =	sbr.ind lr, $3  }
0x3a: {  	_ = 	snop  }
0x3b: {  	_ = 	snop  }
0x3c: {  	p2 =	seq.s32 s10, $0x1;
	s10 =	sld [smem:$0x3FA6]  }
0x3d: {  	_ =	shalt  }
0x3e: {  	_ =	shalt  }
0x3f: {  	_ =	shalt  }
0x40: {  	_ =	shalt  }
0x41: {  	_ =	shalt  }
0x42: {  	_ =	shalt  }
0x43: {  	_ =	shalt  }
0x44: {  	_ =	shalt  }
0x45: {  	_ =	shalt  }
0x46: {  	_ =	shalt  }
0x47: {  	_ =	shalt  }
0x48: {  	_ =	shalt  }
0x49: {  	_ =	shalt  }
0x4a: {  	_ =	shalt  }
0x4b: {  	_ =	shalt  }
0x4c: {  	_ =	shalt  }
0x4d: {  	_ =	shalt  }
0x4e: {  	_ =	shalt  }
0x4f: {  	_ =	shalt  }
0x50: {  	_ =	shalt  }
0x51: {  	_ =	shalt  }
0x52: {  	_ =	shalt  }
0x53: {  	_ =	shalt  }
0x54: {  	_ =	shalt  }
0x55: {  	_ =	shalt  }
0x56: {  	_ =	shalt  }
0x57: {  	_ =	shalt  }
0x58: {  	_ =	shalt  }
0x59: {  	_ =	shalt  }
0x5a: {  	_ =	shalt  }
0x5b: {  	_ =	shalt  }
0x5c: {  	_ =	shalt  }
0x5d: {  	_ =	shalt  }
0x5e: {  	_ =	shalt  }
0x5f: {  	_ =	shalt  }
0x60: {  	_ =	shalt  }
0x61: {  	_ =	shalt  }
0x62: {  	_ =	shalt  }
0x63: {  	_ =	shalt  }
0x64: {  	_ =	shalt  }
0x65: {  	_ =	shalt  }
0x66: {  	_ =	shalt  }
0x67: {  	_ =	shalt  }
0x68: {  	_ =	shalt  }
0x69: {  	_ =	shalt  }
0x6a: {  	_ =	shalt  }
0x6b: {  	_ =	shalt  }
0x6c: {  	_ =	shalt  }
0x6d: {  	_ =	shalt  }
0x6e: {  	_ =	shalt  }
0x6f: {  	_ =	shalt  }
0x70: {  	_ =	shalt  }
0x71: {  	_ =	shalt  }
0x72: {  	_ =	shalt  }
0x73: {  	_ =	shalt  }
0x74: {  	_ =	shalt  }
0x75: {  	_ =	shalt  }
0x76: {  	_ =	shalt  }
0x77: {  	_ =	shalt  }
0x78: {  	_ =	shalt  }
0x79: {  	_ =	shalt  }
0x7a: {  	_ =	shalt  }
0x7b: {  	_ =	shalt  }
0x7c: {  	_ =	shalt  }
0x7d: {  	_ =	shalt  }
0x7e: {  	_ =	shalt  }
0x7f: {  	_ =	shalt  }
0x80: {  	_ =	shalt  }
0x81: {  	_ =	shalt  }
0x82: {  	_ =	shalt  }
0x83: {  	_ =	shalt  }
0x84: {  	_ =	shalt  }
0x85: {  	_ =	shalt  }
0x86: {  	_ =	shalt  }
0x87: {  	_ =	shalt  }
.Lfunc_end0:
.L_simem_size_0:
called_computation_lowered:
.L_overlay_start_0:
0x88: {  	s2 =	sld [smem:$0x3FD9]  }
0x89: {  	s3 =	sld [smem:$0x3FFE];
	_ =	sdelay $0x1  }
0x8a: {  	s1 =	srdreg.scid  }
0x8b: {  	s0 =	sand.u32 $0x1, s1  }
0x8c: {  	s17 =	sshll.u32 s0, $0xA;
	s2 =	sadd.s32 s3, s2  }
0x8d: {  	s2 =	sadd.s32 s2, s17  }
0x8e: {  	[smem:$0x3FB2] =	sst s2  }
0x8f: {  	_ = 	snop  }
0x90: {  	s2 =	sld [smem:$0x3FC9];
	(tm) =	ssettm $0x1  }
0x91: {  	s18 =	sld [smem:$0x3FFB];
	_ =	sdelay $0x3  }
0x92: {  	_ =	strace s18  }
0x93: {  	s3 =	sld [smem:$0x3FFC];
	_ =	sdelay $0x3  }
0x94: {  	_ =	strace s3  }
0x95: {  	s3 =	sld [smem:$0x3FFD];
	_ =	sdelay $0x3  }
0x96: {  	_ =	strace s3  }
0x97: {  	_ =	strace $0x8FFFFFFF  }
0x98: {  	s19 =	sld [smem:$0x3FDB];
	_ =	sdelay $0x1  }
0x99: {  	s4 =	simm.s32 $_scs_section_size  }
0x9a: {  	s5 =	simm.s32 $_size__tile_overlayer_lowered;
	s6 =	simm.s32 $_tile_overlayer_lowered  }
0x9b: {  	s22 =	simm.s32 $0x1BFF;
	s21 =	sshll.u32 s6, $0x1;
	s3 =	sadd.s32 s4, s19  }
0x9c: {  	s7 =	simm.s32 $0x0;
	s20 =	sshll.u32 s5, $0x1;
	s5 =	sadd.s32 s21, s3  }
0x9d: {  	[timem:s7], [sflag:s22] =	dma.local [hbm:s5], s20  }
0x9e: {  	_ =	swait.ge [sflag:s22], s20  }
0x9f: {  	s4 =	ssub.s32 $0x0, s20;
	[sflag:s22] =	ssyncset.done $0x0  }
0xa0: {  	[sflag:s22] =	ssyncadd.s32 s4;
	_ =	sdelay $0x1  }
0xa1: {  	s23 =	simm.s32 $0x1B8B  }
0xa2: {  	_ =	swait.ge [sflag:s23], $0x1  }
0xa3: {  	[sflag:s23] =	ssyncset.done $0x0  }
0xa4: {  	s25 =	simm.s32 $0x1B8E;
	s24 =	sld [smem:$0x3FFE];
	[sflag:s23] =	ssyncadd.s32 $0xFFFFFFFF  }
0xa5: {  	s26 =	simm.s32 $execute0_lowered;
	[smem:$0x3FD2] =	sst s25  }
0xa6: {  	s5 =	sshll.u32 s26, $0x1;
	_ =	strace $0x80000046;
	[dreg:$0x1] =	wrdreg $0xFFFFFFFF  }
0xa7: {  	s28 =	simm.s32 $_size_execute0_lowered;
	s3 =	sadd.s32 s3, s5;
	[dreg:$0x0] =	wrdreg $0x0  }
0xa8: {  	s5 =	sshll.u32 s28, $0x1;
	[dreg:$0x2] =	wrdreg s3  }
0xa9: {  	[dreg:$0x3] =	wrdreg s5  }
0xaa: {  	[dreg:$0x4] =	wrdreg $0xC0  }
0xab: {  	_ =	task [dreg:s7], $0x5FFFF  }
0xac: {  	[dreg:$0x1] =	wrdreg $0xFFFFFFFF  }
0xad: {  	[dreg:$0x0] =	wrdreg $0x60  }
0xae: {  	[dreg:$0x2] =	wrdreg s2  }
0xaf: {  	[dreg:$0x3] =	wrdreg s24  }
0xb0: {  	[dreg:$0x4] =	wrdreg $0x0  }
0xb1: {  	[dreg:$0x5] =	wrdreg $0x9  }
0xb2: {  	_ =	task.clear_ibuf [dreg:s7], $0x6FFFF;
	_ =	strace $0x90000046  }
0xb3: {  	s29 =	simm.s32 $0x9;
	_ =	strace $0x80000048  }
0xb4: {  	_ =	swait.ge [sflag:s29], $0x1  }
0xb5: {  	[sflag:s29] =	ssyncadd.s32 $0xFFFFFFFF  }
0xb6: {  	_ =	strace $0x90000048  }
0xb7: {  	_ =	sfence  }
0xb8: {  	s30 =	sld [smem:$0x0];
	_ =	sdelay $0x2  }
0xb9: {  	s31 =	sshll.u32 s1, $0xD;
	s1 =	sshrl.u32 s1, $0x2  }
0xba: {  	s3 =	sand.u32 $0x4000, s31;
	s1 =	sadd.s32 s1, s30  }
0xbb: {  	s0 =	sor.u32 s3, s0;
	s1 =	sshll.u32 s1, $0x11  }
0xbc: {  	s0 =	sor.u32 s1, s0  }
0xbd: {  	s0 =	sadd.s32 $0x8F2B, s0  }
0xbe: {  	[sflag:s0] =	ssyncadd.remote.s32 $0x1  }
0xbf: {  	_ =	sfence.sel $0xFFFF  }
0xc0: {  	[dreg:$0x0] =	wrdreg $0xFFFFFFFF;
	(pc) =	sbr.abs _section_cstart, $3  }
0xc1: {  	[dreg:$0x1] =	wrdreg $0xFFFFFFFF  }
0xc2: {  	_ =	task.clear_ibuf [dreg:s7], $0x2FFFF;
	_ =	strace $0x9FFFFFFF  }
0xc3: {  	(tm) =	ssettm $0x7FFFFFFF  }
tec
execute0_lowered:
.L_overlay_start_1:
0x0: {  	(tag) =	ssettag $0x1  }
0x1: {  	s1 =	rddreg [dreg:$0x0]  }
0x2: {  	s0 =	rddreg [dreg:$0x1]  }
0x3: {  	s3 =	rddreg [dreg:$0x2];
	s4 =	simm.s32 $0x0  }
0x4: {  	s2 =	stileid.u32;
	s5 =	srdreg.scid;
	s14 =	simm.s32 $0x9  }
0x5: {  	s15 =	simm.s32 $0x14000;
	s16 =	simm.s32 $0x14800;
	s17 =	simm.s32 $0x50  }
0x6: {  	s18 =	simm.s32 $0x1C800;
	s19 =	simm.s32 $0x7;
	s20 =	simm.s32 $0x8  }
0x7: {  	s21 =	simm.s32 $0x6;
	[smem:$0x7FF] =	sst s4;
	s8 =	smul.u32 $0x14000, s2  }
0x8: {  	s9 =	sand.u32 $0x1, s5;
	s5 =	sadd.s32 $0x4F8A00, s0;
	s6 =	sadd.s32 $0xCC00, s0  }
0x9: {  	s7 =	sadd.s32 $0x2E00, s0;
	s12 =	smul.u32 $0x50000, s2;
	s30 =	sshll.u32 s2, $0x6  }
0xa: {  	_ =	strace $0x80000047;
	s10 =	smul.u32 $0x140000, s9;
	s25 =	ssub.s32 $0x2, s9  }
0xb: {  	s11 =	sshrl.u32 s8, $0x3;
	s26 =	sshrl.u32 s25, $0x1;
	s28 =	sshrl.u32 s12, $0x2  }
0xc: {  	s8 =	sadd.s32 s8, s10;
	s11 =	sadd.s32 s11, s0;
	s13 =	ssub.s32 s25, s26  }
0xd: {  	s8 =	sshrl.u32 s8, $0x3;
	s29 =	sadd.s32 $0x769A00, s11;
	s31 =	smax.u32 s13, $0x1  }
0xe: {  	s0 =	sadd.s32 s8, s0;
	s8 =	sshll.u32 s9, $0x4;
	[dreg:$0x4] =	wrdreg s29  }
0xf: {  	s9 =	sadd.s32 s28, s3;
	[dreg:$0x6] =	wrdreg s31;
	s0 =	sadd.s32 $0x791A00, s0  }
0x10: {  	s10 =	sor.u32 $0x1C09, s30;
	s13 =	sshrl.u32 s9, $0x3;
	[dreg:$0x5] =	wrdreg s0  }
.LBB2_1:
0x11: {  	s0 =	rddreg [dreg:$0x4]  }
0x12: {  	[spmem:s13], [sflag:s10] =	dma.local [hbm:s0], $0x2800  }
0x13: {  	_ =	swait.ge [sflag:s14], $0x2800  }
0x14: {  	[sflag:s14] =	ssyncset.done $0x0  }
0x15: {  	[sflag:s14] =	ssyncadd.s32 $0xFFFFD800  }
0x16: {  	s22 =	simm.s32 $0x0;
	[bflag:$0x0] =	sbarrier.arrive $0xFFFF  }
.LBB2_2:
0x17: {  	s0 =	sshll.u32 s22, $0x5  }
0x18: {  	s0 =	sor.u32 s0, s8  }
0x19: {  	s0 =	sor.u32 s2, s0  }
0x1a: {  	s23 =	smul.u32 $0x7D0, s0;
	_ =	sdelay $0x1  }
0x1b: {  	s9 =	sshrl.u32 s23, $0x3  }
0x1c: {  	s25 =	simm.s32 $0x0;
	s24 =	sadd.s32 s6, s9  }
0x1d: {  	[tilespmem:s15], [sflag:$0x9] =	stream.linear.gather [hbm4b:s24+s25], $0x7D0, $0x38;
	[tilespmem:$0x1F000] =	vst v63  }
0x1e: {  	_ =	swait.ge [sflag:s14], $0x7D0  }
0x1f: {  	[sflag:s14] =	ssyncset.done $0x0  }
0x20: {  	s9 =	sadd.s32 s7, s9;
	[sflag:s14] =	ssyncadd.s32 $0xFFFFF830  }
0x21: {  	[tilespmem:s16], [sflag:$0x9] =	stream.linear.gather [hbm4b:s9+s25], $0x7D0, $0x38;
	[tilespmem:$0x1F000] =	vst v63  }
0x22: {  	_ =	swait.ge [sflag:s14], $0x7D0  }
0x23: {  	[sflag:s14] =	ssyncset.done $0x0  }
0x24: {  	s0 =	smul.u32 $0x3E80, s0;
	s24 =	simm.s32 $0x15000;
	[sflag:s14] =	ssyncadd.s32 $0xFFFFF830  }
0x25: {  	[tilespmem:s24], [sflag:$0x1] =	stream.indirect.gather [hbm4b:s1+s17], $0x80, s15, s17, $0xb8;
	[tilespmem:$0x1F000] =	vst v63  }
0x26: {  	p0 =	por $0x0, $0x0;
	s0 =	sadd.s32 s5, s0  }
0x27: {  	[tilespmem:s18], [sflag:$0x4] =	stream.linear.gather [hbm4b:s0+s25], $0x1400, $0x38;
	[tilespmem:$0x1F000] =	vst v63  }
.LBB2_3:
0x28: {  	s0 =	smul.u32 $0xAB, s25;
	_ =	sdelay $0x1  }
0x29: {  	s9 =	sadd.s32 $0xAB, s0  }
0x2a: {  	s9 =	sshrl.u32 s9, $0x9  }
0x2b: {  	s9 =	sand.u32 $0x7F, s9  }
0x2c: {  	s26 =	sadd.s32 $0x1, s25;
	p1 =	seq.s32 s25, $0x18;
	s9 =	smul.u32 $0x3, s9  }
0x2d: {  	p2 =	slt.u32 @!p1 s25, $0x2;
	s30 =	smul.u32 @!p1 $0x50, s26  }
0x2e: {  	s31 =	sand.u32 $0x1, s26;
	s0 =	sshrl.u32 s0, $0x9;
	s9 =	ssub.s32 s26, s9  }
0x2f: {  	p2 =	por p2, p1;
	s12 =	smul.u32 @!p1 $0x5000, s31;
	s9 =	sand.u32 $0xFF, s9  }
0x30: {  	s0 =	sand.u32 $0x7F, s0;
	s28 =	sadd.s32 @!p2 $0x6, s9;
	s29 =	smul.u32 @!p1 $0xA000, s9  }
0x31: {  	s11 =	simm.s32 @!p1 $0x50;
	s0 =	smul.u32 $0x3, s0;
	_ =	swait.ge @!p2 [sflag:s28], $0x2800  }
0x32: {  	s9 =	sadd.s32 @!p1 $0x1, s9;
	[sflag:s28] =	ssyncset.done @!p2 $0x0;
	s29 =	sshrl.u32 @!p1 s29, $0x2  }
0x33: {  	[sflag:s28] =	ssyncadd.s32 @!p2 $0xFFFFD800;
	s28 =	sadd.s32 @!p1 $0x15000, s29;
	s29 =	sadd.s32 @!p1 $0x14000, s30  }
0x34: {  	[tilespmem:s28], [sflag:s9] =	stream.indirect.gather @!p1 [hbm4b:s1+s11], $0x80, s29, s11, $0xb8;
	[tilespmem:$0x1F000] =	vst v63  }
0x35: {  	s0 =	ssub.s32 s25, s0;
	s9 =	sshrl.u32 @!p1 s12, $0x2;
	s11 =	sadd.s32 @!p1 s23, s30  }
0x36: {  	s28 =	sand.u32 $0xFF, s0;
	s0 =	sadd.s32 @!p1 $0x1C800, s9;
	s9 =	sshll.u32 @!p1 s11, $0x3  }
0x37: {  	s12 =	simm.s32 @!p1 $0x0;
	s11 =	sor.u32 @!p1 $0x4, s31;
	s9 =	sadd.s32 @!p1 s5, s9  }
0x38: {  	[tilespmem:s0], [sflag:s11] =	stream.linear.gather @!p1 [hbm4b:s9+s12], $0x1400, $0x38;
	[tilespmem:$0x1F000] =	vst v63  }
0x39: {  	s0 =	simm.s32 $0x1;
	s9 =	sadd.s32 $0x1, s28  }
0x3a: {  	s11 =	smulhi.u32 $0xAAAAAAAB, s25;
	s12 =	sand.u32 $0x1, s25;
	_ =	swait.ge [sflag:s9], $0x2800  }
0x3b: {  	s0 =	simm.s32 @!p0 $0x0;
	s12 =	sor.u32 $0x4, s12;
	[sflag:s9] =	ssyncset.done $0x0  }
0x3c: {  	s0 =	smul.u32 $0x5000, s0;
	s11 =	sshrl.u32 s11, $0x1;
	[sflag:s9] =	ssyncadd.s32 $0xFFFFD800  }
0x3d: {  	s11 =	smul.u32 $0xFFFE2000, s11;
	_ =	swait.ge [sflag:s12], $0x1400  }
0x3e: {  	s0 =	sshrl.u32 s0, $0x2;
	[sflag:s12] =	ssyncset.done $0x0  }
0x3f: {  	s9 =	sadd.s32 $0x1C900, s0;
	s11 =	sshra.s32 s11, $0x2;
	[sflag:s12] =	ssyncadd.s32 $0xFFFFEC00  }
0x40: {  	s29 =	sadd.s32 s11, s24;
	v0 =	vld [tilespmem:s9+$0x80]  }
0x41: {  	v1 =	vld [tilespmem:s29+$0x300]  }
0x42: {  	v2 =	vld [tilespmem:s29+$0x380]  }
0x43: {  	v3 =	vld [tilespmem:s9+$0xFFFFFF80]  }
0x44: {  	v4 =	vld [tilespmem:s9+$0xFFFFFF00]  }
0x45: {  	v6 =	vld [tilespmem:s29+$0x0];
	v5 =	vshll.u32 v0, $0x10  }
0x46: {  	v7 =	vld [tilespmem:s9+$0x0];
	v0 =	vand.u32 $0xFFFF0000, v0;
	v1 =	vadd.f32 v5, v1  }
0x47: {  	v5 =	vld [tilespmem:s29+$0x80];
	v0 =	vadd.f32 v0, v2  }
0x48: {  	v2 =	vld [tilespmem:s29+$0x100];
	v1 =	vmax.f32 v1, $0.0e+00  }
0x49: {  	v8 =	vld [tilespmem:s29+$0x180];
	v0 =	vmax.f32 v0, $0.0e+00;
	[tilespmem:s29+$0x300] =	vst v1  }
0x4a: {  	v9 =	vld [tilespmem:s29+$0x200];
	v1 =	vshll.u32 v4, $0x10;
	[tilespmem:s29+$0x380] =	vst v0  }
0x4b: {  	v4 =	vand.u32 $0xFFFF0000, v4;
	v0 =	vadd.f32 v1, v6;
	v1 =	vld [tilespmem:s9+$0x90]  }
0x4c: {  	v6 =	vld [tilespmem:s29+$0x310];
	v4 =	vadd.f32 v4, v5;
	v5 =	vshll.u32 v3, $0x10  }
0x4d: {  	v3 =	vand.u32 $0xFFFF0000, v3;
	v0 =	vmax.f32 v0, $0.0e+00;
	v2 =	vadd.f32 v5, v2;
	v5 =	vld [tilespmem:s29+$0x390]  }
0x4e: {  	v10 =	vld [tilespmem:s29+$0x90];
	v3 =	vadd.f32 v3, v8;
	[tilespmem:s29+$0x0] =	vst v0;
	v0 =	vmax.f32 v4, $0.0e+00  }
0x4f: {  	v4 =	vld [tilespmem:s29+$0x280];
	[tilespmem:s29+$0x80] =	vst v0;
	v0 =	vshll.u32 v7, $0x10;
	v2 =	vmax.f32 v2, $0.0e+00  }
0x50: {  	v0 =	vadd.f32 v0, v9;
	v9 =	vld [tilespmem:s9+$0xFFFFFF10];
	[tilespmem:s29+$0x100] =	vst v2;
	v2 =	vmax.f32 v3, $0.0e+00;
	v3 =	vshll.u32 v1, $0x10  }
0x51: {  	v8 =	vld [tilespmem:s29+$0x10];
	v1 =	vand.u32 $0xFFFF0000, v1;
	[tilespmem:s29+$0x180] =	vst v2;
	v2 =	vadd.f32 v3, v6  }
0x52: {  	v0 =	vmax.f32 v0, $0.0e+00;
	v3 =	vld [tilespmem:s9+$0xFFFFFF90];
	v1 =	vadd.f32 v1, v5  }
0x53: {  	[tilespmem:s29+$0x200] =	vst v0;
	v0 =	vld [tilespmem:s29+$0x110];
	v2 =	vmax.f32 v2, $0.0e+00  }
0x54: {  	v6 =	vld [tilespmem:s29+$0x190];
	v5 =	vand.u32 $0xFFFF0000, v7;
	[tilespmem:s29+$0x310] =	vst v2;
	v1 =	vmax.f32 v1, $0.0e+00  }
0x55: {  	v2 =	vadd.f32 v5, v4;
	v5 =	vld [tilespmem:s29+$0x210];
	v4 =	vshll.u32 v9, $0x10;
	[tilespmem:s29+$0x390] =	vst v1  }
0x56: {  	v1 =	vand.u32 $0xFFFF0000, v9;
	v4 =	vadd.f32 v4, v8;
	v7 =	vld [tilespmem:s9+$0xA0]  }
0x57: {  	v9 =	vld [tilespmem:s29+$0x320];
	v2 =	vmax.f32 v2, $0.0e+00;
	v1 =	vadd.f32 v1, v10;
	v8 =	vshll.u32 v3, $0x10  }
0x58: {  	[tilespmem:s29+$0x280] =	vst v2;
	v2 =	vand.u32 $0xFFFF0000, v3;
	v3 =	vmax.f32 v4, $0.0e+00;
	v0 =	vadd.f32 v8, v0;
	v4 =	vld [tilespmem:s29+$0x3A0]  }
0x59: {  	v1 =	vmax.f32 v1, $0.0e+00;
	v2 =	vadd.f32 v2, v6;
	[tilespmem:s29+$0x10] =	vst v3;
	v3 =	vld [tilespmem:s9+$0x10]  }
0x5a: {  	v8 =	vld [tilespmem:s29+$0x20];
	[tilespmem:s29+$0x90] =	vst v1;
	v0 =	vmax.f32 v0, $0.0e+00  }
0x5b: {  	v1 =	vld [tilespmem:s29+$0x290];
	[tilespmem:s29+$0x110] =	vst v0;
	v0 =	vmax.f32 v2, $0.0e+00;
	v2 =	vshll.u32 v7, $0x10  }
0x5c: {  	v6 =	vld [tilespmem:s9+$0xFFFFFF20];
	[tilespmem:s29+$0x190] =	vst v0;
	v0 =	vand.u32 $0xFFFF0000, v7;
	v2 =	vadd.f32 v2, v9  }
0x5d: {  	v7 =	vld [tilespmem:s9+$0xFFFFFFA0];
	v0 =	vadd.f32 v0, v4  }
0x5e: {  	v4 =	vld [tilespmem:s29+$0xA0];
	v9 =	vshll.u32 v3, $0x10;
	v2 =	vmax.f32 v2, $0.0e+00  }
0x5f: {  	v10 =	vld [tilespmem:s29+$0x120];
	v3 =	vand.u32 $0xFFFF0000, v3;
	v5 =	vadd.f32 v9, v5;
	[tilespmem:s29+$0x320] =	vst v2;
	v0 =	vmax.f32 v0, $0.0e+00  }
0x60: {  	v1 =	vadd.f32 v3, v1;
	v2 =	vld [tilespmem:s29+$0x1A0];
	[tilespmem:s29+$0x3A0] =	vst v0  }
0x61: {  	v0 =	vshll.u32 v6, $0x10;
	v3 =	vmax.f32 v5, $0.0e+00;
	v5 =	vld [tilespmem:s9+$0xB0]  }
0x62: {  	v6 =	vand.u32 $0xFFFF0000, v6;
	v0 =	vadd.f32 v0, v8;
	v1 =	vmax.f32 v1, $0.0e+00;
	[tilespmem:s29+$0x210] =	vst v3;
	v3 =	vld [tilespmem:s29+$0x330]  }
0x63: {  	v8 =	vshll.u32 v7, $0x10;
	v4 =	vadd.f32 v6, v4;
	[tilespmem:s29+$0x290] =	vst v1;
	v1 =	vld [tilespmem:s29+$0x3B0]  }
0x64: {  	v6 =	vand.u32 $0xFFFF0000, v7;
	v0 =	vmax.f32 v0, $0.0e+00;
	v7 =	vadd.f32 v8, v10;
	v8 =	vld [tilespmem:s9+$0x20]  }
0x65: {  	[tilespmem:s29+$0x20] =	vst v0;
	v0 =	vmax.f32 v4, $0.0e+00;
	v2 =	vadd.f32 v6, v2;
	v4 =	vld [tilespmem:s29+$0x220]  }
0x66: {  	v6 =	vld [tilespmem:s29+$0x2A0];
	[tilespmem:s29+$0xA0] =	vst v0;
	v0 =	vmax.f32 v7, $0.0e+00;
	v7 =	vshll.u32 v5, $0x10  }
0x67: {  	v9 =	vld [tilespmem:s9+$0xFFFFFF30];
	[tilespmem:s29+$0x120] =	vst v0;
	v0 =	vmax.f32 v2, $0.0e+00;
	v2 =	vand.u32 $0xFFFF0000, v5;
	v3 =	vadd.f32 v7, v3  }
0x68: {  	v5 =	vld [tilespmem:s29+$0x30];
	[tilespmem:s29+$0x1A0] =	vst v0;
	v0 =	vadd.f32 v2, v1  }
0x69: {  	v1 =	vld [tilespmem:s9+$0xFFFFFFB0];
	v2 =	vshll.u32 v8, $0x10;
	v3 =	vmax.f32 v3, $0.0e+00  }
0x6a: {  	v7 =	vand.u32 $0xFFFF0000, v8;
	v8 =	vld [tilespmem:s29+$0xB0];
	v2 =	vadd.f32 v2, v4;
	v0 =	vmax.f32 v0, $0.0e+00;
	[tilespmem:s29+$0x330] =	vst v3  }
0x6b: {  	v4 =	vadd.f32 v7, v6;
	v3 =	vld [tilespmem:s29+$0x130];
	[tilespmem:s29+$0x3B0] =	vst v0  }
0x6c: {  	v0 =	vmax.f32 v2, $0.0e+00;
	v2 =	vld [tilespmem:s9+$0xC0]  }
0x6d: {  	v6 =	vshll.u32 v9, $0x10;
	[tilespmem:s29+$0x220] =	vst v0;
	v0 =	vmax.f32 v4, $0.0e+00;
	v4 =	vld [tilespmem:s29+$0x340]  }
0x6e: {  	v7 =	vand.u32 $0xFFFF0000, v9;
	v5 =	vadd.f32 v6, v5;
	[tilespmem:s29+$0x2A0] =	vst v0;
	v0 =	vld [tilespmem:s29+$0x3C0]  }
0x6f: {  	v9 =	vld [tilespmem:s29+$0x1B0];
	v6 =	vadd.f32 v7, v8  }
0x70: {  	v8 =	vshll.u32 v1, $0x10;
	v7 =	vld [tilespmem:s9+$0x30];
	v5 =	vmax.f32 v5, $0.0e+00  }
0x71: {  	[tilespmem:s29+$0x30] =	vst v5;
	v3 =	vadd.f32 v8, v3;
	v5 =	vmax.f32 v6, $0.0e+00;
	v6 =	vld [tilespmem:s29+$0x230];
	v8 =	vshll.u32 v2, $0x10  }
0x72: {  	[tilespmem:s29+$0xB0] =	vst v5;
	v5 =	vld [tilespmem:s29+$0x2B0];
	v2 =	vand.u32 $0xFFFF0000, v2;
	v4 =	vadd.f32 v8, v4  }
0x73: {  	v10 =	vld [tilespmem:s29+$0xC0];
	v3 =	vmax.f32 v3, $0.0e+00;
	v0 =	vadd.f32 v2, v0  }
0x74: {  	v1 =	vand.u32 $0xFFFF0000, v1;
	v8 =	vld [tilespmem:s9+$0xFFFFFF40];
	[tilespmem:s29+$0x130] =	vst v3;
	v3 =	vmax.f32 v4, $0.0e+00  }
0x75: {  	v1 =	vadd.f32 v1, v9;
	v2 =	vld [tilespmem:s29+$0x40];
	v4 =	vshll.u32 v7, $0x10;
	[tilespmem:s29+$0x340] =	vst v3;
	v0 =	vmax.f32 v0, $0.0e+00  }
0x76: {  	v3 =	vand.u32 $0xFFFF0000, v7;
	v7 =	vld [tilespmem:s29+$0x140];
	v4 =	vadd.f32 v4, v6;
	[tilespmem:s29+$0x3C0] =	vst v0  }
0x77: {  	v0 =	vmax.f32 v1, $0.0e+00;
	v1 =	vadd.f32 v3, v5;
	v3 =	vld [tilespmem:s9+$0xD0]  }
0x78: {  	[tilespmem:s29+$0x1B0] =	vst v0;
	v0 =	vmax.f32 v4, $0.0e+00;
	v4 =	vld [tilespmem:s29+$0x350]  }
0x79: {  	v5 =	vshll.u32 v8, $0x10;
	v6 =	vand.u32 $0xFFFF0000, v8;
	v8 =	vld [tilespmem:s29+$0x1C0]  }
0x7a: {  	[tilespmem:s29+$0x230] =	vst v0;
	v0 =	vmax.f32 v1, $0.0e+00;
	v1 =	vld [tilespmem:s29+$0x3D0]  }
0x7b: {  	v2 =	vadd.f32 v5, v2;
	v5 =	vld [tilespmem:s9+$0xFFFFFFC0]  }
0x7c: {  	[tilespmem:s29+$0x2B0] =	vst v0;
	v0 =	vadd.f32 v6, v10;
	v10 =	vld [tilespmem:s29+$0x50]  }
0x7d: {  	v6 =	vld [tilespmem:s9+$0x40];
	v2 =	vmax.f32 v2, $0.0e+00;
	v9 =	vshll.u32 v3, $0x10  }
0x7e: {  	[tilespmem:s29+$0x40] =	vst v2;
	v0 =	vmax.f32 v0, $0.0e+00;
	v2 =	vld [tilespmem:s29+$0x240];
	v3 =	vand.u32 $0xFFFF0000, v3;
	v4 =	vadd.f32 v9, v4  }
0x7f: {  	[tilespmem:s29+$0xC0] =	vst v0;
	v0 =	vld [tilespmem:s29+$0x2C0];
	v1 =	vadd.f32 v3, v1  }
0x80: {  	v3 =	vld [tilespmem:s9+$0xFFFFFF50];
	v9 =	vshll.u32 v5, $0x10;
	v5 =	vand.u32 $0xFFFF0000, v5;
	v4 =	vmax.f32 v4, $0.0e+00  }
0x81: {  	v5 =	vadd.f32 v5, v8;
	v1 =	vmax.f32 v1, $0.0e+00;
	[tilespmem:s29+$0x350] =	vst v4;
	v4 =	vadd.f32 v9, v7;
	v7 =	vld [tilespmem:s29+$0xD0]  }
0x82: {  	[tilespmem:s29+$0x3D0] =	vst v1;
	v1 =	vshll.u32 v6, $0x10;
	v9 =	vld [tilespmem:s29+$0x150]  }
0x83: {  	v6 =	vand.u32 $0xFFFF0000, v6;
	v8 =	vld [tilespmem:s9+$0xE0];
	v1 =	vadd.f32 v1, v2;
	v2 =	vmax.f32 v5, $0.0e+00  }
0x84: {  	v5 =	vld [tilespmem:s29+$0x360];
	v0 =	vadd.f32 v6, v0;
	v4 =	vmax.f32 v4, $0.0e+00;
	[tilespmem:s29+$0x1C0] =	vst v2  }
0x85: {  	[tilespmem:s29+$0x140] =	vst v4;
	v4 =	vld [tilespmem:s29+$0x3E0];
	v1 =	vmax.f32 v1, $0.0e+00  }
0x86: {  	v6 =	vshll.u32 v3, $0x10;
	v0 =	vmax.f32 v0, $0.0e+00;
	v2 =	vld [tilespmem:s9+$0xFFFFFFD0];
	[tilespmem:s29+$0x240] =	vst v1  }
0x87: {  	v1 =	vand.u32 $0xFFFF0000, v3;
	v3 =	vadd.f32 v6, v10;
	v6 =	vld [tilespmem:s29+$0x1D0];
	[tilespmem:s29+$0x2C0] =	vst v0  }
0x88: {  	v0 =	vadd.f32 v1, v7;
	v7 =	vld [tilespmem:s9+$0x50];
	v1 =	vshll.u32 v8, $0x10  }
0x89: {  	v3 =	vmax.f32 v3, $0.0e+00;
	v8 =	vand.u32 $0xFFFF0000, v8;
	v1 =	vadd.f32 v1, v5;
	v5 =	vld [tilespmem:s29+$0x250]  }
0x8a: {  	[tilespmem:s29+$0x50] =	vst v3;
	v0 =	vmax.f32 v0, $0.0e+00;
	v3 =	vadd.f32 v8, v4;
	v4 =	vld [tilespmem:s29+$0x2D0]  }
0x8b: {  	v11 =	vld [tilespmem:s29+$0xF0];
	[tilespmem:s29+$0xD0] =	vst v0;
	v8 =	vshll.u32 v2, $0x10;
	v0 =	vmax.f32 v1, $0.0e+00  }
0x8c: {  	v1 =	vand.u32 $0xFFFF0000, v2;
	v2 =	vadd.f32 v8, v9;
	v8 =	vld [tilespmem:s9+$0xFFFFFF60];
	[tilespmem:s29+$0x360] =	vst v0;
	v0 =	vmax.f32 v3, $0.0e+00  }
0x8d: {  	v1 =	vadd.f32 v1, v6;
	v3 =	vld [tilespmem:s29+$0x60];
	[tilespmem:s29+$0x3E0] =	vst v0;
	v0 =	vshll.u32 v7, $0x10  }
0x8e: {  	v6 =	vand.u32 $0xFFFF0000, v7;
	v7 =	vld [tilespmem:s29+$0x2E0];
	v2 =	vmax.f32 v2, $0.0e+00;
	v0 =	vadd.f32 v0, v5  }
0x8f: {  	v1 =	vmax.f32 v1, $0.0e+00;
	[tilespmem:s29+$0x150] =	vst v2;
	v2 =	vld [tilespmem:s29+$0xE0];
	v4 =	vadd.f32 v6, v4  }
0x90: {  	[tilespmem:s29+$0x1D0] =	vst v1;
	v1 =	vld [tilespmem:s29+$0x160];
	v0 =	vmax.f32 v0, $0.0e+00  }
0x91: {  	v6 =	vld [tilespmem:s9+$0xFFFFFFE0];
	[tilespmem:s29+$0x250] =	vst v0;
	v0 =	vmax.f32 v4, $0.0e+00  }
0x92: {  	v5 =	vshll.u32 v8, $0x10;
	v4 =	vld [tilespmem:s29+$0x1E0];
	[tilespmem:s29+$0x2D0] =	vst v0  }
0x93: {  	v3 =	vadd.f32 v5, v3;
	v0 =	vand.u32 $0xFFFF0000, v8;
	v5 =	vld [tilespmem:s9+$0x60]  }
0x94: {  	v0 =	vadd.f32 v0, v2;
	v2 =	vld [tilespmem:s29+$0x260]  }
0x95: {  	v9 =	vld [tilespmem:s9+$0xF0];
	v3 =	vmax.f32 v3, $0.0e+00  }
0x96: {  	v10 =	vld [tilespmem:s29+$0x3F0];
	[tilespmem:s29+$0x60] =	vst v3;
	v3 =	vshll.u32 v6, $0x10;
	v0 =	vmax.f32 v0, $0.0e+00  }
0x97: {  	v8 =	vld [tilespmem:s29+$0x70];
	[tilespmem:s29+$0xE0] =	vst v0;
	v0 =	vadd.f32 v3, v1;
	v1 =	vand.u32 $0xFFFF0000, v6  }
0x98: {  	v3 =	vadd.f32 v1, v4;
	v4 =	vshll.u32 v5, $0x10;
	v12 =	vld [tilespmem:s9+$0xFFFFFF70]  }
0x99: {  	v1 =	vld [tilespmem:s29+$0x170];
	v5 =	vand.u32 $0xFFFF0000, v5;
	v0 =	vmax.f32 v0, $0.0e+00;
	v2 =	vadd.f32 v4, v2  }
0x9a: {  	v4 =	vadd.f32 v5, v7;
	v5 =	vand.u32 $0xFFFF0000, v9;
	[tilespmem:s29+$0x160] =	vst v0;
	v0 =	vmax.f32 v3, $0.0e+00;
	v3 =	vld [tilespmem:s29+$0x1F0]  }
0x9b: {  	v5 =	vadd.f32 v5, v10;
	[tilespmem:s29+$0x1E0] =	vst v0;
	v0 =	vmax.f32 v2, $0.0e+00;
	v2 =	vld [tilespmem:s29+$0x270]  }
0x9c: {  	s12 =	smul.u32 $0xA000, s28;
	[tilespmem:s29+$0x260] =	vst v0;
	v0 =	vmax.f32 v4, $0.0e+00;
	v6 =	vld [tilespmem:s9+$0xFFFFFFF0]  }
0x9d: {  	v4 =	vld [tilespmem:s29+$0x2F0];
	[tilespmem:s29+$0x2E0] =	vst v0;
	v0 =	vmax.f32 v5, $0.0e+00;
	v5 =	vshll.u32 v12, $0x10;
	v10 =	vand.u32 $0xFFFF0000, v12  }
0x9e: {  	s31 =	smov.u32 s29;
	s0 =	sshrl.u32 s12, $0x2;
	[tilespmem:s29+$0x3F0] =	vst v0;
	v7 =	vld [tilespmem:s9+$0x70];
	v0 =	vshll.u32 v9, $0x10;
	v9 =	vadd.f32 v5, v8;
	v8 =	vadd.f32 v10, v11  }
0x9f: {  	s30 =	sadd.s32 $0x15000, s0;
	s0 =	simm.s32 $0x0;
	v5 =	vld [tilespmem:s29+$0x370];
	s9 =	sadd.s32 $0x200, s9  }
.LBB2_4:
0xa0: {  	v10 =	vld [tilespmem:s9+$0x80];
	v9 =	vmax.f32 v9, $0.0e+00;
	v8 =	vmax.f32 v8, $0.0e+00;
	s29 =	sadd.s32 $0x400, s29  }
0xa1: {  	v11 =	vld [tilespmem:s29+$0x300];
	[tilespmem:s31+$0x70] =	vst v9;
	v9 =	vshll.u32 v6, $0x10;
	v6 =	vand.u32 $0xFFFF0000, v6  }
0xa2: {  	v12 =	vld [tilespmem:s29+$0x380];
	[tilespmem:s31+$0xF0] =	vst v8;
	v1 =	vadd.f32 v9, v1;
	v3 =	vadd.f32 v6, v3  }
0xa3: {  	v6 =	vld [tilespmem:s9+$0xFFFFFF80];
	v8 =	vshll.u32 v7, $0x10;
	v7 =	vand.u32 $0xFFFF0000, v7  }
0xa4: {  	v9 =	vld [tilespmem:s9+$0x0];
	v1 =	vmax.f32 v1, $0.0e+00;
	v2 =	vadd.f32 v8, v2;
	v4 =	vadd.f32 v7, v4  }
0xa5: {  	v0 =	vadd.f32 v0, v5;
	v7 =	vld [tilespmem:s9+$0xFFFFFF00];
	v8 =	vshll.u32 v10, $0x10;
	[tilespmem:s31+$0x170] =	vst v1;
	v1 =	vmax.f32 v3, $0.0e+00  }
0xa6: {  	v5 =	vand.u32 $0xFFFF0000, v10;
	v3 =	vld [tilespmem:s29+$0x0];
	v8 =	vadd.f32 v8, v11;
	[tilespmem:s31+$0x1F0] =	vst v1;
	v1 =	vmax.f32 v2, $0.0e+00  }
0xa7: {  	s0 =	sadd.s32 $0x4, s0;
	v0 =	vmax.f32 v0, $0.0e+00;
	v2 =	vld [tilespmem:s29+$0x80];
	v5 =	vadd.f32 v5, v12;
	[tilespmem:s31+$0x270] =	vst v1;
	v1 =	vmax.f32 v4, $0.0e+00  }
0xa8: {  	p1 =	slt.u32 s0, $0x24;
	v4 =	vshll.u32 v6, $0x10;
	v6 =	vand.u32 $0xFFFF0000, v6;
	v10 =	vld [tilespmem:s29+$0x100];
	v8 =	vmax.f32 v8, $0.0e+00;
	[tilespmem:s31+$0x2F0] =	vst v1  }
0xa9: {  	v1 =	vld [tilespmem:s29+$0x180];
	v11 =	vshll.u32 v9, $0x10;
	v9 =	vand.u32 $0xFFFF0000, v9;
	[tilespmem:s29+$0x300] =	vst v8;
	v5 =	vmax.f32 v5, $0.0e+00  }
0xaa: {  	v8 =	vshll.u32 v7, $0x10;
	v7 =	vand.u32 $0xFFFF0000, v7;
	v12 =	vld [tilespmem:s29+$0x200];
	[tilespmem:s29+$0x380] =	vst v5  }
0xab: {  	v3 =	vadd.f32 v8, v3;
	v5 =	vld [tilespmem:s9+$0x90];
	[tilespmem:s31+$0x370] =	vst v0;
	s31 =	smov.u32 s29  }
0xac: {  	v0 =	vadd.f32 v7, v2;
	v2 =	vld [tilespmem:s29+$0x310]  }
0xad: {  	v3 =	vmax.f32 v3, $0.0e+00;
	v4 =	vadd.f32 v4, v10;
	v7 =	vld [tilespmem:s29+$0x390]  }
0xae: {  	[tilespmem:s29+$0x0] =	vst v3;
	v0 =	vmax.f32 v0, $0.0e+00;
	v1 =	vadd.f32 v6, v1;
	v3 =	vld [tilespmem:s29+$0x280]  }
0xaf: {  	[tilespmem:s29+$0x80] =	vst v0;
	v0 =	vld [tilespmem:s29+$0x10];
	v4 =	vmax.f32 v4, $0.0e+00;
	v6 =	vadd.f32 v11, v12  }
0xb0: {  	v8 =	vld [tilespmem:s9+$0xFFFFFF10];
	[tilespmem:s29+$0x100] =	vst v4;
	v1 =	vmax.f32 v1, $0.0e+00;
	v4 =	vshll.u32 v5, $0x10  }
0xb1: {  	v5 =	vand.u32 $0xFFFF0000, v5;
	v10 =	vld [tilespmem:s29+$0x90];
	[tilespmem:s29+$0x180] =	vst v1;
	v1 =	vmax.f32 v6, $0.0e+00;
	v2 =	vadd.f32 v4, v2  }
0xb2: {  	v4 =	vld [tilespmem:s9+$0xFFFFFF90];
	[tilespmem:s29+$0x200] =	vst v1;
	v1 =	vadd.f32 v5, v7  }
0xb3: {  	v5 =	vld [tilespmem:s29+$0x110];
	v3 =	vadd.f32 v9, v3;
	v2 =	vmax.f32 v2, $0.0e+00  }
0xb4: {  	v6 =	vld [tilespmem:s29+$0x190];
	[tilespmem:s29+$0x310] =	vst v2;
	v1 =	vmax.f32 v1, $0.0e+00  }
0xb5: {  	v2 =	vshll.u32 v8, $0x10;
	v7 =	vand.u32 $0xFFFF0000, v8;
	v3 =	vmax.f32 v3, $0.0e+00;
	v8 =	vld [tilespmem:s29+$0x210];
	[tilespmem:s29+$0x390] =	vst v1  }
0xb6: {  	v0 =	vadd.f32 v2, v0;
	v1 =	vadd.f32 v7, v10;
	[tilespmem:s29+$0x280] =	vst v3;
	v2 =	vld [tilespmem:s9+$0xA0]  }
0xb7: {  	v3 =	vshll.u32 v4, $0x10;
	v4 =	vand.u32 $0xFFFF0000, v4;
	v7 =	vld [tilespmem:s29+$0x320]  }
0xb8: {  	v0 =	vmax.f32 v0, $0.0e+00;
	v1 =	vmax.f32 v1, $0.0e+00;
	v3 =	vadd.f32 v3, v5;
	v5 =	vld [tilespmem:s29+$0x3A0]  }
0xb9: {  	[tilespmem:s29+$0x10] =	vst v0;
	v0 =	vadd.f32 v4, v6;
	v4 =	vld [tilespmem:s9+$0x10]  }
0xba: {  	[tilespmem:s29+$0x90] =	vst v1;
	v1 =	vmax.f32 v3, $0.0e+00;
	v3 =	vld [tilespmem:s29+$0x290]  }
0xbb: {  	v6 =	vld [tilespmem:s9+$0xFFFFFF20];
	[tilespmem:s29+$0x110] =	vst v1;
	v0 =	vmax.f32 v0, $0.0e+00;
	v1 =	vshll.u32 v2, $0x10  }
0xbc: {  	v9 =	vld [tilespmem:s29+$0x20];
	[tilespmem:s29+$0x190] =	vst v0;
	v0 =	vand.u32 $0xFFFF0000, v2;
	v1 =	vadd.f32 v1, v7  }
0xbd: {  	v2 =	vld [tilespmem:s9+$0xFFFFFFA0];
	v0 =	vadd.f32 v0, v5  }
0xbe: {  	v5 =	vld [tilespmem:s29+$0xA0];
	v7 =	vshll.u32 v4, $0x10;
	v4 =	vand.u32 $0xFFFF0000, v4;
	v1 =	vmax.f32 v1, $0.0e+00  }
0xbf: {  	v10 =	vld [tilespmem:s29+$0x120];
	v7 =	vadd.f32 v7, v8;
	v3 =	vadd.f32 v4, v3;
	[tilespmem:s29+$0x320] =	vst v1;
	v0 =	vmax.f32 v0, $0.0e+00  }
0xc0: {  	v1 =	vshll.u32 v6, $0x10;
	v4 =	vand.u32 $0xFFFF0000, v6;
	v6 =	vld [tilespmem:s29+$0x1A0];
	[tilespmem:s29+$0x3A0] =	vst v0  }
0xc1: {  	v0 =	vadd.f32 v1, v9;
	v1 =	vmax.f32 v7, $0.0e+00;
	v3 =	vmax.f32 v3, $0.0e+00;
	v7 =	vld [tilespmem:s9+$0xB0]  }
0xc2: {  	v8 =	vshll.u32 v2, $0x10;
	v2 =	vand.u32 $0xFFFF0000, v2;
	[tilespmem:s29+$0x210] =	vst v1;
	v1 =	vld [tilespmem:s29+$0x330]  }
0xc3: {  	v0 =	vmax.f32 v0, $0.0e+00;
	v4 =	vadd.f32 v4, v5;
	[tilespmem:s29+$0x290] =	vst v3;
	v3 =	vld [tilespmem:s29+$0x3B0]  }
0xc4: {  	[tilespmem:s29+$0x20] =	vst v0;
	v0 =	vadd.f32 v8, v10;
	v5 =	vld [tilespmem:s9+$0x20]  }
0xc5: {  	v4 =	vmax.f32 v4, $0.0e+00;
	v2 =	vadd.f32 v2, v6;
	v6 =	vld [tilespmem:s29+$0x220]  }
0xc6: {  	[tilespmem:s29+$0xA0] =	vst v4;
	v0 =	vmax.f32 v0, $0.0e+00;
	v4 =	vld [tilespmem:s29+$0x2A0];
	v8 =	vshll.u32 v7, $0x10  }
0xc7: {  	v9 =	vld [tilespmem:s9+$0xFFFFFF30];
	[tilespmem:s29+$0x120] =	vst v0;
	v0 =	vmax.f32 v2, $0.0e+00;
	v2 =	vand.u32 $0xFFFF0000, v7;
	v1 =	vadd.f32 v8, v1  }
0xc8: {  	v7 =	vld [tilespmem:s29+$0x30];
	[tilespmem:s29+$0x1A0] =	vst v0;
	v0 =	vadd.f32 v2, v3  }
0xc9: {  	v2 =	vld [tilespmem:s9+$0xFFFFFFB0];
	v3 =	vshll.u32 v5, $0x10;
	v5 =	vand.u32 $0xFFFF0000, v5;
	v1 =	vmax.f32 v1, $0.0e+00  }
0xca: {  	v8 =	vld [tilespmem:s29+$0xB0];
	v3 =	vadd.f32 v3, v6;
	[tilespmem:s29+$0x330] =	vst v1;
	v0 =	vmax.f32 v0, $0.0e+00  }
0xcb: {  	v1 =	vld [tilespmem:s29+$0x130];
	v4 =	vadd.f32 v5, v4;
	[tilespmem:s29+$0x3B0] =	vst v0  }
0xcc: {  	v0 =	vshll.u32 v9, $0x10;
	v5 =	vand.u32 $0xFFFF0000, v9;
	v3 =	vmax.f32 v3, $0.0e+00;
	v6 =	vld [tilespmem:s9+$0xC0]  }
0xcd: {  	v0 =	vadd.f32 v0, v7;
	[tilespmem:s29+$0x220] =	vst v3;
	v3 =	vmax.f32 v4, $0.0e+00;
	v4 =	vld [tilespmem:s29+$0x340]  }
0xce: {  	v7 =	vshll.u32 v2, $0x10;
	v2 =	vand.u32 $0xFFFF0000, v2;
	[tilespmem:s29+$0x2A0] =	vst v3;
	v3 =	vld [tilespmem:s29+$0x3C0]  }
0xcf: {  	v0 =	vmax.f32 v0, $0.0e+00;
	v5 =	vadd.f32 v5, v8;
	v8 =	vld [tilespmem:s9+$0x30]  }
0xd0: {  	[tilespmem:s29+$0x30] =	vst v0;
	v0 =	vadd.f32 v7, v1;
	v1 =	vld [tilespmem:s29+$0x1B0]  }
0xd1: {  	v5 =	vmax.f32 v5, $0.0e+00;
	v7 =	vld [tilespmem:s29+$0x230];
	v9 =	vshll.u32 v6, $0x10  }
0xd2: {  	v6 =	vand.u32 $0xFFFF0000, v6;
	[tilespmem:s29+$0xB0] =	vst v5;
	v0 =	vmax.f32 v0, $0.0e+00;
	v5 =	vld [tilespmem:s29+$0x2B0];
	v4 =	vadd.f32 v9, v4  }
0xd3: {  	v9 =	vld [tilespmem:s9+$0xFFFFFF40];
	[tilespmem:s29+$0x130] =	vst v0;
	v0 =	vadd.f32 v6, v3  }
0xd4: {  	v3 =	vld [tilespmem:s29+$0x40];
	v6 =	vshll.u32 v8, $0x10;
	v8 =	vand.u32 $0xFFFF0000, v8;
	v4 =	vmax.f32 v4, $0.0e+00  }
0xd5: {  	v10 =	vld [tilespmem:s29+$0xC0];
	v1 =	vadd.f32 v2, v1;
	[tilespmem:s29+$0x340] =	vst v4;
	v0 =	vmax.f32 v0, $0.0e+00  }
0xd6: {  	v2 =	vld [tilespmem:s29+$0x140];
	v4 =	vadd.f32 v6, v7;
	[tilespmem:s29+$0x3C0] =	vst v0  }
0xd7: {  	v0 =	vmax.f32 v1, $0.0e+00;
	v1 =	vadd.f32 v8, v5;
	v5 =	vld [tilespmem:s9+$0xD0]  }
0xd8: {  	v6 =	vshll.u32 v9, $0x10;
	v7 =	vand.u32 $0xFFFF0000, v9;
	[tilespmem:s29+$0x1B0] =	vst v0;
	v0 =	vmax.f32 v4, $0.0e+00;
	v4 =	vld [tilespmem:s29+$0x350]  }
0xd9: {  	v3 =	vadd.f32 v6, v3;
	[tilespmem:s29+$0x230] =	vst v0;
	v0 =	vmax.f32 v1, $0.0e+00;
	v1 =	vld [tilespmem:s29+$0x3D0]  }
0xda: {  	v6 =	vadd.f32 v7, v10;
	v7 =	vld [tilespmem:s9+$0xFFFFFFC0];
	[tilespmem:s29+$0x2B0] =	vst v0  }
0xdb: {  	v0 =	vmax.f32 v3, $0.0e+00;
	v3 =	vld [tilespmem:s9+$0x40]  }
0xdc: {  	[tilespmem:s29+$0x40] =	vst v0;
	v0 =	vmax.f32 v6, $0.0e+00;
	v6 =	vld [tilespmem:s29+$0x1C0];
	v8 =	vshll.u32 v5, $0x10  }
0xdd: {  	v5 =	vand.u32 $0xFFFF0000, v5;
	[tilespmem:s29+$0xC0] =	vst v0;
	v0 =	vld [tilespmem:s29+$0x240];
	v4 =	vadd.f32 v8, v4  }
0xde: {  	v8 =	vld [tilespmem:s29+$0x2C0];
	v1 =	vadd.f32 v5, v1  }
0xdf: {  	v5 =	vld [tilespmem:s9+$0xFFFFFF50];
	v9 =	vshll.u32 v7, $0x10;
	v7 =	vand.u32 $0xFFFF0000, v7;
	v4 =	vmax.f32 v4, $0.0e+00  }
0xe0: {  	v10 =	vld [tilespmem:s29+$0x50];
	v11 =	vshll.u32 v3, $0x10;
	v3 =	vand.u32 $0xFFFF0000, v3;
	[tilespmem:s29+$0x350] =	vst v4;
	v1 =	vmax.f32 v1, $0.0e+00  }
0xe1: {  	v2 =	vadd.f32 v9, v2;
	v4 =	vld [tilespmem:s29+$0xD0];
	v6 =	vadd.f32 v7, v6;
	[tilespmem:s29+$0x3D0] =	vst v1  }
0xe2: {  	v0 =	vadd.f32 v11, v0;
	v1 =	vld [tilespmem:s9+$0xE0]  }
0xe3: {  	v2 =	vmax.f32 v2, $0.0e+00;
	v6 =	vmax.f32 v6, $0.0e+00;
	v3 =	vadd.f32 v3, v8;
	v7 =	vld [tilespmem:s29+$0x360]  }
0xe4: {  	v8 =	vshll.u32 v5, $0x10;
	v5 =	vand.u32 $0xFFFF0000, v5;
	[tilespmem:s29+$0x140] =	vst v2;
	v0 =	vmax.f32 v0, $0.0e+00;
	v2 =	vld [tilespmem:s29+$0x3E0]  }
0xe5: {  	v8 =	vadd.f32 v8, v10;
	[tilespmem:s29+$0x1C0] =	vst v6;
	v6 =	vld [tilespmem:s29+$0x150];
	v3 =	vmax.f32 v3, $0.0e+00  }
0xe6: {  	v4 =	vadd.f32 v5, v4;
	v5 =	vld [tilespmem:s9+$0xFFFFFFD0];
	[tilespmem:s29+$0x240] =	vst v0  }
0xe7: {  	v0 =	vmax.f32 v8, $0.0e+00;
	v8 =	vld [tilespmem:s29+$0x1D0];
	[tilespmem:s29+$0x2C0] =	vst v3;
	v3 =	vshll.u32 v1, $0x10  }
0xe8: {  	v1 =	vand.u32 $0xFFFF0000, v1;
	[tilespmem:s29+$0x50] =	vst v0;
	v0 =	vmax.f32 v4, $0.0e+00;
	v4 =	vld [tilespmem:s9+$0x50];
	v3 =	vadd.f32 v3, v7  }
0xe9: {  	[tilespmem:s29+$0xD0] =	vst v0;
	v0 =	vld [tilespmem:s29+$0x250];
	v1 =	vadd.f32 v1, v2  }
0xea: {  	v2 =	vld [tilespmem:s29+$0x2D0];
	v3 =	vmax.f32 v3, $0.0e+00  }
0xeb: {  	v7 =	vld [tilespmem:s9+$0xFFFFFF60];
	v9 =	vshll.u32 v5, $0x10;
	v5 =	vand.u32 $0xFFFF0000, v5;
	[tilespmem:s29+$0x360] =	vst v3;
	v1 =	vmax.f32 v1, $0.0e+00  }
0xec: {  	v3 =	vld [tilespmem:s29+$0x60];
	v6 =	vadd.f32 v9, v6;
	v5 =	vadd.f32 v5, v8;
	[tilespmem:s29+$0x3E0] =	vst v1  }
0xed: {  	v1 =	vshll.u32 v4, $0x10;
	v4 =	vand.u32 $0xFFFF0000, v4;
	v8 =	vld [tilespmem:s9+$0xF0]  }
0xee: {  	v6 =	vmax.f32 v6, $0.0e+00;
	v5 =	vmax.f32 v5, $0.0e+00;
	v0 =	vadd.f32 v1, v0;
	v1 =	vld [tilespmem:s29+$0x3F0]  }
0xef: {  	v9 =	vld [tilespmem:s29+$0xE0];
	[tilespmem:s29+$0x150] =	vst v6;
	v2 =	vadd.f32 v4, v2  }
0xf0: {  	v4 =	vshll.u32 v7, $0x10;
	v6 =	vand.u32 $0xFFFF0000, v7;
	[tilespmem:s29+$0x1D0] =	vst v5;
	v5 =	vld [tilespmem:s29+$0x160];
	v0 =	vmax.f32 v0, $0.0e+00  }
0xf1: {  	v3 =	vadd.f32 v4, v3;
	v4 =	vld [tilespmem:s9+$0xFFFFFFE0];
	[tilespmem:s29+$0x250] =	vst v0;
	v0 =	vmax.f32 v2, $0.0e+00  }
0xf2: {  	v2 =	vld [tilespmem:s29+$0x1E0];
	[tilespmem:s29+$0x2D0] =	vst v0;
	v0 =	vshll.u32 v8, $0x10;
	v7 =	vand.u32 $0xFFFF0000, v8  }
0xf3: {  	v3 =	vmax.f32 v3, $0.0e+00;
	v8 =	vld [tilespmem:s9+$0x60];
	v1 =	vadd.f32 v7, v1  }
0xf4: {  	[tilespmem:s29+$0x60] =	vst v3;
	v3 =	vadd.f32 v6, v9;
	v6 =	vld [tilespmem:s29+$0x260]  }
0xf5: {  	v7 =	vld [tilespmem:s29+$0x2E0];
	v1 =	vmax.f32 v1, $0.0e+00  }
0xf6: {  	v3 =	vmax.f32 v3, $0.0e+00;
	v9 =	vld [tilespmem:s29+$0x70];
	v10 =	vshll.u32 v4, $0x10;
	v4 =	vand.u32 $0xFFFF0000, v4;
	[tilespmem:s29+$0x3F0] =	vst v1  }
0xf7: {  	[tilespmem:s29+$0xE0] =	vst v3;
	v11 =	vld [tilespmem:s29+$0xF0];
	v1 =	vadd.f32 v10, v5;
	v2 =	vadd.f32 v4, v2  }
0xf8: {  	v4 =	vld [tilespmem:s9+$0xFFFFFF70];
	v3 =	vshll.u32 v8, $0x10;
	v5 =	vand.u32 $0xFFFF0000, v8  }
0xf9: {  	v8 =	vmax.f32 v1, $0.0e+00;
	v2 =	vmax.f32 v2, $0.0e+00;
	v1 =	vld [tilespmem:s29+$0x170];
	v6 =	vadd.f32 v3, v6  }
0xfa: {  	[tilespmem:s29+$0x160] =	vst v8;
	v3 =	vld [tilespmem:s29+$0x1F0];
	v5 =	vadd.f32 v5, v7  }
.Ltmp0:
0xfb: {  	[tilespmem:s29+$0x1E0] =	vst v2;
	v7 =	vmax.f32 v6, $0.0e+00;
	v2 =	vld [tilespmem:s29+$0x270];
	(pc) =	sbr.rel @p1 .LBB2_4-.Ltmp0, $4  }
0xfc: {  	v6 =	vld [tilespmem:s9+$0xFFFFFFF0];
	[tilespmem:s29+$0x260] =	vst v7;
	v5 =	vmax.f32 v5, $0.0e+00  }
0xfd: {  	v7 =	vshll.u32 v4, $0x10;
	v8 =	vand.u32 $0xFFFF0000, v4;
	[tilespmem:s29+$0x2E0] =	vst v5;
	v4 =	vld [tilespmem:s29+$0x2F0]  }
0xfe: {  	v9 =	vadd.f32 v7, v9;
	v8 =	vadd.f32 v8, v11;
	v7 =	vld [tilespmem:s9+$0x70]  }
0xff: {  	s9 =	sadd.s32 $0x200, s9;
	v5 =	vld [tilespmem:s29+$0x370]  }
0x100: {  	_ = 	snop  }
0x101: {  	v10 =	vshll.u32 v6, $0x10  }
0x102: {  	v9 =	vmax.f32 v9, $0.0e+00;
	v58 =	vand.u32 $0xFFFF0000, v6;
	v1 =	vadd.f32 v10, v1  }
0x103: {  	v8 =	vmax.f32 v8, $0.0e+00;
	[tilespmem:s31+$0x70] =	vst v9;
	v3 =	vadd.f32 v58, v3;
	v59 =	vshll.u32 v7, $0x10  }
0x104: {  	[tilespmem:s31+$0xF0] =	vst v8;
	v60 =	vand.u32 $0xFFFF0000, v7;
	v1 =	vmax.f32 v1, $0.0e+00;
	v2 =	vadd.f32 v59, v2  }
0x105: {  	s0 =	smul.u32 $0x140, s25;
	p1 =	sne.s32 s26, $0x19;
	v4 =	vadd.f32 v60, v4;
	v61 =	vmax.f32 v3, $0.0e+00;
	[tilespmem:s31+$0x170] =	vst v1  }
.Ltmp1:
0x106: {  	v0 =	vadd.f32 v0, v5;
	[tilespmem:s31+$0x1F0] =	vst v61;
	v62 =	vmax.f32 v2, $0.0e+00;
	(pc) =	sbr.rel @p1 .LBB2_3-.Ltmp1, $4  }
0x107: {  	v63 =	vmax.f32 v4, $0.0e+00;
	[tilespmem:s31+$0x270] =	vst v62  }
0x108: {  	s9 =	sadd.s32 $0x6, s28;
	p0 =	por !p0, !p0;
	s0 =	sshra.s32 s0, $0x2;
	v0 =	vmax.f32 v0, $0.0e+00;
	[tilespmem:s31+$0x2F0] =	vst v63  }
0x109: {  	s24 =	sadd.s32 $0x2800, s24;
	s25 =	smov.u32 s26;
	s0 =	sadd.s32 $0x14800, s0;
	[tilespmem:s31+$0x370] =	vst v0  }
0x10a: {  	[spmem:s3] =	stream.indirect.scatter.add.f32 [tilespmem:s30], [sflag:s9], $0x80, s0, s17, $0xb8;
	[tilespmem:$0x1F000] =	vst v63  }
0x10b: {  	_ =	swait.ge [sflag:s19], $0x2800  }
0x10c: {  	[sflag:s19] =	ssyncset.done $0x0  }
0x10d: {  	s22 =	sadd.s32 $0x1, s22;
	[sflag:s19] =	ssyncadd.s32 $0xFFFFD800  }
0x10e: {  	p0 =	sne.s32 s22, $0x5;
	_ =	swait.ge [sflag:s20], $0x2800  }
.Ltmp2:
0x10f: {  	[sflag:s20] =	ssyncset.done $0x0;
	(pc) =	sbr.rel @p0 .LBB2_2-.Ltmp2, $4  }
0x110: {  	[sflag:s20] =	ssyncadd.s32 $0xFFFFD800  }
0x111: {  	_ =	swait.ge [sflag:s21], $0x2800  }
0x112: {  	[sflag:s21] =	ssyncset.done $0x0  }
0x113: {  	[sflag:s21] =	ssyncadd.s32 $0xFFFFD800  }
0x114: {  	[bflag:$0x0] =	sbarrier.arrive $0xFFFF  }
0x115: {  	s0 =	rddreg [dreg:$0x5]  }
0x116: {  	[hbm:s0], [sflag:s10] =	dma.local [spmem:s13], $0x2800  }
0x117: {  	_ =	swait.ge [sflag:s14], $0x2800  }
0x118: {  	s4 =	sadd.s32 $0x1, s4;
	s31 =	rddreg [dreg:$0x6]  }
0x119: {  	p0 =	sne.s32 s4, s31  }
.Ltmp3:
0x11a: {  	_ = 	snop;
	(pc) =	sbr.rel @p0 .LBB2_1-.Ltmp3, $3  }
0x11b: {  	_ =	sdelay $0x1  }
0x11c: {  	[sflag:s14] =	ssyncset.done $0x0  }
0x11d: {  	[sflag:s14] =	ssyncadd.s32 $0xFFFFD800  }
0x11e: {  	_ =	sfence.sel $0x180000  }
0x11f: {  	[bflag:$0x0] =	sbarrier.arrive $0xFFFF  }
0x120: {  	_ =	strace $0x90000047  }
0x121: {  	[bflag:$0x2] =	sbarrier.arrive $0xFFFF  }
0x122: {  	p0 =	sne.s32 s2, $0x0;
	s0 =	rddreg [dreg:$0x3]  }
0x123: {  	s0 =	sadd.s32 @!p0 $0x100000, s0  }
0x124: {  	[sflag:s0] =	ssyncadd.tile.s32 @!p0 $0x1;
	_ =	shalt  }
.Lfunc_end2:
_tile_overlayer_lowered:
.L_overlay_start_2:
0x125: {  	(tag) =	ssettag $0x2  }
0x126: {  	s0 =	rddreg [dreg:$0x0];
	s2 =	stileid.u32  }
0x127: {  	s1 =	rddreg [dreg:$0x1];
	p0 =	sne.s32 s2, $0x0  }
0x128: {  	s3 =	rddreg [dreg:$0x2];
	[bflag:$0x3] =	sbarrier.arrive $0xFFFF;
	s2 =	simm.s32 @!p0 $0x1C09  }
0x129: {  	[timem:s3], [sflag:s2] =	dma.local @!p0 [hbm:s0], s1  }
0x12a: {  	s0 =	simm.s32 @!p0 $0x9  }
0x12b: {  	_ =	swait.ge @!p0 [sflag:s0], s1  }
0x12c: {  	s1 =	ssub.s32 @!p0 $0x0, s1;
	[sflag:s0] =	ssyncset.done @!p0 $0x0  }
0x12d: {  	[sflag:s0] =	ssyncadd.s32 @!p0 s1  }
0x12e: {  	[bflag:$0x3] =	sbarrier.arrive $0xFFFF  }
0x12f: {  	_ =	shalt  }

</sc_bundles>
